<compile_context>
chip_gen: v7x
topology: tpu7x:2x2x1
jax: 0.10.2.dev20260603
libtpu: 0.0.44.dev20260713+nightly
codegen_flags: <defaults>
</compile_context>

<pallas_src>
import functools

import jax
import jax.numpy as jnp
import numpy as np
from jax import lax
from jax.experimental import pallas as pl
from jax.experimental.pallas import tpu as pltpu
from jax.experimental.pallas import tpu_sc as plsc


def _sc_gather(xflat, pattern, linear_table, dnn_table, F, V, D):
    N = xflat.shape[0]
    info = plsc.get_sparse_core_info()
    NC, NS = info.num_cores, info.num_subcores
    NW = NC * NS
    PAT = pattern.shape[0]
    per_w = N // NW
    assert N % NW == 0 and per_w % PAT == 0
    GCH = 128
    SUB = F * GCH
    n_sub = per_w // SUB
    assert per_w % SUB == 0

    mesh = plsc.VectorSubcoreMesh(core_axis_name="c", subcore_axis_name="s")

    @functools.partial(
        pl.kernel,
        out_type=(
            jax.ShapeDtypeStruct((N, D), jnp.float32),
            jax.ShapeDtypeStruct((N,), jnp.float32),
        ),
        mesh=mesh,
        compiler_params=pltpu.CompilerParams(use_tc_tiling_on_sc=False),
        scratch_types=[
            pltpu.VMEM((per_w,), jnp.int32),
            pltpu.VMEM((per_w,), jnp.int32),
            pltpu.VMEM((SUB, D), jnp.float32),
            pltpu.VMEM((SUB,), jnp.float32),
            pltpu.VMEM((PAT,), jnp.int32),
            pltpu.SemaphoreType.DMA,
            pltpu.SemaphoreType.DMA,
        ],
    )
    def gather_k(x_hbm, pat_hbm, lt_hbm, dt_hbm, emb_out, lin_out,
                 x_v, idx_v, rows_v, lin_v, pat_v, sem_r, sem_l):
        wid = lax.axis_index("s") * NC + lax.axis_index("c")
        base = wid * per_w
        pltpu.sync_copy(x_hbm.at[pl.ds(base, per_w)], x_v)
        pltpu.sync_copy(pat_hbm, pat_v)

        n_groups = per_w // PAT
        chunks_per_group = PAT // 16

        def grp(g, carry):
            goff = pl.multiple_of(g * PAT, PAT)
            for t in range(chunks_per_group):
                o = goff + t * 16
                idx_v[pl.ds(o, 16)] = x_v[pl.ds(o, 16)] + pat_v[pl.ds(t * 16, 16)]
            return carry

        lax.fori_loop(0, n_groups, grp, 0)

        def step(s, carry):
            ib = pl.multiple_of(s * SUB, SUB)
            copies = []
            for j in range(F):
                o = ib + j * GCH
                copies.append(pltpu.async_copy(
                    dt_hbm.at[idx_v.at[pl.ds(o, GCH)]],
                    rows_v.at[pl.ds(j * GCH, GCH)], sem_r))
                copies.append(pltpu.async_copy(
                    lt_hbm.at[idx_v.at[pl.ds(o, GCH)]],
                    lin_v.at[pl.ds(j * GCH, GCH)], sem_l))
            for c in copies:
                c.wait()
            pltpu.sync_copy(rows_v, emb_out.at[pl.ds(base + ib, SUB)])
            pltpu.sync_copy(lin_v, lin_out.at[pl.ds(base + ib, SUB)])
            return carry

        lax.fori_loop(0, n_sub, step, 0)

    return gather_k(xflat, pattern, linear_table, dnn_table)


def _tc_mlp(embA, embB, lin, W1a, W1b, b1, W2, b2, W3, b3):
    B, FDH = embA.shape
    F = lin.shape[1]
    BT = 2048
    assert B % BT == 0

    def mlp_k(embA_ref, embB_ref, lin_ref, W1a_ref, W1b_ref, b1_ref,
              W2_ref, b2_ref, W3_ref, b3_ref, out_ref):
        h = jnp.dot(embA_ref[:], W1a_ref[:],
                    preferred_element_type=jnp.float32)
        h = h + jnp.dot(embB_ref[:], W1b_ref[:],
                        preferred_element_type=jnp.float32)
        h = jnp.maximum(h + b1_ref[:], 0.0)
        h = jnp.dot(h, W2_ref[:], preferred_element_type=jnp.float32)
        h = jnp.maximum(h + b2_ref[:], 0.0)
        logit = jnp.dot(h, W3_ref[:], preferred_element_type=jnp.float32)
        logit = logit + b3_ref[:]
        logit = logit + jnp.sum(lin_ref[:], axis=1, keepdims=True)
        out_ref[:] = jax.nn.sigmoid(logit)

    grid = (B // BT,)
    return pl.pallas_call(
        mlp_k,
        grid=grid,
        in_specs=[
            pl.BlockSpec((BT, FDH), lambda i: (i, 0)),
            pl.BlockSpec((BT, FDH), lambda i: (i, 0)),
            pl.BlockSpec((BT, F), lambda i: (i, 0)),
            pl.BlockSpec(W1a.shape, lambda i: (0, 0)),
            pl.BlockSpec(W1b.shape, lambda i: (0, 0)),
            pl.BlockSpec(b1.shape, lambda i: (0, 0)),
            pl.BlockSpec(W2.shape, lambda i: (0, 0)),
            pl.BlockSpec(b2.shape, lambda i: (0, 0)),
            pl.BlockSpec(W3.shape, lambda i: (0, 0)),
            pl.BlockSpec(b3.shape, lambda i: (0, 0)),
        ],
        out_specs=pl.BlockSpec((BT, 1), lambda i: (i, 0)),
        out_shape=jax.ShapeDtypeStruct((B, 1), jnp.float32),
    )(embA, embB, lin, W1a, W1b, b1, W2, b2, W3, b3)


def kernel(X, linear_table, dnn_table, W1, b1, W2, b2, W3, b3):
    B, F = X.shape
    D = dnn_table.shape[1]
    V = linear_table.shape[0] // F
    FH = F // 2
    NVH = FH * V
    PAT = int(np.lcm(16, FH))
    pattern = jnp.asarray((np.arange(PAT) % FH) * V, dtype=jnp.int32)
    halves = []
    for h in range(2):
        xflat = X[:, h * FH:(h + 1) * FH].reshape(-1)
        lt = linear_table[h * NVH:(h + 1) * NVH]
        slab = jax.lax.optimization_barrier(
            dnn_table[h * NVH:(h + 1) * NVH].reshape(-1))
        emb_h, lin_h = _sc_gather(xflat, pattern, lt,
                                  slab.reshape(NVH, D), FH, V, D)
        halves.append((emb_h.reshape(B, FH * D), lin_h.reshape(B, FH)))
    (embA, linA), (embB, linB) = halves
    return _tc_mlp(embA, embB, jnp.concatenate([linA, linB], axis=1),
                   W1[:FH * D], W1[FH * D:], b1.reshape(1, -1),
                   W2, b2.reshape(1, -1),
                   W3, b3.reshape(1, -1))

# --- scband reference (transcript-rebuilt; emitter-appended) ---
"""Pipeline reference for scband-base-model-87213605913146 (READ-ONLY COPY).

The authoritative reference and input builder live on the scoring server;
editing this copy changes nothing except your own understanding.
"""

import jax, jax.numpy as jnp
import numpy as np

B = 16384
F = 26
V = 100000
D = 16
H1 = 128
H2 = 128


def setup_inputs(seed: int = 0) -> dict:
    key = jax.random.key(seed)
    ks = jax.random.split(key, 9)
    X = jax.random.randint(ks[0], (B, F), 0, V, dtype=jnp.int32)
    # per-field linear embeddings (dim=1), stacked flat: [F*V]
    linear_table = jax.random.normal(ks[1], (F * V,), dtype=jnp.float32) * 1e-4
    # per-field dnn embeddings (dim=D), stacked flat: [F*V, D]
    dnn_table = jax.random.normal(ks[2], (F * V, D), dtype=jnp.float32) * 1e-4
    W1 = jax.random.normal(ks[3], (F * D, H1), dtype=jnp.float32) * (1.0 / np.sqrt(F * D))
    b1 = jnp.zeros((H1,), dtype=jnp.float32)
    W2 = jax.random.normal(ks[4], (H1, H2), dtype=jnp.float32) * (1.0 / np.sqrt(H1))
    b2 = jnp.zeros((H2,), dtype=jnp.float32)
    W3 = jax.random.normal(ks[5], (H2, 1), dtype=jnp.float32) * (1.0 / np.sqrt(H2))
    b3 = jnp.zeros((1,), dtype=jnp.float32)
    return {"X": X, "linear_table": linear_table, "dnn_table": dnn_table,
            "W1": W1, "b1": b1, "W2": W2, "b2": b2, "W3": W3, "b3": b3}


def reference(X, linear_table, dnn_table, W1, b1, W2, b2, W3, b3):
    # per-field offset into the stacked tables (one embedding table per sparse field)
    offsets = (jnp.arange(F, dtype=X.dtype) * V)[None, :]
    flat_idx = X + offsets  # [B, F]
    # Linear part: embedding_dim=1 lookups, concat over fields, sum -> [B, 1]
    lin = jnp.take(linear_table, flat_idx, axis=0)  # [B, F]
    linear_logit = jnp.sum(lin, axis=-1, keepdims=True)  # [B, 1]
    # DNN part: embedding_dim=D lookups -> [B, F, D]
    emb = jnp.take(dnn_table, flat_idx, axis=0)  # [B, F, D]
    h = emb.reshape(X.shape[0], F * D)
    h = jax.nn.relu(h @ W1 + b1)
    h = jax.nn.relu(h @ W2 + b2)
    dnn_logit = h @ W3 + b3  # [B, 1]
    logit = linear_logit + dnn_logit
    # PredictionLayer(task='binary') -> sigmoid
    return jax.nn.sigmoid(logit)

if __name__ == "__main__":
    import jax
    _d = setup_inputs()
    print(jax.jit(kernel)(*tuple(_d.values())))

</pallas_src>

<mosaic_0001>
#map = affine_map<(d0, d1) -> (0)>
#map1 = affine_map<(d0, d1) -> (0, 0)>
module attributes {stable_mosaic.version = 14 : i64} {
  func.func @gather_k(%arg0: i32, %arg1: i32, %arg2: memref<212992xi32, #tpu.memory_space<hbm>>, %arg3: memref<208xi32, #tpu.memory_space<hbm>>, %arg4: memref<1300000xf32, #tpu.memory_space<hbm>>, %arg5: memref<1300000x16xf32, #tpu.memory_space<hbm>>, %arg6: memref<212992x16xf32, #tpu.memory_space<hbm>>, %arg7: memref<212992xf32, #tpu.memory_space<hbm>>, %arg8: memref<6656xi32, #tpu.memory_space<vmem>>, %arg9: memref<6656xi32, #tpu.memory_space<vmem>>, %arg10: memref<1664x16xf32, #tpu.memory_space<vmem>>, %arg11: memref<1664xf32, #tpu.memory_space<vmem>>, %arg12: memref<208xi32, #tpu.memory_space<vmem>>, %arg13: memref<!tpu.dma_semaphore, #tpu.memory_space<semaphore_mem>>, %arg14: memref<!tpu.dma_semaphore, #tpu.memory_space<semaphore_mem>>) attributes {dimension_semantics = [#tpu.dimension_semantics<core_parallel>, #tpu.dimension_semantics<subcore_parallel>], iteration_bounds = array<i64: 2, 16>, scalar_prefetch = 0 : i64, scratch_operands = 7 : i64, tpu.core_type = #tpu.core_type<sc_vector_subcore>, window_params = [{transform_indices = #map}, {transform_indices = #map}, {transform_indices = #map}, {transform_indices = #map1}, {transform_indices = #map1}, {transform_indices = #map}]} {
    %mul3A = arith.constant 2 : i32
    %mul3A_0 = arith.muli %arg1, %mul3A : i32
    %add3A = arith.addi %mul3A_0, %arg0 : i32
    %mul3A_1 = arith.constant 6656 : i32
    %mul3A_2 = arith.muli %add3A, %mul3A_1 : i32
    "tpu.region"() ({
      %run_scoped3A = tpu.sem_alloc : memref<!tpu.dma_semaphore, #tpu.memory_space<semaphore_mem>>
      %dma_start3A = tpu.memref_slice %arg2[%mul3A_2] : memref<212992xi32, #tpu.memory_space<hbm>> -> memref<6656xi32, #tpu.memory_space<hbm>>
      %dma_start3A_14 = tpu.memref_slice %arg2[%mul3A_2] : memref<212992xi32, #tpu.memory_space<hbm>> -> memref<6656xi32, #tpu.memory_space<hbm>>
      tpu.enqueue_dma source(%dma_start3A_14 : memref<6656xi32, #tpu.memory_space<hbm>>) target(%arg8 : memref<6656xi32, #tpu.memory_space<vmem>>) target_semaphore(%run_scoped3A : memref<!tpu.dma_semaphore, #tpu.memory_space<semaphore_mem>>)
      %dma_wait3A = tpu.memref_slice %arg2[%mul3A_2] : memref<212992xi32, #tpu.memory_space<hbm>> -> memref<6656xi32, #tpu.memory_space<hbm>>
      %dma_wait3A_15 = tpu.memref_slice %arg2[%mul3A_2] : memref<212992xi32, #tpu.memory_space<hbm>> -> memref<6656xi32, #tpu.memory_space<hbm>>
      tpu.wait_dma2 semaphore(%run_scoped3A : memref<!tpu.dma_semaphore, #tpu.memory_space<semaphore_mem>>) src(%dma_wait3A_15 : memref<6656xi32, #tpu.memory_space<hbm>>) dst(%arg8 : memref<6656xi32, #tpu.memory_space<vmem>>)
      tpu.yield
    }) : () -> ()
    "tpu.region"() ({
      %run_scoped3A = tpu.sem_alloc : memref<!tpu.dma_semaphore, #tpu.memory_space<semaphore_mem>>
      tpu.enqueue_dma source(%arg3 : memref<208xi32, #tpu.memory_space<hbm>>) target(%arg12 : memref<208xi32, #tpu.memory_space<vmem>>) target_semaphore(%run_scoped3A : memref<!tpu.dma_semaphore, #tpu.memory_space<semaphore_mem>>)
      tpu.wait_dma2 semaphore(%run_scoped3A : memref<!tpu.dma_semaphore, #tpu.memory_space<semaphore_mem>>) src(%arg3 : memref<208xi32, #tpu.memory_space<hbm>>) dst(%arg12 : memref<208xi32, #tpu.memory_space<vmem>>)
      tpu.yield
    }) : () -> ()
    %scan3A = arith.constant 0 : i32
    %scan3A_3 = arith.constant 0 : i32
    %scan3A_4 = arith.constant 32 : i32
    %scan3A_5 = arith.addi %scan3A_3, %scan3A_4 : i32
    %scan3A_6 = arith.constant 1 : i32
    scf.for %scan3A_14 = %scan3A_3 to %scan3A_5 step %scan3A_6  : i32 {
      %mul3A_15 = arith.constant 208 : i32
      %mul3A_16 = arith.muli %scan3A_14, %mul3A_15 : i32
      %multiple_of3A = tpu.assume_multiple %mul3A_16, 208 : i32
      %add3A_17 = arith.constant 0 : i32
      %add3A_18 = arith.addi %multiple_of3A, %add3A_17 : i32
      %get3A = arith.index_cast %add3A_18 : i32 to index
      %get3A_19 = tpu.vector_load %arg8[%get3A] {strides = array<i32>} : memref<6656xi32, #tpu.memory_space<vmem>>, vector<16xi32>,
      %get3A_20 = vector.shape_cast %get3A_19 : vector<16xi32> to vector<16xi32>
      %get3A_21 = arith.constant 0 : index
      %get3A_22 = tpu.vector_load %arg12[%get3A_21] {strides = array<i32>} : memref<208xi32, #tpu.memory_space<vmem>>, vector<16xi32>,
      %get3A_23 = vector.shape_cast %get3A_22 : vector<16xi32> to vector<16xi32>
      %add3A_24 = arith.addi %get3A_20, %get3A_23 : vector<16xi32>
      %swap3A = arith.index_cast %add3A_18 : i32 to index
      %swap3A_25 = tpu.vector_load %arg9[%swap3A] {strides = array<i32>} : memref<6656xi32, #tpu.memory_space<vmem>>, vector<16xi32>,
      %swap3A_26 = vector.shape_cast %swap3A_25 : vector<16xi32> to vector<16xi32>
      %swap3A_27 = vector.shape_cast %add3A_24 : vector<16xi32> to vector<16xi32>
      tpu.vector_store %arg9[%swap3A], %swap3A_27 {strides = array<i32>} : memref<6656xi32, #tpu.memory_space<vmem>>, vector<16xi32>,
      %add3A_28 = arith.constant 16 : i32
      %add3A_29 = arith.addi %multiple_of3A, %add3A_28 : i32
      %get3A_30 = arith.index_cast %add3A_29 : i32 to index
      %get3A_31 = tpu.vector_load %arg8[%get3A_30] {strides = array<i32>} : memref<6656xi32, #tpu.memory_space<vmem>>, vector<16xi32>,
      %get3A_32 = vector.shape_cast %get3A_31 : vector<16xi32> to vector<16xi32>
      %get3A_33 = arith.constant 16 : index
      %get3A_34 = tpu.vector_load %arg12[%get3A_33] {strides = array<i32>} : memref<208xi32, #tpu.memory_space<vmem>>, vector<16xi32>,
      %get3A_35 = vector.shape_cast %get3A_34 : vector<16xi32> to vector<16xi32>
      %add3A_36 = arith.addi %get3A_32, %get3A_35 : vector<16xi32>
      %swap3A_37 = arith.index_cast %add3A_29 : i32 to index
      %swap3A_38 = tpu.vector_load %arg9[%swap3A_37] {strides = array<i32>} : memref<6656xi32, #tpu.memory_space<vmem>>, vector<16xi32>,
      %swap3A_39 = vector.shape_cast %swap3A_38 : vector<16xi32> to vector<16xi32>
      %swap3A_40 = vector.shape_cast %add3A_36 : vector<16xi32> to vector<16xi32>
      tpu.vector_store %arg9[%swap3A_37], %swap3A_40 {strides = array<i32>} : memref<6656xi32, #tpu.memory_space<vmem>>, vector<16xi32>,
      %add3A_41 = arith.constant 32 : i32
      %add3A_42 = arith.addi %multiple_of3A, %add3A_41 : i32
      %get3A_43 = arith.index_cast %add3A_42 : i32 to index
      %get3A_44 = tpu.vector_load %arg8[%get3A_43] {strides = array<i32>} : memref<6656xi32, #tpu.memory_space<vmem>>, vector<16xi32>,
      %get3A_45 = vector.shape_cast %get3A_44 : vector<16xi32> to vector<16xi32>
      %get3A_46 = arith.constant 32 : index
      %get3A_47 = tpu.vector_load %arg12[%get3A_46] {strides = array<i32>} : memref<208xi32, #tpu.memory_space<vmem>>, vector<16xi32>,
      %get3A_48 = vector.shape_cast %get3A_47 : vector<16xi32> to vector<16xi32>
      %add3A_49 = arith.addi %get3A_45, %get3A_48 : vector<16xi32>
      %swap3A_50 = arith.index_cast %add3A_42 : i32 to index
      %swap3A_51 = tpu.vector_load %arg9[%swap3A_50] {strides = array<i32>} : memref<6656xi32, #tpu.memory_space<vmem>>, vector<16xi32>,
      %swap3A_52 = vector.shape_cast %swap3A_51 : vector<16xi32> to vector<16xi32>
      %swap3A_53 = vector.shape_cast %add3A_49 : vector<16xi32> to vector<16xi32>
      tpu.vector_store %arg9[%swap3A_50], %swap3A_53 {strides = array<i32>} : memref<6656xi32, #tpu.memory_space<vmem>>, vector<16xi32>,
      %add3A_54 = arith.constant 48 : i32
      %add3A_55 = arith.addi %multiple_of3A, %add3A_54 : i32
      %get3A_56 = arith.index_cast %add3A_55 : i32 to index
      %get3A_57 = tpu.vector_load %arg8[%get3A_56] {strides = array<i32>} : memref<6656xi32, #tpu.memory_space<vmem>>, vector<16xi32>,
      %get3A_58 = vector.shape_cast %get3A_57 : vector<16xi32> to vector<16xi32>
      %get3A_59 = arith.constant 48 : index
      %get3A_60 = tpu.vector_load %arg12[%get3A_59] {strides = array<i32>} : memref<208xi32, #tpu.memory_space<vmem>>, vector<16xi32>,
      %get3A_61 = vector.shape_cast %get3A_60 : vector<16xi32> to vector<16xi32>
      %add3A_62 = arith.addi %get3A_58, %get3A_61 : vector<16xi32>
      %swap3A_63 = arith.index_cast %add3A_55 : i32 to index
      %swap3A_64 = tpu.vector_load %arg9[%swap3A_63] {strides = array<i32>} : memref<6656xi32, #tpu.memory_space<vmem>>, vector<16xi32>,
      %swap3A_65 = vector.shape_cast %swap3A_64 : vector<16xi32> to vector<16xi32>
      %swap3A_66 = vector.shape_cast %add3A_62 : vector<16xi32> to vector<16xi32>
      tpu.vector_store %arg9[%swap3A_63], %swap3A_66 {strides = array<i32>} : memref<6656xi32, #tpu.memory_space<vmem>>, vector<16xi32>,
      %add3A_67 = arith.constant 64 : i32
      %add3A_68 = arith.addi %multiple_of3A, %add3A_67 : i32
      %get3A_69 = arith.index_cast %add3A_68 : i32 to index
      %get3A_70 = tpu.vector_load %arg8[%get3A_69] {strides = array<i32>} : memref<6656xi32, #tpu.memory_space<vmem>>, vector<16xi32>,
      %get3A_71 = vector.shape_cast %get3A_70 : vector<16xi32> to vector<16xi32>
      %get3A_72 = arith.constant 64 : index
      %get3A_73 = tpu.vector_load %arg12[%get3A_72] {strides = array<i32>} : memref<208xi32, #tpu.memory_space<vmem>>, vector<16xi32>,
      %get3A_74 = vector.shape_cast %get3A_73 : vector<16xi32> to vector<16xi32>
      %add3A_75 = arith.addi %get3A_71, %get3A_74 : vector<16xi32>
      %swap3A_76 = arith.index_cast %add3A_68 : i32 to index
      %swap3A_77 = tpu.vector_load %arg9[%swap3A_76] {strides = array<i32>} : memref<6656xi32, #tpu.memory_space<vmem>>, vector<16xi32>,
      %swap3A_78 = vector.shape_cast %swap3A_77 : vector<16xi32> to vector<16xi32>
      %swap3A_79 = vector.shape_cast %add3A_75 : vector<16xi32> to vector<16xi32>
      tpu.vector_store %arg9[%swap3A_76], %swap3A_79 {strides = array<i32>} : memref<6656xi32, #tpu.memory_space<vmem>>, vector<16xi32>,
      %add3A_80 = arith.constant 80 : i32
      %add3A_81 = arith.addi %multiple_of3A, %add3A_80 : i32
      %get3A_82 = arith.index_cast %add3A_81 : i32 to index
      %get3A_83 = tpu.vector_load %arg8[%get3A_82] {strides = array<i32>} : memref<6656xi32, #tpu.memory_space<vmem>>, vector<16xi32>,
      %get3A_84 = vector.shape_cast %get3A_83 : vector<16xi32> to vector<16xi32>
      %get3A_85 = arith.constant 80 : index
      %get3A_86 = tpu.vector_load %arg12[%get3A_85] {strides = array<i32>} : memref<208xi32, #tpu.memory_space<vmem>>, vector<16xi32>,
      %get3A_87 = vector.shape_cast %get3A_86 : vector<16xi32> to vector<16xi32>
      %add3A_88 = arith.addi %get3A_84, %get3A_87 : vector<16xi32>
      %swap3A_89 = arith.index_cast %add3A_81 : i32 to index
      %swap3A_90 = tpu.vector_load %arg9[%swap3A_89] {strides = array<i32>} : memref<6656xi32, #tpu.memory_space<vmem>>, vector<16xi32>,
      %swap3A_91 = vector.shape_cast %swap3A_90 : vector<16xi32> to vector<16xi32>
      %swap3A_92 = vector.shape_cast %add3A_88 : vector<16xi32> to vector<16xi32>
      tpu.vector_store %arg9[%swap3A_89], %swap3A_92 {strides = array<i32>} : memref<6656xi32, #tpu.memory_space<vmem>>, vector<16xi32>,
      %add3A_93 = arith.constant 96 : i32
      %add3A_94 = arith.addi %multiple_of3A, %add3A_93 : i32
      %get3A_95 = arith.index_cast %add3A_94 : i32 to index
      %get3A_96 = tpu.vector_load %arg8[%get3A_95] {strides = array<i32>} : memref<6656xi32, #tpu.memory_space<vmem>>, vector<16xi32>,
      %get3A_97 = vector.shape_cast %get3A_96 : vector<16xi32> to vector<16xi32>
      %get3A_98 = arith.constant 96 : index
      %get3A_99 = tpu.vector_load %arg12[%get3A_98] {strides = array<i32>} : memref<208xi32, #tpu.memory_space<vmem>>, vector<16xi32>,
      %get3A_100 = vector.shape_cast %get3A_99 : vector<16xi32> to vector<16xi32>
      %add3A_101 = arith.addi %get3A_97, %get3A_100 : vector<16xi32>
      %swap3A_102 = arith.index_cast %add3A_94 : i32 to index
      %swap3A_103 = tpu.vector_load %arg9[%swap3A_102] {strides = array<i32>} : memref<6656xi32, #tpu.memory_space<vmem>>, vector<16xi32>,
      %swap3A_104 = vector.shape_cast %swap3A_103 : vector<16xi32> to vector<16xi32>
      %swap3A_105 = vector.shape_cast %add3A_101 : vector<16xi32> to vector<16xi32>
      tpu.vector_store %arg9[%swap3A_102], %swap3A_105 {strides = array<i32>} : memref<6656xi32, #tpu.memory_space<vmem>>, vector<16xi32>,
      %add3A_106 = arith.constant 112 : i32
      %add3A_107 = arith.addi %multiple_of3A, %add3A_106 : i32
      %get3A_108 = arith.index_cast %add3A_107 : i32 to index
      %get3A_109 = tpu.vector_load %arg8[%get3A_108] {strides = array<i32>} : memref<6656xi32, #tpu.memory_space<vmem>>, vector<16xi32>,
      %get3A_110 = vector.shape_cast %get3A_109 : vector<16xi32> to vector<16xi32>
      %get3A_111 = arith.constant 112 : index
      %get3A_112 = tpu.vector_load %arg12[%get3A_111] {strides = array<i32>} : memref<208xi32, #tpu.memory_space<vmem>>, vector<16xi32>,
      %get3A_113 = vector.shape_cast %get3A_112 : vector<16xi32> to vector<16xi32>
      %add3A_114 = arith.addi %get3A_110, %get3A_113 : vector<16xi32>
      %swap3A_115 = arith.index_cast %add3A_107 : i32 to index
      %swap3A_116 = tpu.vector_load %arg9[%swap3A_115] {strides = array<i32>} : memref<6656xi32, #tpu.memory_space<vmem>>, vector<16xi32>,
      %swap3A_117 = vector.shape_cast %swap3A_116 : vector<16xi32> to vector<16xi32>
      %swap3A_118 = vector.shape_cast %add3A_114 : vector<16xi32> to vector<16xi32>
      tpu.vector_store %arg9[%swap3A_115], %swap3A_118 {strides = array<i32>} : memref<6656xi32, #tpu.memory_space<vmem>>, vector<16xi32>,
      %add3A_119 = arith.constant 128 : i32
      %add3A_120 = arith.addi %multiple_of3A, %add3A_119 : i32
      %get3A_121 = arith.index_cast %add3A_120 : i32 to index
      %get3A_122 = tpu.vector_load %arg8[%get3A_121] {strides = array<i32>} : memref<6656xi32, #tpu.memory_space<vmem>>, vector<16xi32>,
      %get3A_123 = vector.shape_cast %get3A_122 : vector<16xi32> to vector<16xi32>
      %get3A_124 = arith.constant 128 : index
      %get3A_125 = tpu.vector_load %arg12[%get3A_124] {strides = array<i32>} : memref<208xi32, #tpu.memory_space<vmem>>, vector<16xi32>,
      %get3A_126 = vector.shape_cast %get3A_125 : vector<16xi32> to vector<16xi32>
      %add3A_127 = arith.addi %get3A_123, %get3A_126 : vector<16xi32>
      %swap3A_128 = arith.index_cast %add3A_120 : i32 to index
      %swap3A_129 = tpu.vector_load %arg9[%swap3A_128] {strides = array<i32>} : memref<6656xi32, #tpu.memory_space<vmem>>, vector<16xi32>,
      %swap3A_130 = vector.shape_cast %swap3A_129 : vector<16xi32> to vector<16xi32>
      %swap3A_131 = vector.shape_cast %add3A_127 : vector<16xi32> to vector<16xi32>
      tpu.vector_store %arg9[%swap3A_128], %swap3A_131 {strides = array<i32>} : memref<6656xi32, #tpu.memory_space<vmem>>, vector<16xi32>,
      %add3A_132 = arith.constant 144 : i32
      %add3A_133 = arith.addi %multiple_of3A, %add3A_132 : i32
      %get3A_134 = arith.index_cast %add3A_133 : i32 to index
      %get3A_135 = tpu.vector_load %arg8[%get3A_134] {strides = array<i32>} : memref<6656xi32, #tpu.memory_space<vmem>>, vector<16xi32>,
      %get3A_136 = vector.shape_cast %get3A_135 : vector<16xi32> to vector<16xi32>
      %get3A_137 = arith.constant 144 : index
      %get3A_138 = tpu.vector_load %arg12[%get3A_137] {strides = array<i32>} : memref<208xi32, #tpu.memory_space<vmem>>, vector<16xi32>,
      %get3A_139 = vector.shape_cast %get3A_138 : vector<16xi32> to vector<16xi32>
      %add3A_140 = arith.addi %get3A_136, %get3A_139 : vector<16xi32>
      %swap3A_141 = arith.index_cast %add3A_133 : i32 to index
      %swap3A_142 = tpu.vector_load %arg9[%swap3A_141] {strides = array<i32>} : memref<6656xi32, #tpu.memory_space<vmem>>, vector<16xi32>,
      %swap3A_143 = vector.shape_cast %swap3A_142 : vector<16xi32> to vector<16xi32>
      %swap3A_144 = vector.shape_cast %add3A_140 : vector<16xi32> to vector<16xi32>
      tpu.vector_store %arg9[%swap3A_141], %swap3A_144 {strides = array<i32>} : memref<6656xi32, #tpu.memory_space<vmem>>, vector<16xi32>,
      %add3A_145 = arith.constant 160 : i32
      %add3A_146 = arith.addi %multiple_of3A, %add3A_145 : i32
      %get3A_147 = arith.index_cast %add3A_146 : i32 to index
      %get3A_148 = tpu.vector_load %arg8[%get3A_147] {strides = array<i32>} : memref<6656xi32, #tpu.memory_space<vmem>>, vector<16xi32>,
      %get3A_149 = vector.shape_cast %get3A_148 : vector<16xi32> to vector<16xi32>
      %get3A_150 = arith.constant 160 : index
      %get3A_151 = tpu.vector_load %arg12[%get3A_150] {strides = array<i32>} : memref<208xi32, #tpu.memory_space<vmem>>, vector<16xi32>,
      %get3A_152 = vector.shape_cast %get3A_151 : vector<16xi32> to vector<16xi32>
      %add3A_153 = arith.addi %get3A_149, %get3A_152 : vector<16xi32>
      %swap3A_154 = arith.index_cast %add3A_146 : i32 to index
      %swap3A_155 = tpu.vector_load %arg9[%swap3A_154] {strides = array<i32>} : memref<6656xi32, #tpu.memory_space<vmem>>, vector<16xi32>,
      %swap3A_156 = vector.shape_cast %swap3A_155 : vector<16xi32> to vector<16xi32>
      %swap3A_157 = vector.shape_cast %add3A_153 : vector<16xi32> to vector<16xi32>
      tpu.vector_store %arg9[%swap3A_154], %swap3A_157 {strides = array<i32>} : memref<6656xi32, #tpu.memory_space<vmem>>, vector<16xi32>,
      %add3A_158 = arith.constant 176 : i32
      %add3A_159 = arith.addi %multiple_of3A, %add3A_158 : i32
      %get3A_160 = arith.index_cast %add3A_159 : i32 to index
      %get3A_161 = tpu.vector_load %arg8[%get3A_160] {strides = array<i32>} : memref<6656xi32, #tpu.memory_space<vmem>>, vector<16xi32>,
      %get3A_162 = vector.shape_cast %get3A_161 : vector<16xi32> to vector<16xi32>
      %get3A_163 = arith.constant 176 : index
      %get3A_164 = tpu.vector_load %arg12[%get3A_163] {strides = array<i32>} : memref<208xi32, #tpu.memory_space<vmem>>, vector<16xi32>,
      %get3A_165 = vector.shape_cast %get3A_164 : vector<16xi32> to vector<16xi32>
      %add3A_166 = arith.addi %get3A_162, %get3A_165 : vector<16xi32>
      %swap3A_167 = arith.index_cast %add3A_159 : i32 to index
      %swap3A_168 = tpu.vector_load %arg9[%swap3A_167] {strides = array<i32>} : memref<6656xi32, #tpu.memory_space<vmem>>, vector<16xi32>,
      %swap3A_169 = vector.shape_cast %swap3A_168 : vector<16xi32> to vector<16xi32>
      %swap3A_170 = vector.shape_cast %add3A_166 : vector<16xi32> to vector<16xi32>
      tpu.vector_store %arg9[%swap3A_167], %swap3A_170 {strides = array<i32>} : memref<6656xi32, #tpu.memory_space<vmem>>, vector<16xi32>,
      %add3A_171 = arith.constant 192 : i32
      %add3A_172 = arith.addi %multiple_of3A, %add3A_171 : i32
      %get3A_173 = arith.index_cast %add3A_172 : i32 to index
      %get3A_174 = tpu.vector_load %arg8[%get3A_173] {strides = array<i32>} : memref<6656xi32, #tpu.memory_space<vmem>>, vector<16xi32>,
      %get3A_175 = vector.shape_cast %get3A_174 : vector<16xi32> to vector<16xi32>
      %get3A_176 = arith.constant 192 : index
      %get3A_177 = tpu.vector_load %arg12[%get3A_176] {strides = array<i32>} : memref<208xi32, #tpu.memory_space<vmem>>, vector<16xi32>,
      %get3A_178 = vector.shape_cast %get3A_177 : vector<16xi32> to vector<16xi32>
      %add3A_179 = arith.addi %get3A_175, %get3A_178 : vector<16xi32>
      %swap3A_180 = arith.index_cast %add3A_172 : i32 to index
      %swap3A_181 = tpu.vector_load %arg9[%swap3A_180] {strides = array<i32>} : memref<6656xi32, #tpu.memory_space<vmem>>, vector<16xi32>,
      %swap3A_182 = vector.shape_cast %swap3A_181 : vector<16xi32> to vector<16xi32>
      %swap3A_183 = vector.shape_cast %add3A_179 : vector<16xi32> to vector<16xi32>
      tpu.vector_store %arg9[%swap3A_180], %swap3A_183 {strides = array<i32>} : memref<6656xi32, #tpu.memory_space<vmem>>, vector<16xi32>,
    }
    %scan3A_7 = arith.constant 32 : i32
    %scan3A_8 = arith.constant 0 : i32
    %scan3A_9 = arith.constant 0 : i32
    %scan3A_10 = arith.constant 4 : i32
    %scan3A_11 = arith.addi %scan3A_9, %scan3A_10 : i32
    %scan3A_12 = arith.constant 1 : i32
    scf.for %scan3A_14 = %scan3A_9 to %scan3A_11 step %scan3A_12  : i32 {
      %mul3A_15 = arith.constant 1664 : i32
      %mul3A_16 = arith.muli %scan3A_14, %mul3A_15 : i32
      %multiple_of3A = tpu.assume_multiple %mul3A_16, 1664 : i32
      %add3A_17 = arith.constant 0 : i32
      %add3A_18 = arith.addi %multiple_of3A, %add3A_17 : i32
      %dma_start3A = arith.constant 0 : i32
      %dma_start3A_19 = arith.constant 0 : i32
      %dma_start3A_20 = tpu.memref_slice %arg10[%dma_start3A, %dma_start3A_19] : memref<1664x16xf32, #tpu.memory_space<vmem>> -> memref<128x16xf32, #tpu.memory_space<vmem>>
      %dma_start3A_21 = tpu.memref_slice %arg9[%add3A_18] : memref<6656xi32, #tpu.memory_space<vmem>> -> memref<128xi32, #tpu.memory_space<vmem>>
      %dma_start3A_22 = arith.constant 0 : i32
      %dma_start3A_23 = arith.constant 0 : i32
      %dma_start3A_24 = tpu.memref_slice %arg5[%dma_start3A_22, %dma_start3A_23] : memref<1300000x16xf32, #tpu.memory_space<hbm>> -> memref<1300000x16xf32, #tpu.memory_space<hbm>>
      tpu.enqueue_indirect_dma source(%dma_start3A_24 : memref<1300000x16xf32, #tpu.memory_space<hbm>>) target(%dma_start3A_20 : memref<128x16xf32, #tpu.memory_space<vmem>>) offsets(%dma_start3A_21 : memref<128xi32, #tpu.memory_space<vmem>>) semaphore(%arg13 : memref<!tpu.dma_semaphore, #tpu.memory_space<semaphore_mem>>)
      %dma_start3A_25 = arith.constant 0 : i32
      %dma_start3A_26 = tpu.memref_slice %arg11[%dma_start3A_25] : memref<1664xf32, #tpu.memory_space<vmem>> -> memref<128xf32, #tpu.memory_space<vmem>>
      %dma_start3A_27 = tpu.memref_slice %arg9[%add3A_18] : memref<6656xi32, #tpu.memory_space<vmem>> -> memref<128xi32, #tpu.memory_space<vmem>>
      %dma_start3A_28 = arith.constant 0 : i32
      %dma_start3A_29 = tpu.memref_slice %arg4[%dma_start3A_28] : memref<1300000xf32, #tpu.memory_space<hbm>> -> memref<1300000xf32, #tpu.memory_space<hbm>>
      tpu.enqueue_indirect_dma source(%dma_start3A_29 : memref<1300000xf32, #tpu.memory_space<hbm>>) target(%dma_start3A_26 : memref<128xf32, #tpu.memory_space<vmem>>) offsets(%dma_start3A_27 : memref<128xi32, #tpu.memory_space<vmem>>) semaphore(%arg14 : memref<!tpu.dma_semaphore, #tpu.memory_space<semaphore_mem>>)
      %add3A_30 = arith.constant 128 : i32
      %add3A_31 = arith.addi %multiple_of3A, %add3A_30 : i32
      %dma_start3A_32 = arith.constant 128 : i32
      %dma_start3A_33 = arith.constant 0 : i32
      %dma_start3A_34 = tpu.memref_slice %arg10[%dma_start3A_32, %dma_start3A_33] : memref<1664x16xf32, #tpu.memory_space<vmem>> -> memref<128x16xf32, #tpu.memory_space<vmem>>
      %dma_start3A_35 = tpu.memref_slice %arg9[%add3A_31] : memref<6656xi32, #tpu.memory_space<vmem>> -> memref<128xi32, #tpu.memory_space<vmem>>
      %dma_start3A_36 = arith.constant 0 : i32
      %dma_start3A_37 = arith.constant 0 : i32
      %dma_start3A_38 = tpu.memref_slice %arg5[%dma_start3A_36, %dma_start3A_37] : memref<1300000x16xf32, #tpu.memory_space<hbm>> -> memref<1300000x16xf32, #tpu.memory_space<hbm>>
      tpu.enqueue_indirect_dma source(%dma_start3A_38 : memref<1300000x16xf32, #tpu.memory_space<hbm>>) target(%dma_start3A_34 : memref<128x16xf32, #tpu.memory_space<vmem>>) offsets(%dma_start3A_35 : memref<128xi32, #tpu.memory_space<vmem>>) semaphore(%arg13 : memref<!tpu.dma_semaphore, #tpu.memory_space<semaphore_mem>>)
      %dma_start3A_39 = arith.constant 128 : i32
      %dma_start3A_40 = tpu.memref_slice %arg11[%dma_start3A_39] : memref<1664xf32, #tpu.memory_space<vmem>> -> memref<128xf32, #tpu.memory_space<vmem>>
      %dma_start3A_41 = tpu.memref_slice %arg9[%add3A_31] : memref<6656xi32, #tpu.memory_space<vmem>> -> memref<128xi32, #tpu.memory_space<vmem>>
      %dma_start3A_42 = arith.constant 0 : i32
      %dma_start3A_43 = tpu.memref_slice %arg4[%dma_start3A_42] : memref<1300000xf32, #tpu.memory_space<hbm>> -> memref<1300000xf32, #tpu.memory_space<hbm>>
      tpu.enqueue_indirect_dma source(%dma_start3A_43 : memref<1300000xf32, #tpu.memory_space<hbm>>) target(%dma_start3A_40 : memref<128xf32, #tpu.memory_space<vmem>>) offsets(%dma_start3A_41 : memref<128xi32, #tpu.memory_space<vmem>>) semaphore(%arg14 : memref<!tpu.dma_semaphore, #tpu.memory_space<semaphore_mem>>)
      %add3A_44 = arith.constant 256 : i32
      %add3A_45 = arith.addi %multiple_of3A, %add3A_44 : i32
      %dma_start3A_46 = arith.constant 256 : i32
      %dma_start3A_47 = arith.constant 0 : i32
      %dma_start3A_48 = tpu.memref_slice %arg10[%dma_start3A_46, %dma_start3A_47] : memref<1664x16xf32, #tpu.memory_space<vmem>> -> memref<128x16xf32, #tpu.memory_space<vmem>>
      %dma_start3A_49 = tpu.memref_slice %arg9[%add3A_45] : memref<6656xi32, #tpu.memory_space<vmem>> -> memref<128xi32, #tpu.memory_space<vmem>>
      %dma_start3A_50 = arith.constant 0 : i32
      %dma_start3A_51 = arith.constant 0 : i32
      %dma_start3A_52 = tpu.memref_slice %arg5[%dma_start3A_50, %dma_start3A_51] : memref<1300000x16xf32, #tpu.memory_space<hbm>> -> memref<1300000x16xf32, #tpu.memory_space<hbm>>
      tpu.enqueue_indirect_dma source(%dma_start3A_52 : memref<1300000x16xf32, #tpu.memory_space<hbm>>) target(%dma_start3A_48 : memref<128x16xf32, #tpu.memory_space<vmem>>) offsets(%dma_start3A_49 : memref<128xi32, #tpu.memory_space<vmem>>) semaphore(%arg13 : memref<!tpu.dma_semaphore, #tpu.memory_space<semaphore_mem>>)
      %dma_start3A_53 = arith.constant 256 : i32
      %dma_start3A_54 = tpu.memref_slice %arg11[%dma_start3A_53] : memref<1664xf32, #tpu.memory_space<vmem>> -> memref<128xf32, #tpu.memory_space<vmem>>
      %dma_start3A_55 = tpu.memref_slice %arg9[%add3A_45] : memref<6656xi32, #tpu.memory_space<vmem>> -> memref<128xi32, #tpu.memory_space<vmem>>
      %dma_start3A_56 = arith.constant 0 : i32
      %dma_start3A_57 = tpu.memref_slice %arg4[%dma_start3A_56] : memref<1300000xf32, #tpu.memory_space<hbm>> -> memref<1300000xf32, #tpu.memory_space<hbm>>
      tpu.enqueue_indirect_dma source(%dma_start3A_57 : memref<1300000xf32, #tpu.memory_space<hbm>>) target(%dma_start3A_54 : memref<128xf32, #tpu.memory_space<vmem>>) offsets(%dma_start3A_55 : memref<128xi32, #tpu.memory_space<vmem>>) semaphore(%arg14 : memref<!tpu.dma_semaphore, #tpu.memory_space<semaphore_mem>>)
      %add3A_58 = arith.constant 384 : i32
      %add3A_59 = arith.addi %multiple_of3A, %add3A_58 : i32
      %dma_start3A_60 = arith.constant 384 : i32
      %dma_start3A_61 = arith.constant 0 : i32
      %dma_start3A_62 = tpu.memref_slice %arg10[%dma_start3A_60, %dma_start3A_61] : memref<1664x16xf32, #tpu.memory_space<vmem>> -> memref<128x16xf32, #tpu.memory_space<vmem>>
      %dma_start3A_63 = tpu.memref_slice %arg9[%add3A_59] : memref<6656xi32, #tpu.memory_space<vmem>> -> memref<128xi32, #tpu.memory_space<vmem>>
      %dma_start3A_64 = arith.constant 0 : i32
      %dma_start3A_65 = arith.constant 0 : i32
      %dma_start3A_66 = tpu.memref_slice %arg5[%dma_start3A_64, %dma_start3A_65] : memref<1300000x16xf32, #tpu.memory_space<hbm>> -> memref<1300000x16xf32, #tpu.memory_space<hbm>>
      tpu.enqueue_indirect_dma source(%dma_start3A_66 : memref<1300000x16xf32, #tpu.memory_space<hbm>>) target(%dma_start3A_62 : memref<128x16xf32, #tpu.memory_space<vmem>>) offsets(%dma_start3A_63 : memref<128xi32, #tpu.memory_space<vmem>>) semaphore(%arg13 : memref<!tpu.dma_semaphore, #tpu.memory_space<semaphore_mem>>)
      %dma_start3A_67 = arith.constant 384 : i32
      %dma_start3A_68 = tpu.memref_slice %arg11[%dma_start3A_67] : memref<1664xf32, #tpu.memory_space<vmem>> -> memref<128xf32, #tpu.memory_space<vmem>>
      %dma_start3A_69 = tpu.memref_slice %arg9[%add3A_59] : memref<6656xi32, #tpu.memory_space<vmem>> -> memref<128xi32, #tpu.memory_space<vmem>>
      %dma_start3A_70 = arith.constant 0 : i32
      %dma_start3A_71 = tpu.memref_slice %arg4[%dma_start3A_70] : memref<1300000xf32, #tpu.memory_space<hbm>> -> memref<1300000xf32, #tpu.memory_space<hbm>>
      tpu.enqueue_indirect_dma source(%dma_start3A_71 : memref<1300000xf32, #tpu.memory_space<hbm>>) target(%dma_start3A_68 : memref<128xf32, #tpu.memory_space<vmem>>) offsets(%dma_start3A_69 : memref<128xi32, #tpu.memory_space<vmem>>) semaphore(%arg14 : memref<!tpu.dma_semaphore, #tpu.memory_space<semaphore_mem>>)
      %add3A_72 = arith.constant 512 : i32
      %add3A_73 = arith.addi %multiple_of3A, %add3A_72 : i32
      %dma_start3A_74 = arith.constant 512 : i32
      %dma_start3A_75 = arith.constant 0 : i32
      %dma_start3A_76 = tpu.memref_slice %arg10[%dma_start3A_74, %dma_start3A_75] : memref<1664x16xf32, #tpu.memory_space<vmem>> -> memref<128x16xf32, #tpu.memory_space<vmem>>
      %dma_start3A_77 = tpu.memref_slice %arg9[%add3A_73] : memref<6656xi32, #tpu.memory_space<vmem>> -> memref<128xi32, #tpu.memory_space<vmem>>
      %dma_start3A_78 = arith.constant 0 : i32
      %dma_start3A_79 = arith.constant 0 : i32
      %dma_start3A_80 = tpu.memref_slice %arg5[%dma_start3A_78, %dma_start3A_79] : memref<1300000x16xf32, #tpu.memory_space<hbm>> -> memref<1300000x16xf32, #tpu.memory_space<hbm>>
      tpu.enqueue_indirect_dma source(%dma_start3A_80 : memref<1300000x16xf32, #tpu.memory_space<hbm>>) target(%dma_start3A_76 : memref<128x16xf32, #tpu.memory_space<vmem>>) offsets(%dma_start3A_77 : memref<128xi32, #tpu.memory_space<vmem>>) semaphore(%arg13 : memref<!tpu.dma_semaphore, #tpu.memory_space<semaphore_mem>>)
      %dma_start3A_81 = arith.constant 512 : i32
      %dma_start3A_82 = tpu.memref_slice %arg11[%dma_start3A_81] : memref<1664xf32, #tpu.memory_space<vmem>> -> memref<128xf32, #tpu.memory_space<vmem>>
      %dma_start3A_83 = tpu.memref_slice %arg9[%add3A_73] : memref<6656xi32, #tpu.memory_space<vmem>> -> memref<128xi32, #tpu.memory_space<vmem>>
      %dma_start3A_84 = arith.constant 0 : i32
      %dma_start3A_85 = tpu.memref_slice %arg4[%dma_start3A_84] : memref<1300000xf32, #tpu.memory_space<hbm>> -> memref<1300000xf32, #tpu.memory_space<hbm>>
      tpu.enqueue_indirect_dma source(%dma_start3A_85 : memref<1300000xf32, #tpu.memory_space<hbm>>) target(%dma_start3A_82 : memref<128xf32, #tpu.memory_space<vmem>>) offsets(%dma_start3A_83 : memref<128xi32, #tpu.memory_space<vmem>>) semaphore(%arg14 : memref<!tpu.dma_semaphore, #tpu.memory_space<semaphore_mem>>)
      %add3A_86 = arith.constant 640 : i32
      %add3A_87 = arith.addi %multiple_of3A, %add3A_86 : i32
      %dma_start3A_88 = arith.constant 640 : i32
      %dma_start3A_89 = arith.constant 0 : i32
      %dma_start3A_90 = tpu.memref_slice %arg10[%dma_start3A_88, %dma_start3A_89] : memref<1664x16xf32, #tpu.memory_space<vmem>> -> memref<128x16xf32, #tpu.memory_space<vmem>>
      %dma_start3A_91 = tpu.memref_slice %arg9[%add3A_87] : memref<6656xi32, #tpu.memory_space<vmem>> -> memref<128xi32, #tpu.memory_space<vmem>>
      %dma_start3A_92 = arith.constant 0 : i32
      %dma_start3A_93 = arith.constant 0 : i32
      %dma_start3A_94 = tpu.memref_slice %arg5[%dma_start3A_92, %dma_start3A_93] : memref<1300000x16xf32, #tpu.memory_space<hbm>> -> memref<1300000x16xf32, #tpu.memory_space<hbm>>
      tpu.enqueue_indirect_dma source(%dma_start3A_94 : memref<1300000x16xf32, #tpu.memory_space<hbm>>) target(%dma_start3A_90 : memref<128x16xf32, #tpu.memory_space<vmem>>) offsets(%dma_start3A_91 : memref<128xi32, #tpu.memory_space<vmem>>) semaphore(%arg13 : memref<!tpu.dma_semaphore, #tpu.memory_space<semaphore_mem>>)
      %dma_start3A_95 = arith.constant 640 : i32
      %dma_start3A_96 = tpu.memref_slice %arg11[%dma_start3A_95] : memref<1664xf32, #tpu.memory_space<vmem>> -> memref<128xf32, #tpu.memory_space<vmem>>
      %dma_start3A_97 = tpu.memref_slice %arg9[%add3A_87] : memref<6656xi32, #tpu.memory_space<vmem>> -> memref<128xi32, #tpu.memory_space<vmem>>
      %dma_start3A_98 = arith.constant 0 : i32
      %dma_start3A_99 = tpu.memref_slice %arg4[%dma_start3A_98] : memref<1300000xf32, #tpu.memory_space<hbm>> -> memref<1300000xf32, #tpu.memory_space<hbm>>
      tpu.enqueue_indirect_dma source(%dma_start3A_99 : memref<1300000xf32, #tpu.memory_space<hbm>>) target(%dma_start3A_96 : memref<128xf32, #tpu.memory_space<vmem>>) offsets(%dma_start3A_97 : memref<128xi32, #tpu.memory_space<vmem>>) semaphore(%arg14 : memref<!tpu.dma_semaphore, #tpu.memory_space<semaphore_mem>>)
      %add3A_100 = arith.constant 768 : i32
      %add3A_101 = arith.addi %multiple_of3A, %add3A_100 : i32
      %dma_start3A_102 = arith.constant 768 : i32
      %dma_start3A_103 = arith.constant 0 : i32
      %dma_start3A_104 = tpu.memref_slice %arg10[%dma_start3A_102, %dma_start3A_103] : memref<1664x16xf32, #tpu.memory_space<vmem>> -> memref<128x16xf32, #tpu.memory_space<vmem>>
      %dma_start3A_105 = tpu.memref_slice %arg9[%add3A_101] : memref<6656xi32, #tpu.memory_space<vmem>> -> memref<128xi32, #tpu.memory_space<vmem>>
      %dma_start3A_106 = arith.constant 0 : i32
      %dma_start3A_107 = arith.constant 0 : i32
      %dma_start3A_108 = tpu.memref_slice %arg5[%dma_start3A_106, %dma_start3A_107] : memref<1300000x16xf32, #tpu.memory_space<hbm>> -> memref<1300000x16xf32, #tpu.memory_space<hbm>>
      tpu.enqueue_indirect_dma source(%dma_start3A_108 : memref<1300000x16xf32, #tpu.memory_space<hbm>>) target(%dma_start3A_104 : memref<128x16xf32, #tpu.memory_space<vmem>>) offsets(%dma_start3A_105 : memref<128xi32, #tpu.memory_space<vmem>>) semaphore(%arg13 : memref<!tpu.dma_semaphore, #tpu.memory_space<semaphore_mem>>)
      %dma_start3A_109 = arith.constant 768 : i32
      %dma_start3A_110 = tpu.memref_slice %arg11[%dma_start3A_109] : memref<1664xf32, #tpu.memory_space<vmem>> -> memref<128xf32, #tpu.memory_space<vmem>>
      %dma_start3A_111 = tpu.memref_slice %arg9[%add3A_101] : memref<6656xi32, #tpu.memory_space<vmem>> -> memref<128xi32, #tpu.memory_space<vmem>>
      %dma_start3A_112 = arith.constant 0 : i32
      %dma_start3A_113 = tpu.memref_slice %arg4[%dma_start3A_112] : memref<1300000xf32, #tpu.memory_space<hbm>> -> memref<1300000xf32, #tpu.memory_space<hbm>>
      tpu.enqueue_indirect_dma source(%dma_start3A_113 : memref<1300000xf32, #tpu.memory_space<hbm>>) target(%dma_start3A_110 : memref<128xf32, #tpu.memory_space<vmem>>) offsets(%dma_start3A_111 : memref<128xi32, #tpu.memory_space<vmem>>) semaphore(%arg14 : memref<!tpu.dma_semaphore, #tpu.memory_space<semaphore_mem>>)
      %add3A_114 = arith.constant 896 : i32
      %add3A_115 = arith.addi %multiple_of3A, %add3A_114 : i32
      %dma_start3A_116 = arith.constant 896 : i32
      %dma_start3A_117 = arith.constant 0 : i32
      %dma_start3A_118 = tpu.memref_slice %arg10[%dma_start3A_116, %dma_start3A_117] : memref<1664x16xf32, #tpu.memory_space<vmem>> -> memref<128x16xf32, #tpu.memory_space<vmem>>
      %dma_start3A_119 = tpu.memref_slice %arg9[%add3A_115] : memref<6656xi32, #tpu.memory_space<vmem>> -> memref<128xi32, #tpu.memory_space<vmem>>
      %dma_start3A_120 = arith.constant 0 : i32
      %dma_start3A_121 = arith.constant 0 : i32
      %dma_start3A_122 = tpu.memref_slice %arg5[%dma_start3A_120, %dma_start3A_121] : memref<1300000x16xf32, #tpu.memory_space<hbm>> -> memref<1300000x16xf32, #tpu.memory_space<hbm>>
      tpu.enqueue_indirect_dma source(%dma_start3A_122 : memref<1300000x16xf32, #tpu.memory_space<hbm>>) target(%dma_start3A_118 : memref<128x16xf32, #tpu.memory_space<vmem>>) offsets(%dma_start3A_119 : memref<128xi32, #tpu.memory_space<vmem>>) semaphore(%arg13 : memref<!tpu.dma_semaphore, #tpu.memory_space<semaphore_mem>>)
      %dma_start3A_123 = arith.constant 896 : i32
      %dma_start3A_124 = tpu.memref_slice %arg11[%dma_start3A_123] : memref<1664xf32, #tpu.memory_space<vmem>> -> memref<128xf32, #tpu.memory_space<vmem>>
      %dma_start3A_125 = tpu.memref_slice %arg9[%add3A_115] : memref<6656xi32, #tpu.memory_space<vmem>> -> memref<128xi32, #tpu.memory_space<vmem>>
      %dma_start3A_126 = arith.constant 0 : i32
      %dma_start3A_127 = tpu.memref_slice %arg4[%dma_start3A_126] : memref<1300000xf32, #tpu.memory_space<hbm>> -> memref<1300000xf32, #tpu.memory_space<hbm>>
      tpu.enqueue_indirect_dma source(%dma_start3A_127 : memref<1300000xf32, #tpu.memory_space<hbm>>) target(%dma_start3A_124 : memref<128xf32, #tpu.memory_space<vmem>>) offsets(%dma_start3A_125 : memref<128xi32, #tpu.memory_space<vmem>>) semaphore(%arg14 : memref<!tpu.dma_semaphore, #tpu.memory_space<semaphore_mem>>)
      %add3A_128 = arith.constant 1024 : i32
      %add3A_129 = arith.addi %multiple_of3A, %add3A_128 : i32
      %dma_start3A_130 = arith.constant 1024 : i32
      %dma_start3A_131 = arith.constant 0 : i32
      %dma_start3A_132 = tpu.memref_slice %arg10[%dma_start3A_130, %dma_start3A_131] : memref<1664x16xf32, #tpu.memory_space<vmem>> -> memref<128x16xf32, #tpu.memory_space<vmem>>
      %dma_start3A_133 = tpu.memref_slice %arg9[%add3A_129] : memref<6656xi32, #tpu.memory_space<vmem>> -> memref<128xi32, #tpu.memory_space<vmem>>
      %dma_start3A_134 = arith.constant 0 : i32
      %dma_start3A_135 = arith.constant 0 : i32
      %dma_start3A_136 = tpu.memref_slice %arg5[%dma_start3A_134, %dma_start3A_135] : memref<1300000x16xf32, #tpu.memory_space<hbm>> -> memref<1300000x16xf32, #tpu.memory_space<hbm>>
      tpu.enqueue_indirect_dma source(%dma_start3A_136 : memref<1300000x16xf32, #tpu.memory_space<hbm>>) target(%dma_start3A_132 : memref<128x16xf32, #tpu.memory_space<vmem>>) offsets(%dma_start3A_133 : memref<128xi32, #tpu.memory_space<vmem>>) semaphore(%arg13 : memref<!tpu.dma_semaphore, #tpu.memory_space<semaphore_mem>>)
      %dma_start3A_137 = arith.constant 1024 : i32
      %dma_start3A_138 = tpu.memref_slice %arg11[%dma_start3A_137] : memref<1664xf32, #tpu.memory_space<vmem>> -> memref<128xf32, #tpu.memory_space<vmem>>
      %dma_start3A_139 = tpu.memref_slice %arg9[%add3A_129] : memref<6656xi32, #tpu.memory_space<vmem>> -> memref<128xi32, #tpu.memory_space<vmem>>
      %dma_start3A_140 = arith.constant 0 : i32
      %dma_start3A_141 = tpu.memref_slice %arg4[%dma_start3A_140] : memref<1300000xf32, #tpu.memory_space<hbm>> -> memref<1300000xf32, #tpu.memory_space<hbm>>
      tpu.enqueue_indirect_dma source(%dma_start3A_141 : memref<1300000xf32, #tpu.memory_space<hbm>>) target(%dma_start3A_138 : memref<128xf32, #tpu.memory_space<vmem>>) offsets(%dma_start3A_139 : memref<128xi32, #tpu.memory_space<vmem>>) semaphore(%arg14 : memref<!tpu.dma_semaphore, #tpu.memory_space<semaphore_mem>>)
      %add3A_142 = arith.constant 1152 : i32
      %add3A_143 = arith.addi %multiple_of3A, %add3A_142 : i32
      %dma_start3A_144 = arith.constant 1152 : i32
      %dma_start3A_145 = arith.constant 0 : i32
      %dma_start3A_146 = tpu.memref_slice %arg10[%dma_start3A_144, %dma_start3A_145] : memref<1664x16xf32, #tpu.memory_space<vmem>> -> memref<128x16xf32, #tpu.memory_space<vmem>>
      %dma_start3A_147 = tpu.memref_slice %arg9[%add3A_143] : memref<6656xi32, #tpu.memory_space<vmem>> -> memref<128xi32, #tpu.memory_space<vmem>>
      %dma_start3A_148 = arith.constant 0 : i32
      %dma_start3A_149 = arith.constant 0 : i32
      %dma_start3A_150 = tpu.memref_slice %arg5[%dma_start3A_148, %dma_start3A_149] : memref<1300000x16xf32, #tpu.memory_space<hbm>> -> memref<1300000x16xf32, #tpu.memory_space<hbm>>
      tpu.enqueue_indirect_dma source(%dma_start3A_150 : memref<1300000x16xf32, #tpu.memory_space<hbm>>) target(%dma_start3A_146 : memref<128x16xf32, #tpu.memory_space<vmem>>) offsets(%dma_start3A_147 : memref<128xi32, #tpu.memory_space<vmem>>) semaphore(%arg13 : memref<!tpu.dma_semaphore, #tpu.memory_space<semaphore_mem>>)
      %dma_start3A_151 = arith.constant 1152 : i32
      %dma_start3A_152 = tpu.memref_slice %arg11[%dma_start3A_151] : memref<1664xf32, #tpu.memory_space<vmem>> -> memref<128xf32, #tpu.memory_space<vmem>>
      %dma_start3A_153 = tpu.memref_slice %arg9[%add3A_143] : memref<6656xi32, #tpu.memory_space<vmem>> -> memref<128xi32, #tpu.memory_space<vmem>>
      %dma_start3A_154 = arith.constant 0 : i32
      %dma_start3A_155 = tpu.memref_slice %arg4[%dma_start3A_154] : memref<1300000xf32, #tpu.memory_space<hbm>> -> memref<1300000xf32, #tpu.memory_space<hbm>>
      tpu.enqueue_indirect_dma source(%dma_start3A_155 : memref<1300000xf32, #tpu.memory_space<hbm>>) target(%dma_start3A_152 : memref<128xf32, #tpu.memory_space<vmem>>) offsets(%dma_start3A_153 : memref<128xi32, #tpu.memory_space<vmem>>) semaphore(%arg14 : memref<!tpu.dma_semaphore, #tpu.memory_space<semaphore_mem>>)
      %add3A_156 = arith.constant 1280 : i32
      %add3A_157 = arith.addi %multiple_of3A, %add3A_156 : i32
      %dma_start3A_158 = arith.constant 1280 : i32
      %dma_start3A_159 = arith.constant 0 : i32
      %dma_start3A_160 = tpu.memref_slice %arg10[%dma_start3A_158, %dma_start3A_159] : memref<1664x16xf32, #tpu.memory_space<vmem>> -> memref<128x16xf32, #tpu.memory_space<vmem>>
      %dma_start3A_161 = tpu.memref_slice %arg9[%add3A_157] : memref<6656xi32, #tpu.memory_space<vmem>> -> memref<128xi32, #tpu.memory_space<vmem>>
      %dma_start3A_162 = arith.constant 0 : i32
      %dma_start3A_163 = arith.constant 0 : i32
      %dma_start3A_164 = tpu.memref_slice %arg5[%dma_start3A_162, %dma_start3A_163] : memref<1300000x16xf32, #tpu.memory_space<hbm>> -> memref<1300000x16xf32, #tpu.memory_space<hbm>>
      tpu.enqueue_indirect_dma source(%dma_start3A_164 : memref<1300000x16xf32, #tpu.memory_space<hbm>>) target(%dma_start3A_160 : memref<128x16xf32, #tpu.memory_space<vmem>>) offsets(%dma_start3A_161 : memref<128xi32, #tpu.memory_space<vmem>>) semaphore(%arg13 : memref<!tpu.dma_semaphore, #tpu.memory_space<semaphore_mem>>)
      %dma_start3A_165 = arith.constant 1280 : i32
      %dma_start3A_166 = tpu.memref_slice %arg11[%dma_start3A_165] : memref<1664xf32, #tpu.memory_space<vmem>> -> memref<128xf32, #tpu.memory_space<vmem>>
      %dma_start3A_167 = tpu.memref_slice %arg9[%add3A_157] : memref<6656xi32, #tpu.memory_space<vmem>> -> memref<128xi32, #tpu.memory_space<vmem>>
      %dma_start3A_168 = arith.constant 0 : i32
      %dma_start3A_169 = tpu.memref_slice %arg4[%dma_start3A_168] : memref<1300000xf32, #tpu.memory_space<hbm>> -> memref<1300000xf32, #tpu.memory_space<hbm>>
      tpu.enqueue_indirect_dma source(%dma_start3A_169 : memref<1300000xf32, #tpu.memory_space<hbm>>) target(%dma_start3A_166 : memref<128xf32, #tpu.memory_space<vmem>>) offsets(%dma_start3A_167 : memref<128xi32, #tpu.memory_space<vmem>>) semaphore(%arg14 : memref<!tpu.dma_semaphore, #tpu.memory_space<semaphore_mem>>)
      %add3A_170 = arith.constant 1408 : i32
      %add3A_171 = arith.addi %multiple_of3A, %add3A_170 : i32
      %dma_start3A_172 = arith.constant 1408 : i32
      %dma_start3A_173 = arith.constant 0 : i32
      %dma_start3A_174 = tpu.memref_slice %arg10[%dma_start3A_172, %dma_start3A_173] : memref<1664x16xf32, #tpu.memory_space<vmem>> -> memref<128x16xf32, #tpu.memory_space<vmem>>
      %dma_start3A_175 = tpu.memref_slice %arg9[%add3A_171] : memref<6656xi32, #tpu.memory_space<vmem>> -> memref<128xi32, #tpu.memory_space<vmem>>
      %dma_start3A_176 = arith.constant 0 : i32
      %dma_start3A_177 = arith.constant 0 : i32
      %dma_start3A_178 = tpu.memref_slice %arg5[%dma_start3A_176, %dma_start3A_177] : memref<1300000x16xf32, #tpu.memory_space<hbm>> -> memref<1300000x16xf32, #tpu.memory_space<hbm>>
      tpu.enqueue_indirect_dma source(%dma_start3A_178 : memref<1300000x16xf32, #tpu.memory_space<hbm>>) target(%dma_start3A_174 : memref<128x16xf32, #tpu.memory_space<vmem>>) offsets(%dma_start3A_175 : memref<128xi32, #tpu.memory_space<vmem>>) semaphore(%arg13 : memref<!tpu.dma_semaphore, #tpu.memory_space<semaphore_mem>>)
      %dma_start3A_179 = arith.constant 1408 : i32
      %dma_start3A_180 = tpu.memref_slice %arg11[%dma_start3A_179] : memref<1664xf32, #tpu.memory_space<vmem>> -> memref<128xf32, #tpu.memory_space<vmem>>
      %dma_start3A_181 = tpu.memref_slice %arg9[%add3A_171] : memref<6656xi32, #tpu.memory_space<vmem>> -> memref<128xi32, #tpu.memory_space<vmem>>
      %dma_start3A_182 = arith.constant 0 : i32
      %dma_start3A_183 = tpu.memref_slice %arg4[%dma_start3A_182] : memref<1300000xf32, #tpu.memory_space<hbm>> -> memref<1300000xf32, #tpu.memory_space<hbm>>
      tpu.enqueue_indirect_dma source(%dma_start3A_183 : memref<1300000xf32, #tpu.memory_space<hbm>>) target(%dma_start3A_180 : memref<128xf32, #tpu.memory_space<vmem>>) offsets(%dma_start3A_181 : memref<128xi32, #tpu.memory_space<vmem>>) semaphore(%arg14 : memref<!tpu.dma_semaphore, #tpu.memory_space<semaphore_mem>>)
      %add3A_184 = arith.constant 1536 : i32
      %add3A_185 = arith.addi %multiple_of3A, %add3A_184 : i32
      %dma_start3A_186 = arith.constant 1536 : i32
      %dma_start3A_187 = arith.constant 0 : i32
      %dma_start3A_188 = tpu.memref_slice %arg10[%dma_start3A_186, %dma_start3A_187] : memref<1664x16xf32, #tpu.memory_space<vmem>> -> memref<128x16xf32, #tpu.memory_space<vmem>>
      %dma_start3A_189 = tpu.memref_slice %arg9[%add3A_185] : memref<6656xi32, #tpu.memory_space<vmem>> -> memref<128xi32, #tpu.memory_space<vmem>>
      %dma_start3A_190 = arith.constant 0 : i32
      %dma_start3A_191 = arith.constant 0 : i32
      %dma_start3A_192 = tpu.memref_slice %arg5[%dma_start3A_190, %dma_start3A_191] : memref<1300000x16xf32, #tpu.memory_space<hbm>> -> memref<1300000x16xf32, #tpu.memory_space<hbm>>
      tpu.enqueue_indirect_dma source(%dma_start3A_192 : memref<1300000x16xf32, #tpu.memory_space<hbm>>) target(%dma_start3A_188 : memref<128x16xf32, #tpu.memory_space<vmem>>) offsets(%dma_start3A_189 : memref<128xi32, #tpu.memory_space<vmem>>) semaphore(%arg13 : memref<!tpu.dma_semaphore, #tpu.memory_space<semaphore_mem>>)
      %dma_start3A_193 = arith.constant 1536 : i32
      %dma_start3A_194 = tpu.memref_slice %arg11[%dma_start3A_193] : memref<1664xf32, #tpu.memory_space<vmem>> -> memref<128xf32, #tpu.memory_space<vmem>>
      %dma_start3A_195 = tpu.memref_slice %arg9[%add3A_185] : memref<6656xi32, #tpu.memory_space<vmem>> -> memref<128xi32, #tpu.memory_space<vmem>>
      %dma_start3A_196 = arith.constant 0 : i32
      %dma_start3A_197 = tpu.memref_slice %arg4[%dma_start3A_196] : memref<1300000xf32, #tpu.memory_space<hbm>> -> memref<1300000xf32, #tpu.memory_space<hbm>>
      tpu.enqueue_indirect_dma source(%dma_start3A_197 : memref<1300000xf32, #tpu.memory_space<hbm>>) target(%dma_start3A_194 : memref<128xf32, #tpu.memory_space<vmem>>) offsets(%dma_start3A_195 : memref<128xi32, #tpu.memory_space<vmem>>) semaphore(%arg14 : memref<!tpu.dma_semaphore, #tpu.memory_space<semaphore_mem>>)
      %dma_wait3A = arith.constant 0 : i32
      %dma_wait3A_198 = arith.constant 0 : i32
      %dma_wait3A_199 = tpu.memref_slice %arg10[%dma_wait3A, %dma_wait3A_198] : memref<1664x16xf32, #tpu.memory_space<vmem>> -> memref<128x16xf32, #tpu.memory_space<vmem>>
      %dma_wait3A_200 = tpu.memref_slice %arg9[%add3A_18] : memref<6656xi32, #tpu.memory_space<vmem>> -> memref<128xi32, #tpu.memory_space<vmem>>
      %dma_wait3A_201 = arith.constant 0 : i32
      %dma_wait3A_202 = arith.constant 0 : i32
      %dma_wait3A_203 = tpu.memref_slice %arg5[%dma_wait3A_201, %dma_wait3A_202] : memref<1300000x16xf32, #tpu.memory_space<hbm>> -> memref<1300000x16xf32, #tpu.memory_space<hbm>>
      tpu.wait_indirect_dma semaphore(%arg13 : memref<!tpu.dma_semaphore, #tpu.memory_space<semaphore_mem>>) src(%dma_wait3A_203 : memref<1300000x16xf32, #tpu.memory_space<hbm>>) dst(%dma_wait3A_199 : memref<128x16xf32, #tpu.memory_space<vmem>>)
      %dma_wait3A_204 = arith.constant 0 : i32
      %dma_wait3A_205 = tpu.memref_slice %arg11[%dma_wait3A_204] : memref<1664xf32, #tpu.memory_space<vmem>> -> memref<128xf32, #tpu.memory_space<vmem>>
      %dma_wait3A_206 = tpu.memref_slice %arg9[%add3A_18] : memref<6656xi32, #tpu.memory_space<vmem>> -> memref<128xi32, #tpu.memory_space<vmem>>
      %dma_wait3A_207 = arith.constant 0 : i32
      %dma_wait3A_208 = tpu.memref_slice %arg4[%dma_wait3A_207] : memref<1300000xf32, #tpu.memory_space<hbm>> -> memref<1300000xf32, #tpu.memory_space<hbm>>
      tpu.wait_indirect_dma semaphore(%arg14 : memref<!tpu.dma_semaphore, #tpu.memory_space<semaphore_mem>>) src(%dma_wait3A_208 : memref<1300000xf32, #tpu.memory_space<hbm>>) dst(%dma_wait3A_205 : memref<128xf32, #tpu.memory_space<vmem>>)
      %dma_wait3A_209 = arith.constant 128 : i32
      %dma_wait3A_210 = arith.constant 0 : i32
      %dma_wait3A_211 = tpu.memref_slice %arg10[%dma_wait3A_209, %dma_wait3A_210] : memref<1664x16xf32, #tpu.memory_space<vmem>> -> memref<128x16xf32, #tpu.memory_space<vmem>>
      %dma_wait3A_212 = tpu.memref_slice %arg9[%add3A_31] : memref<6656xi32, #tpu.memory_space<vmem>> -> memref<128xi32, #tpu.memory_space<vmem>>
      %dma_wait3A_213 = arith.constant 0 : i32
      %dma_wait3A_214 = arith.constant 0 : i32
      %dma_wait3A_215 = tpu.memref_slice %arg5[%dma_wait3A_213, %dma_wait3A_214] : memref<1300000x16xf32, #tpu.memory_space<hbm>> -> memref<1300000x16xf32, #tpu.memory_space<hbm>>
      tpu.wait_indirect_dma semaphore(%arg13 : memref<!tpu.dma_semaphore, #tpu.memory_space<semaphore_mem>>) src(%dma_wait3A_215 : memref<1300000x16xf32, #tpu.memory_space<hbm>>) dst(%dma_wait3A_211 : memref<128x16xf32, #tpu.memory_space<vmem>>)
      %dma_wait3A_216 = arith.constant 128 : i32
      %dma_wait3A_217 = tpu.memref_slice %arg11[%dma_wait3A_216] : memref<1664xf32, #tpu.memory_space<vmem>> -> memref<128xf32, #tpu.memory_space<vmem>>
      %dma_wait3A_218 = tpu.memref_slice %arg9[%add3A_31] : memref<6656xi32, #tpu.memory_space<vmem>> -> memref<128xi32, #tpu.memory_space<vmem>>
      %dma_wait3A_219 = arith.constant 0 : i32
      %dma_wait3A_220 = tpu.memref_slice %arg4[%dma_wait3A_219] : memref<1300000xf32, #tpu.memory_space<hbm>> -> memref<1300000xf32, #tpu.memory_space<hbm>>
      tpu.wait_indirect_dma semaphore(%arg14 : memref<!tpu.dma_semaphore, #tpu.memory_space<semaphore_mem>>) src(%dma_wait3A_220 : memref<1300000xf32, #tpu.memory_space<hbm>>) dst(%dma_wait3A_217 : memref<128xf32, #tpu.memory_space<vmem>>)
      %dma_wait3A_221 = arith.constant 256 : i32
      %dma_wait3A_222 = arith.constant 0 : i32
      %dma_wait3A_223 = tpu.memref_slice %arg10[%dma_wait3A_221, %dma_wait3A_222] : memref<1664x16xf32, #tpu.memory_space<vmem>> -> memref<128x16xf32, #tpu.memory_space<vmem>>
      %dma_wait3A_224 = tpu.memref_slice %arg9[%add3A_45] : memref<6656xi32, #tpu.memory_space<vmem>> -> memref<128xi32, #tpu.memory_space<vmem>>
      %dma_wait3A_225 = arith.constant 0 : i32
      %dma_wait3A_226 = arith.constant 0 : i32
      %dma_wait3A_227 = tpu.memref_slice %arg5[%dma_wait3A_225, %dma_wait3A_226] : memref<1300000x16xf32, #tpu.memory_space<hbm>> -> memref<1300000x16xf32, #tpu.memory_space<hbm>>
      tpu.wait_indirect_dma semaphore(%arg13 : memref<!tpu.dma_semaphore, #tpu.memory_space<semaphore_mem>>) src(%dma_wait3A_227 : memref<1300000x16xf32, #tpu.memory_space<hbm>>) dst(%dma_wait3A_223 : memref<128x16xf32, #tpu.memory_space<vmem>>)
      %dma_wait3A_228 = arith.constant 256 : i32
      %dma_wait3A_229 = tpu.memref_slice %arg11[%dma_wait3A_228] : memref<1664xf32, #tpu.memory_space<vmem>> -> memref<128xf32, #tpu.memory_space<vmem>>
      %dma_wait3A_230 = tpu.memref_slice %arg9[%add3A_45] : memref<6656xi32, #tpu.memory_space<vmem>> -> memref<128xi32, #tpu.memory_space<vmem>>
      %dma_wait3A_231 = arith.constant 0 : i32
      %dma_wait3A_232 = tpu.memref_slice %arg4[%dma_wait3A_231] : memref<1300000xf32, #tpu.memory_space<hbm>> -> memref<1300000xf32, #tpu.memory_space<hbm>>
      tpu.wait_indirect_dma semaphore(%arg14 : memref<!tpu.dma_semaphore, #tpu.memory_space<semaphore_mem>>) src(%dma_wait3A_232 : memref<1300000xf32, #tpu.memory_space<hbm>>) dst(%dma_wait3A_229 : memref<128xf32, #tpu.memory_space<vmem>>)
      %dma_wait3A_233 = arith.constant 384 : i32
      %dma_wait3A_234 = arith.constant 0 : i32
      %dma_wait3A_235 = tpu.memref_slice %arg10[%dma_wait3A_233, %dma_wait3A_234] : memref<1664x16xf32, #tpu.memory_space<vmem>> -> memref<128x16xf32, #tpu.memory_space<vmem>>
      %dma_wait3A_236 = tpu.memref_slice %arg9[%add3A_59] : memref<6656xi32, #tpu.memory_space<vmem>> -> memref<128xi32, #tpu.memory_space<vmem>>
      %dma_wait3A_237 = arith.constant 0 : i32
      %dma_wait3A_238 = arith.constant 0 : i32
      %dma_wait3A_239 = tpu.memref_slice %arg5[%dma_wait3A_237, %dma_wait3A_238] : memref<1300000x16xf32, #tpu.memory_space<hbm>> -> memref<1300000x16xf32, #tpu.memory_space<hbm>>
      tpu.wait_indirect_dma semaphore(%arg13 : memref<!tpu.dma_semaphore, #tpu.memory_space<semaphore_mem>>) src(%dma_wait3A_239 : memref<1300000x16xf32, #tpu.memory_space<hbm>>) dst(%dma_wait3A_235 : memref<128x16xf32, #tpu.memory_space<vmem>>)
      %dma_wait3A_240 = arith.constant 384 : i32
      %dma_wait3A_241 = tpu.memref_slice %arg11[%dma_wait3A_240] : memref<1664xf32, #tpu.memory_space<vmem>> -> memref<128xf32, #tpu.memory_space<vmem>>
      %dma_wait3A_242 = tpu.memref_slice %arg9[%add3A_59] : memref<6656xi32, #tpu.memory_space<vmem>> -> memref<128xi32, #tpu.memory_space<vmem>>
      %dma_wait3A_243 = arith.constant 0 : i32
      %dma_wait3A_244 = tpu.memref_slice %arg4[%dma_wait3A_243] : memref<1300000xf32, #tpu.memory_space<hbm>> -> memref<1300000xf32, #tpu.memory_space<hbm>>
      tpu.wait_indirect_dma semaphore(%arg14 : memref<!tpu.dma_semaphore, #tpu.memory_space<semaphore_mem>>) src(%dma_wait3A_244 : memref<1300000xf32, #tpu.memory_space<hbm>>) dst(%dma_wait3A_241 : memref<128xf32, #tpu.memory_space<vmem>>)
      %dma_wait3A_245 = arith.constant 512 : i32
      %dma_wait3A_246 = arith.constant 0 : i32
      %dma_wait3A_247 = tpu.memref_slice %arg10[%dma_wait3A_245, %dma_wait3A_246] : memref<1664x16xf32, #tpu.memory_space<vmem>> -> memref<128x16xf32, #tpu.memory_space<vmem>>
      %dma_wait3A_248 = tpu.memref_slice %arg9[%add3A_73] : memref<6656xi32, #tpu.memory_space<vmem>> -> memref<128xi32, #tpu.memory_space<vmem>>
      %dma_wait3A_249 = arith.constant 0 : i32
      %dma_wait3A_250 = arith.constant 0 : i32
      %dma_wait3A_251 = tpu.memref_slice %arg5[%dma_wait3A_249, %dma_wait3A_250] : memref<1300000x16xf32, #tpu.memory_space<hbm>> -> memref<1300000x16xf32, #tpu.memory_space<hbm>>
      tpu.wait_indirect_dma semaphore(%arg13 : memref<!tpu.dma_semaphore, #tpu.memory_space<semaphore_mem>>) src(%dma_wait3A_251 : memref<1300000x16xf32, #tpu.memory_space<hbm>>) dst(%dma_wait3A_247 : memref<128x16xf32, #tpu.memory_space<vmem>>)
      %dma_wait3A_252 = arith.constant 512 : i32
      %dma_wait3A_253 = tpu.memref_slice %arg11[%dma_wait3A_252] : memref<1664xf32, #tpu.memory_space<vmem>> -> memref<128xf32, #tpu.memory_space<vmem>>
      %dma_wait3A_254 = tpu.memref_slice %arg9[%add3A_73] : memref<6656xi32, #tpu.memory_space<vmem>> -> memref<128xi32, #tpu.memory_space<vmem>>
      %dma_wait3A_255 = arith.constant 0 : i32
      %dma_wait3A_256 = tpu.memref_slice %arg4[%dma_wait3A_255] : memref<1300000xf32, #tpu.memory_space<hbm>> -> memref<1300000xf32, #tpu.memory_space<hbm>>
      tpu.wait_indirect_dma semaphore(%arg14 : memref<!tpu.dma_semaphore, #tpu.memory_space<semaphore_mem>>) src(%dma_wait3A_256 : memref<1300000xf32, #tpu.memory_space<hbm>>) dst(%dma_wait3A_253 : memref<128xf32, #tpu.memory_space<vmem>>)
      %dma_wait3A_257 = arith.constant 640 : i32
      %dma_wait3A_258 = arith.constant 0 : i32
      %dma_wait3A_259 = tpu.memref_slice %arg10[%dma_wait3A_257, %dma_wait3A_258] : memref<1664x16xf32, #tpu.memory_space<vmem>> -> memref<128x16xf32, #tpu.memory_space<vmem>>
      %dma_wait3A_260 = tpu.memref_slice %arg9[%add3A_87] : memref<6656xi32, #tpu.memory_space<vmem>> -> memref<128xi32, #tpu.memory_space<vmem>>
      %dma_wait3A_261 = arith.constant 0 : i32
      %dma_wait3A_262 = arith.constant 0 : i32
      %dma_wait3A_263 = tpu.memref_slice %arg5[%dma_wait3A_261, %dma_wait3A_262] : memref<1300000x16xf32, #tpu.memory_space<hbm>> -> memref<1300000x16xf32, #tpu.memory_space<hbm>>
      tpu.wait_indirect_dma semaphore(%arg13 : memref<!tpu.dma_semaphore, #tpu.memory_space<semaphore_mem>>) src(%dma_wait3A_263 : memref<1300000x16xf32, #tpu.memory_space<hbm>>) dst(%dma_wait3A_259 : memref<128x16xf32, #tpu.memory_space<vmem>>)
      %dma_wait3A_264 = arith.constant 640 : i32
      %dma_wait3A_265 = tpu.memref_slice %arg11[%dma_wait3A_264] : memref<1664xf32, #tpu.memory_space<vmem>> -> memref<128xf32, #tpu.memory_space<vmem>>
      %dma_wait3A_266 = tpu.memref_slice %arg9[%add3A_87] : memref<6656xi32, #tpu.memory_space<vmem>> -> memref<128xi32, #tpu.memory_space<vmem>>
      %dma_wait3A_267 = arith.constant 0 : i32
      %dma_wait3A_268 = tpu.memref_slice %arg4[%dma_wait3A_267] : memref<1300000xf32, #tpu.memory_space<hbm>> -> memref<1300000xf32, #tpu.memory_space<hbm>>
      tpu.wait_indirect_dma semaphore(%arg14 : memref<!tpu.dma_semaphore, #tpu.memory_space<semaphore_mem>>) src(%dma_wait3A_268 : memref<1300000xf32, #tpu.memory_space<hbm>>) dst(%dma_wait3A_265 : memref<128xf32, #tpu.memory_space<vmem>>)
      %dma_wait3A_269 = arith.constant 768 : i32
      %dma_wait3A_270 = arith.constant 0 : i32
      %dma_wait3A_271 = tpu.memref_slice %arg10[%dma_wait3A_269, %dma_wait3A_270] : memref<1664x16xf32, #tpu.memory_space<vmem>> -> memref<128x16xf32, #tpu.memory_space<vmem>>
      %dma_wait3A_272 = tpu.memref_slice %arg9[%add3A_101] : memref<6656xi32, #tpu.memory_space<vmem>> -> memref<128xi32, #tpu.memory_space<vmem>>
      %dma_wait3A_273 = arith.constant 0 : i32
      %dma_wait3A_274 = arith.constant 0 : i32
      %dma_wait3A_275 = tpu.memref_slice %arg5[%dma_wait3A_273, %dma_wait3A_274] : memref<1300000x16xf32, #tpu.memory_space<hbm>> -> memref<1300000x16xf32, #tpu.memory_space<hbm>>
      tpu.wait_indirect_dma semaphore(%arg13 : memref<!tpu.dma_semaphore, #tpu.memory_space<semaphore_mem>>) src(%dma_wait3A_275 : memref<1300000x16xf32, #tpu.memory_space<hbm>>) dst(%dma_wait3A_271 : memref<128x16xf32, #tpu.memory_space<vmem>>)
      %dma_wait3A_276 = arith.constant 768 : i32
      %dma_wait3A_277 = tpu.memref_slice %arg11[%dma_wait3A_276] : memref<1664xf32, #tpu.memory_space<vmem>> -> memref<128xf32, #tpu.memory_space<vmem>>
      %dma_wait3A_278 = tpu.memref_slice %arg9[%add3A_101] : memref<6656xi32, #tpu.memory_space<vmem>> -> memref<128xi32, #tpu.memory_space<vmem>>
      %dma_wait3A_279 = arith.constant 0 : i32
      %dma_wait3A_280 = tpu.memref_slice %arg4[%dma_wait3A_279] : memref<1300000xf32, #tpu.memory_space<hbm>> -> memref<1300000xf32, #tpu.memory_space<hbm>>
      tpu.wait_indirect_dma semaphore(%arg14 : memref<!tpu.dma_semaphore, #tpu.memory_space<semaphore_mem>>) src(%dma_wait3A_280 : memref<1300000xf32, #tpu.memory_space<hbm>>) dst(%dma_wait3A_277 : memref<128xf32, #tpu.memory_space<vmem>>)
      %dma_wait3A_281 = arith.constant 896 : i32
      %dma_wait3A_282 = arith.constant 0 : i32
      %dma_wait3A_283 = tpu.memref_slice %arg10[%dma_wait3A_281, %dma_wait3A_282] : memref<1664x16xf32, #tpu.memory_space<vmem>> -> memref<128x16xf32, #tpu.memory_space<vmem>>
      %dma_wait3A_284 = tpu.memref_slice %arg9[%add3A_115] : memref<6656xi32, #tpu.memory_space<vmem>> -> memref<128xi32, #tpu.memory_space<vmem>>
      %dma_wait3A_285 = arith.constant 0 : i32
      %dma_wait3A_286 = arith.constant 0 : i32
      %dma_wait3A_287 = tpu.memref_slice %arg5[%dma_wait3A_285, %dma_wait3A_286] : memref<1300000x16xf32, #tpu.memory_space<hbm>> -> memref<1300000x16xf32, #tpu.memory_space<hbm>>
      tpu.wait_indirect_dma semaphore(%arg13 : memref<!tpu.dma_semaphore, #tpu.memory_space<semaphore_mem>>) src(%dma_wait3A_287 : memref<1300000x16xf32, #tpu.memory_space<hbm>>) dst(%dma_wait3A_283 : memref<128x16xf32, #tpu.memory_space<vmem>>)
      %dma_wait3A_288 = arith.constant 896 : i32
      %dma_wait3A_289 = tpu.memref_slice %arg11[%dma_wait3A_288] : memref<1664xf32, #tpu.memory_space<vmem>> -> memref<128xf32, #tpu.memory_space<vmem>>
      %dma_wait3A_290 = tpu.memref_slice %arg9[%add3A_115] : memref<6656xi32, #tpu.memory_space<vmem>> -> memref<128xi32, #tpu.memory_space<vmem>>
      %dma_wait3A_291 = arith.constant 0 : i32
      %dma_wait3A_292 = tpu.memref_slice %arg4[%dma_wait3A_291] : memref<1300000xf32, #tpu.memory_space<hbm>> -> memref<1300000xf32, #tpu.memory_space<hbm>>
      tpu.wait_indirect_dma semaphore(%arg14 : memref<!tpu.dma_semaphore, #tpu.memory_space<semaphore_mem>>) src(%dma_wait3A_292 : memref<1300000xf32, #tpu.memory_space<hbm>>) dst(%dma_wait3A_289 : memref<128xf32, #tpu.memory_space<vmem>>)
      %dma_wait3A_293 = arith.constant 1024 : i32
      %dma_wait3A_294 = arith.constant 0 : i32
      %dma_wait3A_295 = tpu.memref_slice %arg10[%dma_wait3A_293, %dma_wait3A_294] : memref<1664x16xf32, #tpu.memory_space<vmem>> -> memref<128x16xf32, #tpu.memory_space<vmem>>
      %dma_wait3A_296 = tpu.memref_slice %arg9[%add3A_129] : memref<6656xi32, #tpu.memory_space<vmem>> -> memref<128xi32, #tpu.memory_space<vmem>>
      %dma_wait3A_297 = arith.constant 0 : i32
      %dma_wait3A_298 = arith.constant 0 : i32
      %dma_wait3A_299 = tpu.memref_slice %arg5[%dma_wait3A_297, %dma_wait3A_298] : memref<1300000x16xf32, #tpu.memory_space<hbm>> -> memref<1300000x16xf32, #tpu.memory_space<hbm>>
      tpu.wait_indirect_dma semaphore(%arg13 : memref<!tpu.dma_semaphore, #tpu.memory_space<semaphore_mem>>) src(%dma_wait3A_299 : memref<1300000x16xf32, #tpu.memory_space<hbm>>) dst(%dma_wait3A_295 : memref<128x16xf32, #tpu.memory_space<vmem>>)
      %dma_wait3A_300 = arith.constant 1024 : i32
      %dma_wait3A_301 = tpu.memref_slice %arg11[%dma_wait3A_300] : memref<1664xf32, #tpu.memory_space<vmem>> -> memref<128xf32, #tpu.memory_space<vmem>>
      %dma_wait3A_302 = tpu.memref_slice %arg9[%add3A_129] : memref<6656xi32, #tpu.memory_space<vmem>> -> memref<128xi32, #tpu.memory_space<vmem>>
      %dma_wait3A_303 = arith.constant 0 : i32
      %dma_wait3A_304 = tpu.memref_slice %arg4[%dma_wait3A_303] : memref<1300000xf32, #tpu.memory_space<hbm>> -> memref<1300000xf32, #tpu.memory_space<hbm>>
      tpu.wait_indirect_dma semaphore(%arg14 : memref<!tpu.dma_semaphore, #tpu.memory_space<semaphore_mem>>) src(%dma_wait3A_304 : memref<1300000xf32, #tpu.memory_space<hbm>>) dst(%dma_wait3A_301 : memref<128xf32, #tpu.memory_space<vmem>>)
      %dma_wait3A_305 = arith.constant 1152 : i32
      %dma_wait3A_306 = arith.constant 0 : i32
      %dma_wait3A_307 = tpu.memref_slice %arg10[%dma_wait3A_305, %dma_wait3A_306] : memref<1664x16xf32, #tpu.memory_space<vmem>> -> memref<128x16xf32, #tpu.memory_space<vmem>>
      %dma_wait3A_308 = tpu.memref_slice %arg9[%add3A_143] : memref<6656xi32, #tpu.memory_space<vmem>> -> memref<128xi32, #tpu.memory_space<vmem>>
      %dma_wait3A_309 = arith.constant 0 : i32
      %dma_wait3A_310 = arith.constant 0 : i32
      %dma_wait3A_311 = tpu.memref_slice %arg5[%dma_wait3A_309, %dma_wait3A_310] : memref<1300000x16xf32, #tpu.memory_space<hbm>> -> memref<1300000x16xf32, #tpu.memory_space<hbm>>
      tpu.wait_indirect_dma semaphore(%arg13 : memref<!tpu.dma_semaphore, #tpu.memory_space<semaphore_mem>>) src(%dma_wait3A_311 : memref<1300000x16xf32, #tpu.memory_space<hbm>>) dst(%dma_wait3A_307 : memref<128x16xf32, #tpu.memory_space<vmem>>)
      %dma_wait3A_312 = arith.constant 1152 : i32
      %dma_wait3A_313 = tpu.memref_slice %arg11[%dma_wait3A_312] : memref<1664xf32, #tpu.memory_space<vmem>> -> memref<128xf32, #tpu.memory_space<vmem>>
      %dma_wait3A_314 = tpu.memref_slice %arg9[%add3A_143] : memref<6656xi32, #tpu.memory_space<vmem>> -> memref<128xi32, #tpu.memory_space<vmem>>
      %dma_wait3A_315 = arith.constant 0 : i32
      %dma_wait3A_316 = tpu.memref_slice %arg4[%dma_wait3A_315] : memref<1300000xf32, #tpu.memory_space<hbm>> -> memref<1300000xf32, #tpu.memory_space<hbm>>
      tpu.wait_indirect_dma semaphore(%arg14 : memref<!tpu.dma_semaphore, #tpu.memory_space<semaphore_mem>>) src(%dma_wait3A_316 : memref<1300000xf32, #tpu.memory_space<hbm>>) dst(%dma_wait3A_313 : memref<128xf32, #tpu.memory_space<vmem>>)
      %dma_wait3A_317 = arith.constant 1280 : i32
      %dma_wait3A_318 = arith.constant 0 : i32
      %dma_wait3A_319 = tpu.memref_slice %arg10[%dma_wait3A_317, %dma_wait3A_318] : memref<1664x16xf32, #tpu.memory_space<vmem>> -> memref<128x16xf32, #tpu.memory_space<vmem>>
      %dma_wait3A_320 = tpu.memref_slice %arg9[%add3A_157] : memref<6656xi32, #tpu.memory_space<vmem>> -> memref<128xi32, #tpu.memory_space<vmem>>
      %dma_wait3A_321 = arith.constant 0 : i32
      %dma_wait3A_322 = arith.constant 0 : i32
      %dma_wait3A_323 = tpu.memref_slice %arg5[%dma_wait3A_321, %dma_wait3A_322] : memref<1300000x16xf32, #tpu.memory_space<hbm>> -> memref<1300000x16xf32, #tpu.memory_space<hbm>>
      tpu.wait_indirect_dma semaphore(%arg13 : memref<!tpu.dma_semaphore, #tpu.memory_space<semaphore_mem>>) src(%dma_wait3A_323 : memref<1300000x16xf32, #tpu.memory_space<hbm>>) dst(%dma_wait3A_319 : memref<128x16xf32, #tpu.memory_space<vmem>>)
      %dma_wait3A_324 = arith.constant 1280 : i32
      %dma_wait3A_325 = tpu.memref_slice %arg11[%dma_wait3A_324] : memref<1664xf32, #tpu.memory_space<vmem>> -> memref<128xf32, #tpu.memory_space<vmem>>
      %dma_wait3A_326 = tpu.memref_slice %arg9[%add3A_157] : memref<6656xi32, #tpu.memory_space<vmem>> -> memref<128xi32, #tpu.memory_space<vmem>>
      %dma_wait3A_327 = arith.constant 0 : i32
      %dma_wait3A_328 = tpu.memref_slice %arg4[%dma_wait3A_327] : memref<1300000xf32, #tpu.memory_space<hbm>> -> memref<1300000xf32, #tpu.memory_space<hbm>>
      tpu.wait_indirect_dma semaphore(%arg14 : memref<!tpu.dma_semaphore, #tpu.memory_space<semaphore_mem>>) src(%dma_wait3A_328 : memref<1300000xf32, #tpu.memory_space<hbm>>) dst(%dma_wait3A_325 : memref<128xf32, #tpu.memory_space<vmem>>)
      %dma_wait3A_329 = arith.constant 1408 : i32
      %dma_wait3A_330 = arith.constant 0 : i32
      %dma_wait3A_331 = tpu.memref_slice %arg10[%dma_wait3A_329, %dma_wait3A_330] : memref<1664x16xf32, #tpu.memory_space<vmem>> -> memref<128x16xf32, #tpu.memory_space<vmem>>
      %dma_wait3A_332 = tpu.memref_slice %arg9[%add3A_171] : memref<6656xi32, #tpu.memory_space<vmem>> -> memref<128xi32, #tpu.memory_space<vmem>>
      %dma_wait3A_333 = arith.constant 0 : i32
      %dma_wait3A_334 = arith.constant 0 : i32
      %dma_wait3A_335 = tpu.memref_slice %arg5[%dma_wait3A_333, %dma_wait3A_334] : memref<1300000x16xf32, #tpu.memory_space<hbm>> -> memref<1300000x16xf32, #tpu.memory_space<hbm>>
      tpu.wait_indirect_dma semaphore(%arg13 : memref<!tpu.dma_semaphore, #tpu.memory_space<semaphore_mem>>) src(%dma_wait3A_335 : memref<1300000x16xf32, #tpu.memory_space<hbm>>) dst(%dma_wait3A_331 : memref<128x16xf32, #tpu.memory_space<vmem>>)
      %dma_wait3A_336 = arith.constant 1408 : i32
      %dma_wait3A_337 = tpu.memref_slice %arg11[%dma_wait3A_336] : memref<1664xf32, #tpu.memory_space<vmem>> -> memref<128xf32, #tpu.memory_space<vmem>>
      %dma_wait3A_338 = tpu.memref_slice %arg9[%add3A_171] : memref<6656xi32, #tpu.memory_space<vmem>> -> memref<128xi32, #tpu.memory_space<vmem>>
      %dma_wait3A_339 = arith.constant 0 : i32
      %dma_wait3A_340 = tpu.memref_slice %arg4[%dma_wait3A_339] : memref<1300000xf32, #tpu.memory_space<hbm>> -> memref<1300000xf32, #tpu.memory_space<hbm>>
      tpu.wait_indirect_dma semaphore(%arg14 : memref<!tpu.dma_semaphore, #tpu.memory_space<semaphore_mem>>) src(%dma_wait3A_340 : memref<1300000xf32, #tpu.memory_space<hbm>>) dst(%dma_wait3A_337 : memref<128xf32, #tpu.memory_space<vmem>>)
      %dma_wait3A_341 = arith.constant 1536 : i32
      %dma_wait3A_342 = arith.constant 0 : i32
      %dma_wait3A_343 = tpu.memref_slice %arg10[%dma_wait3A_341, %dma_wait3A_342] : memref<1664x16xf32, #tpu.memory_space<vmem>> -> memref<128x16xf32, #tpu.memory_space<vmem>>
      %dma_wait3A_344 = tpu.memref_slice %arg9[%add3A_185] : memref<6656xi32, #tpu.memory_space<vmem>> -> memref<128xi32, #tpu.memory_space<vmem>>
      %dma_wait3A_345 = arith.constant 0 : i32
      %dma_wait3A_346 = arith.constant 0 : i32
      %dma_wait3A_347 = tpu.memref_slice %arg5[%dma_wait3A_345, %dma_wait3A_346] : memref<1300000x16xf32, #tpu.memory_space<hbm>> -> memref<1300000x16xf32, #tpu.memory_space<hbm>>
      tpu.wait_indirect_dma semaphore(%arg13 : memref<!tpu.dma_semaphore, #tpu.memory_space<semaphore_mem>>) src(%dma_wait3A_347 : memref<1300000x16xf32, #tpu.memory_space<hbm>>) dst(%dma_wait3A_343 : memref<128x16xf32, #tpu.memory_space<vmem>>)
      %dma_wait3A_348 = arith.constant 1536 : i32
      %dma_wait3A_349 = tpu.memref_slice %arg11[%dma_wait3A_348] : memref<1664xf32, #tpu.memory_space<vmem>> -> memref<128xf32, #tpu.memory_space<vmem>>
      %dma_wait3A_350 = tpu.memref_slice %arg9[%add3A_185] : memref<6656xi32, #tpu.memory_space<vmem>> -> memref<128xi32, #tpu.memory_space<vmem>>
      %dma_wait3A_351 = arith.constant 0 : i32
      %dma_wait3A_352 = tpu.memref_slice %arg4[%dma_wait3A_351] : memref<1300000xf32, #tpu.memory_space<hbm>> -> memref<1300000xf32, #tpu.memory_space<hbm>>
      tpu.wait_indirect_dma semaphore(%arg14 : memref<!tpu.dma_semaphore, #tpu.memory_space<semaphore_mem>>) src(%dma_wait3A_352 : memref<1300000xf32, #tpu.memory_space<hbm>>) dst(%dma_wait3A_349 : memref<128xf32, #tpu.memory_space<vmem>>)
      %add3A_353 = arith.addi %mul3A_2, %multiple_of3A : i32
      "tpu.region"() ({
        %run_scoped3A = tpu.sem_alloc : memref<!tpu.dma_semaphore, #tpu.memory_space<semaphore_mem>>
        %dma_start3A_355 = arith.constant 0 : i32
        %dma_start3A_356 = tpu.memref_slice %arg6[%add3A_353, %dma_start3A_355] : memref<212992x16xf32, #tpu.memory_space<hbm>> -> memref<1664x16xf32, #tpu.memory_space<hbm>>
        %dma_start3A_357 = arith.constant 0 : i32
        %dma_start3A_358 = tpu.memref_slice %arg6[%add3A_353, %dma_start3A_357] : memref<212992x16xf32, #tpu.memory_space<hbm>> -> memref<1664x16xf32, #tpu.memory_space<hbm>>
        tpu.enqueue_dma source(%arg10 : memref<1664x16xf32, #tpu.memory_space<vmem>>) target(%dma_start3A_358 : memref<1664x16xf32, #tpu.memory_space<hbm>>) target_semaphore(%run_scoped3A : memref<!tpu.dma_semaphore, #tpu.memory_space<semaphore_mem>>)
        %dma_wait3A_359 = arith.constant 0 : i32
        %dma_wait3A_360 = tpu.memref_slice %arg6[%add3A_353, %dma_wait3A_359] : memref<212992x16xf32, #tpu.memory_space<hbm>> -> memref<1664x16xf32, #tpu.memory_space<hbm>>
        %dma_wait3A_361 = arith.constant 0 : i32
        %dma_wait3A_362 = tpu.memref_slice %arg6[%add3A_353, %dma_wait3A_361] : memref<212992x16xf32, #tpu.memory_space<hbm>> -> memref<1664x16xf32, #tpu.memory_space<hbm>>
        tpu.wait_dma2 semaphore(%run_scoped3A : memref<!tpu.dma_semaphore, #tpu.memory_space<semaphore_mem>>) src(%arg10 : memref<1664x16xf32, #tpu.memory_space<vmem>>) dst(%dma_wait3A_362 : memref<1664x16xf32, #tpu.memory_space<hbm>>)
        tpu.yield
      }) : () -> ()
      %add3A_354 = arith.addi %mul3A_2, %multiple_of3A : i32
      "tpu.region"() ({
        %run_scoped3A = tpu.sem_alloc : memref<!tpu.dma_semaphore, #tpu.memory_space<semaphore_mem>>
        %dma_start3A_355 = tpu.memref_slice %arg7[%add3A_354] : memref<212992xf32, #tpu.memory_space<hbm>> -> memref<1664xf32, #tpu.memory_space<hbm>>
        %dma_start3A_356 = tpu.memref_slice %arg7[%add3A_354] : memref<212992xf32, #tpu.memory_space<hbm>> -> memref<1664xf32, #tpu.memory_space<hbm>>
        tpu.enqueue_dma source(%arg11 : memref<1664xf32, #tpu.memory_space<vmem>>) target(%dma_start3A_356 : memref<1664xf32, #tpu.memory_space<hbm>>) target_semaphore(%run_scoped3A : memref<!tpu.dma_semaphore, #tpu.memory_space<semaphore_mem>>)
        %dma_wait3A_357 = tpu.memref_slice %arg7[%add3A_354] : memref<212992xf32, #tpu.memory_space<hbm>> -> memref<1664xf32, #tpu.memory_space<hbm>>
        %dma_wait3A_358 = tpu.memref_slice %arg7[%add3A_354] : memref<212992xf32, #tpu.memory_space<hbm>> -> memref<1664xf32, #tpu.memory_space<hbm>>
        tpu.wait_dma2 semaphore(%run_scoped3A : memref<!tpu.dma_semaphore, #tpu.memory_space<semaphore_mem>>) src(%arg11 : memref<1664xf32, #tpu.memory_space<vmem>>) dst(%dma_wait3A_358 : memref<1664xf32, #tpu.memory_space<hbm>>)
        tpu.yield
      }) : () -> ()
    }
    %scan3A_13 = arith.constant 4 : i32
    return
  }
}

#map = affine_map<(d0, d1) -> (0)>
#map1 = affine_map<(d0, d1) -> (0, 0)>
module attributes {stable_mosaic.version = 14 : i64} {
  func.func @gather_k(%arg0: i32, %arg1: i32, %arg2: memref<212992xi32, #tpu.memory_space<hbm>>, %arg3: memref<208xi32, #tpu.memory_space<hbm>>, %arg4: memref<1300000xf32, #tpu.memory_space<hbm>>, %arg5: memref<1300000x16xf32, #tpu.memory_space<hbm>>, %arg6: memref<212992x16xf32, #tpu.memory_space<hbm>>, %arg7: memref<212992xf32, #tpu.memory_space<hbm>>, %arg8: memref<6656xi32, #tpu.memory_space<vmem>>, %arg9: memref<6656xi32, #tpu.memory_space<vmem>>, %arg10: memref<1664x16xf32, #tpu.memory_space<vmem>>, %arg11: memref<1664xf32, #tpu.memory_space<vmem>>, %arg12: memref<208xi32, #tpu.memory_space<vmem>>, %arg13: memref<!tpu.dma_semaphore, #tpu.memory_space<semaphore_mem>>, %arg14: memref<!tpu.dma_semaphore, #tpu.memory_space<semaphore_mem>>) attributes {dimension_semantics = [#tpu.dimension_semantics<core_parallel>, #tpu.dimension_semantics<subcore_parallel>], iteration_bounds = array<i64: 2, 16>, scalar_prefetch = 0 : i64, scratch_operands = 7 : i64, tpu.core_type = #tpu.core_type<sc_vector_subcore>, window_params = [{transform_indices = #map}, {transform_indices = #map}, {transform_indices = #map}, {transform_indices = #map1}, {transform_indices = #map1}, {transform_indices = #map}]} {
    %mul3A = arith.constant 2 : i32
    %mul3A_0 = arith.muli %arg1, %mul3A : i32
    %add3A = arith.addi %mul3A_0, %arg0 : i32
    %mul3A_1 = arith.constant 6656 : i32
    %mul3A_2 = arith.muli %add3A, %mul3A_1 : i32
    "tpu.region"() ({
      %run_scoped3A = tpu.sem_alloc : memref<!tpu.dma_semaphore, #tpu.memory_space<semaphore_mem>>
      %dma_start3A = tpu.memref_slice %arg2[%mul3A_2] : memref<212992xi32, #tpu.memory_space<hbm>> -> memref<6656xi32, #tpu.memory_space<hbm>>
      %dma_start3A_14 = tpu.memref_slice %arg2[%mul3A_2] : memref<212992xi32, #tpu.memory_space<hbm>> -> memref<6656xi32, #tpu.memory_space<hbm>>
      tpu.enqueue_dma source(%dma_start3A_14 : memref<6656xi32, #tpu.memory_space<hbm>>) target(%arg8 : memref<6656xi32, #tpu.memory_space<vmem>>) target_semaphore(%run_scoped3A : memref<!tpu.dma_semaphore, #tpu.memory_space<semaphore_mem>>)
      %dma_wait3A = tpu.memref_slice %arg2[%mul3A_2] : memref<212992xi32, #tpu.memory_space<hbm>> -> memref<6656xi32, #tpu.memory_space<hbm>>
      %dma_wait3A_15 = tpu.memref_slice %arg2[%mul3A_2] : memref<212992xi32, #tpu.memory_space<hbm>> -> memref<6656xi32, #tpu.memory_space<hbm>>
      tpu.wait_dma2 semaphore(%run_scoped3A : memref<!tpu.dma_semaphore, #tpu.memory_space<semaphore_mem>>) src(%dma_wait3A_15 : memref<6656xi32, #tpu.memory_space<hbm>>) dst(%arg8 : memref<6656xi32, #tpu.memory_space<vmem>>)
      tpu.yield
    }) : () -> ()
    "tpu.region"() ({
      %run_scoped3A = tpu.sem_alloc : memref<!tpu.dma_semaphore, #tpu.memory_space<semaphore_mem>>
      tpu.enqueue_dma source(%arg3 : memref<208xi32, #tpu.memory_space<hbm>>) target(%arg12 : memref<208xi32, #tpu.memory_space<vmem>>) target_semaphore(%run_scoped3A : memref<!tpu.dma_semaphore, #tpu.memory_space<semaphore_mem>>)
      tpu.wait_dma2 semaphore(%run_scoped3A : memref<!tpu.dma_semaphore, #tpu.memory_space<semaphore_mem>>) src(%arg3 : memref<208xi32, #tpu.memory_space<hbm>>) dst(%arg12 : memref<208xi32, #tpu.memory_space<vmem>>)
      tpu.yield
    }) : () -> ()
    %scan3A = arith.constant 0 : i32
    %scan3A_3 = arith.constant 0 : i32
    %scan3A_4 = arith.constant 32 : i32
    %scan3A_5 = arith.addi %scan3A_3, %scan3A_4 : i32
    %scan3A_6 = arith.constant 1 : i32
    scf.for %scan3A_14 = %scan3A_3 to %scan3A_5 step %scan3A_6  : i32 {
      %mul3A_15 = arith.constant 208 : i32
      %mul3A_16 = arith.muli %scan3A_14, %mul3A_15 : i32
      %multiple_of3A = tpu.assume_multiple %mul3A_16, 208 : i32
      %add3A_17 = arith.constant 0 : i32
      %add3A_18 = arith.addi %multiple_of3A, %add3A_17 : i32
      %get3A = arith.index_cast %add3A_18 : i32 to index
      %get3A_19 = tpu.vector_load %arg8[%get3A] {strides = array<i32>} : memref<6656xi32, #tpu.memory_space<vmem>>, vector<16xi32>,
      %get3A_20 = vector.shape_cast %get3A_19 : vector<16xi32> to vector<16xi32>
      %get3A_21 = arith.constant 0 : index
      %get3A_22 = tpu.vector_load %arg12[%get3A_21] {strides = array<i32>} : memref<208xi32, #tpu.memory_space<vmem>>, vector<16xi32>,
      %get3A_23 = vector.shape_cast %get3A_22 : vector<16xi32> to vector<16xi32>
      %add3A_24 = arith.addi %get3A_20, %get3A_23 : vector<16xi32>
      %swap3A = arith.index_cast %add3A_18 : i32 to index
      %swap3A_25 = tpu.vector_load %arg9[%swap3A] {strides = array<i32>} : memref<6656xi32, #tpu.memory_space<vmem>>, vector<16xi32>,
      %swap3A_26 = vector.shape_cast %swap3A_25 : vector<16xi32> to vector<16xi32>
      %swap3A_27 = vector.shape_cast %add3A_24 : vector<16xi32> to vector<16xi32>
      tpu.vector_store %arg9[%swap3A], %swap3A_27 {strides = array<i32>} : memref<6656xi32, #tpu.memory_space<vmem>>, vector<16xi32>,
      %add3A_28 = arith.constant 16 : i32
      %add3A_29 = arith.addi %multiple_of3A, %add3A_28 : i32
      %get3A_30 = arith.index_cast %add3A_29 : i32 to index
      %get3A_31 = tpu.vector_load %arg8[%get3A_30] {strides = array<i32>} : memref<6656xi32, #tpu.memory_space<vmem>>, vector<16xi32>,
      %get3A_32 = vector.shape_cast %get3A_31 : vector<16xi32> to vector<16xi32>
      %get3A_33 = arith.constant 16 : index
      %get3A_34 = tpu.vector_load %arg12[%get3A_33] {strides = array<i32>} : memref<208xi32, #tpu.memory_space<vmem>>, vector<16xi32>,
      %get3A_35 = vector.shape_cast %get3A_34 : vector<16xi32> to vector<16xi32>
      %add3A_36 = arith.addi %get3A_32, %get3A_35 : vector<16xi32>
      %swap3A_37 = arith.index_cast %add3A_29 : i32 to index
      %swap3A_38 = tpu.vector_load %arg9[%swap3A_37] {strides = array<i32>} : memref<6656xi32, #tpu.memory_space<vmem>>, vector<16xi32>,
      %swap3A_39 = vector.shape_cast %swap3A_38 : vector<16xi32> to vector<16xi32>
      %swap3A_40 = vector.shape_cast %add3A_36 : vector<16xi32> to vector<16xi32>
      tpu.vector_store %arg9[%swap3A_37], %swap3A_40 {strides = array<i32>} : memref<6656xi32, #tpu.memory_space<vmem>>, vector<16xi32>,
      %add3A_41 = arith.constant 32 : i32
      %add3A_42 = arith.addi %multiple_of3A, %add3A_41 : i32
      %get3A_43 = arith.index_cast %add3A_42 : i32 to index
      %get3A_44 = tpu.vector_load %arg8[%get3A_43] {strides = array<i32>} : memref<6656xi32, #tpu.memory_space<vmem>>, vector<16xi32>,
      %get3A_45 = vector.shape_cast %get3A_44 : vector<16xi32> to vector<16xi32>
      %get3A_46 = arith.constant 32 : index
      %get3A_47 = tpu.vector_load %arg12[%get3A_46] {strides = array<i32>} : memref<208xi32, #tpu.memory_space<vmem>>, vector<16xi32>,
      %get3A_48 = vector.shape_cast %get3A_47 : vector<16xi32> to vector<16xi32>
      %add3A_49 = arith.addi %get3A_45, %get3A_48 : vector<16xi32>
      %swap3A_50 = arith.index_cast %add3A_42 : i32 to index
      %swap3A_51 = tpu.vector_load %arg9[%swap3A_50] {strides = array<i32>} : memref<6656xi32, #tpu.memory_space<vmem>>, vector<16xi32>,
      %swap3A_52 = vector.shape_cast %swap3A_51 : vector<16xi32> to vector<16xi32>
      %swap3A_53 = vector.shape_cast %add3A_49 : vector<16xi32> to vector<16xi32>
      tpu.vector_store %arg9[%swap3A_50], %swap3A_53 {strides = array<i32>} : memref<6656xi32, #tpu.memory_space<vmem>>, vector<16xi32>,
      %add3A_54 = arith.constant 48 : i32
      %add3A_55 = arith.addi %multiple_of3A, %add3A_54 : i32
      %get3A_56 = arith.index_cast %add3A_55 : i32 to index
      %get3A_57 = tpu.vector_load %arg8[%get3A_56] {strides = array<i32>} : memref<6656xi32, #tpu.memory_space<vmem>>, vector<16xi32>,
      %get3A_58 = vector.shape_cast %get3A_57 : vector<16xi32> to vector<16xi32>
      %get3A_59 = arith.constant 48 : index
      %get3A_60 = tpu.vector_load %arg12[%get3A_59] {strides = array<i32>} : memref<208xi32, #tpu.memory_space<vmem>>, vector<16xi32>,
      %get3A_61 = vector.shape_cast %get3A_60 : vector<16xi32> to vector<16xi32>
      %add3A_62 = arith.addi %get3A_58, %get3A_61 : vector<16xi32>
      %swap3A_63 = arith.index_cast %add3A_55 : i32 to index
      %swap3A_64 = tpu.vector_load %arg9[%swap3A_63] {strides = array<i32>} : memref<6656xi32, #tpu.memory_space<vmem>>, vector<16xi32>,
      %swap3A_65 = vector.shape_cast %swap3A_64 : vector<16xi32> to vector<16xi32>
      %swap3A_66 = vector.shape_cast %add3A_62 : vector<16xi32> to vector<16xi32>
      tpu.vector_store %arg9[%swap3A_63], %swap3A_66 {strides = array<i32>} : memref<6656xi32, #tpu.memory_space<vmem>>, vector<16xi32>,
      %add3A_67 = arith.constant 64 : i32
      %add3A_68 = arith.addi %multiple_of3A, %add3A_67 : i32
      %get3A_69 = arith.index_cast %add3A_68 : i32 to index
      %get3A_70 = tpu.vector_load %arg8[%get3A_69] {strides = array<i32>} : memref<6656xi32, #tpu.memory_space<vmem>>, vector<16xi32>,
      %get3A_71 = vector.shape_cast %get3A_70 : vector<16xi32> to vector<16xi32>
      %get3A_72 = arith.constant 64 : index
      %get3A_73 = tpu.vector_load %arg12[%get3A_72] {strides = array<i32>} : memref<208xi32, #tpu.memory_space<vmem>>, vector<16xi32>,
      %get3A_74 = vector.shape_cast %get3A_73 : vector<16xi32> to vector<16xi32>
      %add3A_75 = arith.addi %get3A_71, %get3A_74 : vector<16xi32>
      %swap3A_76 = arith.index_cast %add3A_68 : i32 to index
      %swap3A_77 = tpu.vector_load %arg9[%swap3A_76] {strides = array<i32>} : memref<6656xi32, #tpu.memory_space<vmem>>, vector<16xi32>,
      %swap3A_78 = vector.shape_cast %swap3A_77 : vector<16xi32> to vector<16xi32>
      %swap3A_79 = vector.shape_cast %add3A_75 : vector<16xi32> to vector<16xi32>
      tpu.vector_store %arg9[%swap3A_76], %swap3A_79 {strides = array<i32>} : memref<6656xi32, #tpu.memory_space<vmem>>, vector<16xi32>,
      %add3A_80 = arith.constant 80 : i32
      %add3A_81 = arith.addi %multiple_of3A, %add3A_80 : i32
      %get3A_82 = arith.index_cast %add3A_81 : i32 to index
      %get3A_83 = tpu.vector_load %arg8[%get3A_82] {strides = array<i32>} : memref<6656xi32, #tpu.memory_space<vmem>>, vector<16xi32>,
      %get3A_84 = vector.shape_cast %get3A_83 : vector<16xi32> to vector<16xi32>
      %get3A_85 = arith.constant 80 : index
      %get3A_86 = tpu.vector_load %arg12[%get3A_85] {strides = array<i32>} : memref<208xi32, #tpu.memory_space<vmem>>, vector<16xi32>,
      %get3A_87 = vector.shape_cast %get3A_86 : vector<16xi32> to vector<16xi32>
      %add3A_88 = arith.addi %get3A_84, %get3A_87 : vector<16xi32>
      %swap3A_89 = arith.index_cast %add3A_81 : i32 to index
      %swap3A_90 = tpu.vector_load %arg9[%swap3A_89] {strides = array<i32>} : memref<6656xi32, #tpu.memory_space<vmem>>, vector<16xi32>,
      %swap3A_91 = vector.shape_cast %swap3A_90 : vector<16xi32> to vector<16xi32>
      %swap3A_92 = vector.shape_cast %add3A_88 : vector<16xi32> to vector<16xi32>
      tpu.vector_store %arg9[%swap3A_89], %swap3A_92 {strides = array<i32>} : memref<6656xi32, #tpu.memory_space<vmem>>, vector<16xi32>,
      %add3A_93 = arith.constant 96 : i32
      %add3A_94 = arith.addi %multiple_of3A, %add3A_93 : i32
      %get3A_95 = arith.index_cast %add3A_94 : i32 to index
      %get3A_96 = tpu.vector_load %arg8[%get3A_95] {strides = array<i32>} : memref<6656xi32, #tpu.memory_space<vmem>>, vector<16xi32>,
      %get3A_97 = vector.shape_cast %get3A_96 : vector<16xi32> to vector<16xi32>
      %get3A_98 = arith.constant 96 : index
      %get3A_99 = tpu.vector_load %arg12[%get3A_98] {strides = array<i32>} : memref<208xi32, #tpu.memory_space<vmem>>, vector<16xi32>,
      %get3A_100 = vector.shape_cast %get3A_99 : vector<16xi32> to vector<16xi32>
      %add3A_101 = arith.addi %get3A_97, %get3A_100 : vector<16xi32>
      %swap3A_102 = arith.index_cast %add3A_94 : i32 to index
      %swap3A_103 = tpu.vector_load %arg9[%swap3A_102] {strides = array<i32>} : memref<6656xi32, #tpu.memory_space<vmem>>, vector<16xi32>,
      %swap3A_104 = vector.shape_cast %swap3A_103 : vector<16xi32> to vector<16xi32>
      %swap3A_105 = vector.shape_cast %add3A_101 : vector<16xi32> to vector<16xi32>
      tpu.vector_store %arg9[%swap3A_102], %swap3A_105 {strides = array<i32>} : memref<6656xi32, #tpu.memory_space<vmem>>, vector<16xi32>,
      %add3A_106 = arith.constant 112 : i32
      %add3A_107 = arith.addi %multiple_of3A, %add3A_106 : i32
      %get3A_108 = arith.index_cast %add3A_107 : i32 to index
      %get3A_109 = tpu.vector_load %arg8[%get3A_108] {strides = array<i32>} : memref<6656xi32, #tpu.memory_space<vmem>>, vector<16xi32>,
      %get3A_110 = vector.shape_cast %get3A_109 : vector<16xi32> to vector<16xi32>
      %get3A_111 = arith.constant 112 : index
      %get3A_112 = tpu.vector_load %arg12[%get3A_111] {strides = array<i32>} : memref<208xi32, #tpu.memory_space<vmem>>, vector<16xi32>,
      %get3A_113 = vector.shape_cast %get3A_112 : vector<16xi32> to vector<16xi32>
      %add3A_114 = arith.addi %get3A_110, %get3A_113 : vector<16xi32>
      %swap3A_115 = arith.index_cast %add3A_107 : i32 to index
      %swap3A_116 = tpu.vector_load %arg9[%swap3A_115] {strides = array<i32>} : memref<6656xi32, #tpu.memory_space<vmem>>, vector<16xi32>,
      %swap3A_117 = vector.shape_cast %swap3A_116 : vector<16xi32> to vector<16xi32>
      %swap3A_118 = vector.shape_cast %add3A_114 : vector<16xi32> to vector<16xi32>
      tpu.vector_store %arg9[%swap3A_115], %swap3A_118 {strides = array<i32>} : memref<6656xi32, #tpu.memory_space<vmem>>, vector<16xi32>,
      %add3A_119 = arith.constant 128 : i32
      %add3A_120 = arith.addi %multiple_of3A, %add3A_119 : i32
      %get3A_121 = arith.index_cast %add3A_120 : i32 to index
      %get3A_122 = tpu.vector_load %arg8[%get3A_121] {strides = array<i32>} : memref<6656xi32, #tpu.memory_space<vmem>>, vector<16xi32>,
      %get3A_123 = vector.shape_cast %get3A_122 : vector<16xi32> to vector<16xi32>
      %get3A_124 = arith.constant 128 : index
      %get3A_125 = tpu.vector_load %arg12[%get3A_124] {strides = array<i32>} : memref<208xi32, #tpu.memory_space<vmem>>, vector<16xi32>,
      %get3A_126 = vector.shape_cast %get3A_125 : vector<16xi32> to vector<16xi32>
      %add3A_127 = arith.addi %get3A_123, %get3A_126 : vector<16xi32>
      %swap3A_128 = arith.index_cast %add3A_120 : i32 to index
      %swap3A_129 = tpu.vector_load %arg9[%swap3A_128] {strides = array<i32>} : memref<6656xi32, #tpu.memory_space<vmem>>, vector<16xi32>,
      %swap3A_130 = vector.shape_cast %swap3A_129 : vector<16xi32> to vector<16xi32>
      %swap3A_131 = vector.shape_cast %add3A_127 : vector<16xi32> to vector<16xi32>
      tpu.vector_store %arg9[%swap3A_128], %swap3A_131 {strides = array<i32>} : memref<6656xi32, #tpu.memory_space<vmem>>, vector<16xi32>,
      %add3A_132 = arith.constant 144 : i32
      %add3A_133 = arith.addi %multiple_of3A, %add3A_132 : i32
      %get3A_134 = arith.index_cast %add3A_133 : i32 to index
      %get3A_135 = tpu.vector_load %arg8[%get3A_134] {strides = array<i32>} : memref<6656xi32, #tpu.memory_space<vmem>>, vector<16xi32>,
      %get3A_136 = vector.shape_cast %get3A_135 : vector<16xi32> to vector<16xi32>
      %get3A_137 = arith.constant 144 : index
      %get3A_138 = tpu.vector_load %arg12[%get3A_137] {strides = array<i32>} : memref<208xi32, #tpu.memory_space<vmem>>, vector<16xi32>,
      %get3A_139 = vector.shape_cast %get3A_138 : vector<16xi32> to vector<16xi32>
      %add3A_140 = arith.addi %get3A_136, %get3A_139 : vector<16xi32>
      %swap3A_141 = arith.index_cast %add3A_133 : i32 to index
      %swap3A_142 = tpu.vector_load %arg9[%swap3A_141] {strides = array<i32>} : memref<6656xi32, #tpu.memory_space<vmem>>, vector<16xi32>,
      %swap3A_143 = vector.shape_cast %swap3A_142 : vector<16xi32> to vector<16xi32>
      %swap3A_144 = vector.shape_cast %add3A_140 : vector<16xi32> to vector<16xi32>
      tpu.vector_store %arg9[%swap3A_141], %swap3A_144 {strides = array<i32>} : memref<6656xi32, #tpu.memory_space<vmem>>, vector<16xi32>,
      %add3A_145 = arith.constant 160 : i32
      %add3A_146 = arith.addi %multiple_of3A, %add3A_145 : i32
      %get3A_147 = arith.index_cast %add3A_146 : i32 to index
      %get3A_148 = tpu.vector_load %arg8[%get3A_147] {strides = array<i32>} : memref<6656xi32, #tpu.memory_space<vmem>>, vector<16xi32>,
      %get3A_149 = vector.shape_cast %get3A_148 : vector<16xi32> to vector<16xi32>
      %get3A_150 = arith.constant 160 : index
      %get3A_151 = tpu.vector_load %arg12[%get3A_150] {strides = array<i32>} : memref<208xi32, #tpu.memory_space<vmem>>, vector<16xi32>,
      %get3A_152 = vector.shape_cast %get3A_151 : vector<16xi32> to vector<16xi32>
      %add3A_153 = arith.addi %get3A_149, %get3A_152 : vector<16xi32>
      %swap3A_154 = arith.index_cast %add3A_146 : i32 to index
      %swap3A_155 = tpu.vector_load %arg9[%swap3A_154] {strides = array<i32>} : memref<6656xi32, #tpu.memory_space<vmem>>, vector<16xi32>,
      %swap3A_156 = vector.shape_cast %swap3A_155 : vector<16xi32> to vector<16xi32>
      %swap3A_157 = vector.shape_cast %add3A_153 : vector<16xi32> to vector<16xi32>
      tpu.vector_store %arg9[%swap3A_154], %swap3A_157 {strides = array<i32>} : memref<6656xi32, #tpu.memory_space<vmem>>, vector<16xi32>,
      %add3A_158 = arith.constant 176 : i32
      %add3A_159 = arith.addi %multiple_of3A, %add3A_158 : i32
      %get3A_160 = arith.index_cast %add3A_159 : i32 to index
      %get3A_161 = tpu.vector_load %arg8[%get3A_160] {strides = array<i32>} : memref<6656xi32, #tpu.memory_space<vmem>>, vector<16xi32>,
      %get3A_162 = vector.shape_cast %get3A_161 : vector<16xi32> to vector<16xi32>
      %get3A_163 = arith.constant 176 : index
      %get3A_164 = tpu.vector_load %arg12[%get3A_163] {strides = array<i32>} : memref<208xi32, #tpu.memory_space<vmem>>, vector<16xi32>,
      %get3A_165 = vector.shape_cast %get3A_164 : vector<16xi32> to vector<16xi32>
      %add3A_166 = arith.addi %get3A_162, %get3A_165 : vector<16xi32>
      %swap3A_167 = arith.index_cast %add3A_159 : i32 to index
      %swap3A_168 = tpu.vector_load %arg9[%swap3A_167] {strides = array<i32>} : memref<6656xi32, #tpu.memory_space<vmem>>, vector<16xi32>,
      %swap3A_169 = vector.shape_cast %swap3A_168 : vector<16xi32> to vector<16xi32>
      %swap3A_170 = vector.shape_cast %add3A_166 : vector<16xi32> to vector<16xi32>
      tpu.vector_store %arg9[%swap3A_167], %swap3A_170 {strides = array<i32>} : memref<6656xi32, #tpu.memory_space<vmem>>, vector<16xi32>,
      %add3A_171 = arith.constant 192 : i32
      %add3A_172 = arith.addi %multiple_of3A, %add3A_171 : i32
      %get3A_173 = arith.index_cast %add3A_172 : i32 to index
      %get3A_174 = tpu.vector_load %arg8[%get3A_173] {strides = array<i32>} : memref<6656xi32, #tpu.memory_space<vmem>>, vector<16xi32>,
      %get3A_175 = vector.shape_cast %get3A_174 : vector<16xi32> to vector<16xi32>
      %get3A_176 = arith.constant 192 : index
      %get3A_177 = tpu.vector_load %arg12[%get3A_176] {strides = array<i32>} : memref<208xi32, #tpu.memory_space<vmem>>, vector<16xi32>,
      %get3A_178 = vector.shape_cast %get3A_177 : vector<16xi32> to vector<16xi32>
      %add3A_179 = arith.addi %get3A_175, %get3A_178 : vector<16xi32>
      %swap3A_180 = arith.index_cast %add3A_172 : i32 to index
      %swap3A_181 = tpu.vector_load %arg9[%swap3A_180] {strides = array<i32>} : memref<6656xi32, #tpu.memory_space<vmem>>, vector<16xi32>,
      %swap3A_182 = vector.shape_cast %swap3A_181 : vector<16xi32> to vector<16xi32>
      %swap3A_183 = vector.shape_cast %add3A_179 : vector<16xi32> to vector<16xi32>
      tpu.vector_store %arg9[%swap3A_180], %swap3A_183 {strides = array<i32>} : memref<6656xi32, #tpu.memory_space<vmem>>, vector<16xi32>,
    }
    %scan3A_7 = arith.constant 32 : i32
    %scan3A_8 = arith.constant 0 : i32
    %scan3A_9 = arith.constant 0 : i32
    %scan3A_10 = arith.constant 4 : i32
    %scan3A_11 = arith.addi %scan3A_9, %scan3A_10 : i32
    %scan3A_12 = arith.constant 1 : i32
    scf.for %scan3A_14 = %scan3A_9 to %scan3A_11 step %scan3A_12  : i32 {
      %mul3A_15 = arith.constant 1664 : i32
      %mul3A_16 = arith.muli %scan3A_14, %mul3A_15 : i32
      %multiple_of3A = tpu.assume_multiple %mul3A_16, 1664 : i32
      %add3A_17 = arith.constant 0 : i32
      %add3A_18 = arith.addi %multiple_of3A, %add3A_17 : i32
      %dma_start3A = arith.constant 0 : i32
      %dma_start3A_19 = arith.constant 0 : i32
      %dma_start3A_20 = tpu.memref_slice %arg10[%dma_start3A, %dma_start3A_19] : memref<1664x16xf32, #tpu.memory_space<vmem>> -> memref<128x16xf32, #tpu.memory_space<vmem>>
      %dma_start3A_21 = tpu.memref_slice %arg9[%add3A_18] : memref<6656xi32, #tpu.memory_space<vmem>> -> memref<128xi32, #tpu.memory_space<vmem>>
      %dma_start3A_22 = arith.constant 0 : i32
      %dma_start3A_23 = arith.constant 0 : i32
      %dma_start3A_24 = tpu.memref_slice %arg5[%dma_start3A_22, %dma_start3A_23] : memref<1300000x16xf32, #tpu.memory_space<hbm>> -> memref<1300000x16xf32, #tpu.memory_space<hbm>>
      tpu.enqueue_indirect_dma source(%dma_start3A_24 : memref<1300000x16xf32, #tpu.memory_space<hbm>>) target(%dma_start3A_20 : memref<128x16xf32, #tpu.memory_space<vmem>>) offsets(%dma_start3A_21 : memref<128xi32, #tpu.memory_space<vmem>>) semaphore(%arg13 : memref<!tpu.dma_semaphore, #tpu.memory_space<semaphore_mem>>)
      %dma_start3A_25 = arith.constant 0 : i32
      %dma_start3A_26 = tpu.memref_slice %arg11[%dma_start3A_25] : memref<1664xf32, #tpu.memory_space<vmem>> -> memref<128xf32, #tpu.memory_space<vmem>>
      %dma_start3A_27 = tpu.memref_slice %arg9[%add3A_18] : memref<6656xi32, #tpu.memory_space<vmem>> -> memref<128xi32, #tpu.memory_space<vmem>>
      %dma_start3A_28 = arith.constant 0 : i32
      %dma_start3A_29 = tpu.memref_slice %arg4[%dma_start3A_28] : memref<1300000xf32, #tpu.memory_space<hbm>> -> memref<1300000xf32, #tpu.memory_space<hbm>>
      tpu.enqueue_indirect_dma source(%dma_start3A_29 : memref<1300000xf32, #tpu.memory_space<hbm>>) target(%dma_start3A_26 : memref<128xf32, #tpu.memory_space<vmem>>) offsets(%dma_start3A_27 : memref<128xi32, #tpu.memory_space<vmem>>) semaphore(%arg14 : memref<!tpu.dma_semaphore, #tpu.memory_space<semaphore_mem>>)
      %add3A_30 = arith.constant 128 : i32
      %add3A_31 = arith.addi %multiple_of3A, %add3A_30 : i32
      %dma_start3A_32 = arith.constant 128 : i32
      %dma_start3A_33 = arith.constant 0 : i32
      %dma_start3A_34 = tpu.memref_slice %arg10[%dma_start3A_32, %dma_start3A_33] : memref<1664x16xf32, #tpu.memory_space<vmem>> -> memref<128x16xf32, #tpu.memory_space<vmem>>
      %dma_start3A_35 = tpu.memref_slice %arg9[%add3A_31] : memref<6656xi32, #tpu.memory_space<vmem>> -> memref<128xi32, #tpu.memory_space<vmem>>
      %dma_start3A_36 = arith.constant 0 : i32
      %dma_start3A_37 = arith.constant 0 : i32
      %dma_start3A_38 = tpu.memref_slice %arg5[%dma_start3A_36, %dma_start3A_37] : memref<1300000x16xf32, #tpu.memory_space<hbm>> -> memref<1300000x16xf32, #tpu.memory_space<hbm>>
      tpu.enqueue_indirect_dma source(%dma_start3A_38 : memref<1300000x16xf32, #tpu.memory_space<hbm>>) target(%dma_start3A_34 : memref<128x16xf32, #tpu.memory_space<vmem>>) offsets(%dma_start3A_35 : memref<128xi32, #tpu.memory_space<vmem>>) semaphore(%arg13 : memref<!tpu.dma_semaphore, #tpu.memory_space<semaphore_mem>>)
      %dma_start3A_39 = arith.constant 128 : i32
      %dma_start3A_40 = tpu.memref_slice %arg11[%dma_start3A_39] : memref<1664xf32, #tpu.memory_space<vmem>> -> memref<128xf32, #tpu.memory_space<vmem>>
      %dma_start3A_41 = tpu.memref_slice %arg9[%add3A_31] : memref<6656xi32, #tpu.memory_space<vmem>> -> memref<128xi32, #tpu.memory_space<vmem>>
      %dma_start3A_42 = arith.constant 0 : i32
      %dma_start3A_43 = tpu.memref_slice %arg4[%dma_start3A_42] : memref<1300000xf32, #tpu.memory_space<hbm>> -> memref<1300000xf32, #tpu.memory_space<hbm>>
      tpu.enqueue_indirect_dma source(%dma_start3A_43 : memref<1300000xf32, #tpu.memory_space<hbm>>) target(%dma_start3A_40 : memref<128xf32, #tpu.memory_space<vmem>>) offsets(%dma_start3A_41 : memref<128xi32, #tpu.memory_space<vmem>>) semaphore(%arg14 : memref<!tpu.dma_semaphore, #tpu.memory_space<semaphore_mem>>)
      %add3A_44 = arith.constant 256 : i32
      %add3A_45 = arith.addi %multiple_of3A, %add3A_44 : i32
      %dma_start3A_46 = arith.constant 256 : i32
      %dma_start3A_47 = arith.constant 0 : i32
      %dma_start3A_48 = tpu.memref_slice %arg10[%dma_start3A_46, %dma_start3A_47] : memref<1664x16xf32, #tpu.memory_space<vmem>> -> memref<128x16xf32, #tpu.memory_space<vmem>>
      %dma_start3A_49 = tpu.memref_slice %arg9[%add3A_45] : memref<6656xi32, #tpu.memory_space<vmem>> -> memref<128xi32, #tpu.memory_space<vmem>>
      %dma_start3A_50 = arith.constant 0 : i32
      %dma_start3A_51 = arith.constant 0 : i32
      %dma_start3A_52 = tpu.memref_slice %arg5[%dma_start3A_50, %dma_start3A_51] : memref<1300000x16xf32, #tpu.memory_space<hbm>> -> memref<1300000x16xf32, #tpu.memory_space<hbm>>
      tpu.enqueue_indirect_dma source(%dma_start3A_52 : memref<1300000x16xf32, #tpu.memory_space<hbm>>) target(%dma_start3A_48 : memref<128x16xf32, #tpu.memory_space<vmem>>) offsets(%dma_start3A_49 : memref<128xi32, #tpu.memory_space<vmem>>) semaphore(%arg13 : memref<!tpu.dma_semaphore, #tpu.memory_space<semaphore_mem>>)
      %dma_start3A_53 = arith.constant 256 : i32
      %dma_start3A_54 = tpu.memref_slice %arg11[%dma_start3A_53] : memref<1664xf32, #tpu.memory_space<vmem>> -> memref<128xf32, #tpu.memory_space<vmem>>
      %dma_start3A_55 = tpu.memref_slice %arg9[%add3A_45] : memref<6656xi32, #tpu.memory_space<vmem>> -> memref<128xi32, #tpu.memory_space<vmem>>
      %dma_start3A_56 = arith.constant 0 : i32
      %dma_start3A_57 = tpu.memref_slice %arg4[%dma_start3A_56] : memref<1300000xf32, #tpu.memory_space<hbm>> -> memref<1300000xf32, #tpu.memory_space<hbm>>
      tpu.enqueue_indirect_dma source(%dma_start3A_57 : memref<1300000xf32, #tpu.memory_space<hbm>>) target(%dma_start3A_54 : memref<128xf32, #tpu.memory_space<vmem>>) offsets(%dma_start3A_55 : memref<128xi32, #tpu.memory_space<vmem>>) semaphore(%arg14 : memref<!tpu.dma_semaphore, #tpu.memory_space<semaphore_mem>>)
      %add3A_58 = arith.constant 384 : i32
      %add3A_59 = arith.addi %multiple_of3A, %add3A_58 : i32
      %dma_start3A_60 = arith.constant 384 : i32
      %dma_start3A_61 = arith.constant 0 : i32
      %dma_start3A_62 = tpu.memref_slice %arg10[%dma_start3A_60, %dma_start3A_61] : memref<1664x16xf32, #tpu.memory_space<vmem>> -> memref<128x16xf32, #tpu.memory_space<vmem>>
      %dma_start3A_63 = tpu.memref_slice %arg9[%add3A_59] : memref<6656xi32, #tpu.memory_space<vmem>> -> memref<128xi32, #tpu.memory_space<vmem>>
      %dma_start3A_64 = arith.constant 0 : i32
      %dma_start3A_65 = arith.constant 0 : i32
      %dma_start3A_66 = tpu.memref_slice %arg5[%dma_start3A_64, %dma_start3A_65] : memref<1300000x16xf32, #tpu.memory_space<hbm>> -> memref<1300000x16xf32, #tpu.memory_space<hbm>>
      tpu.enqueue_indirect_dma source(%dma_start3A_66 : memref<1300000x16xf32, #tpu.memory_space<hbm>>) target(%dma_start3A_62 : memref<128x16xf32, #tpu.memory_space<vmem>>) offsets(%dma_start3A_63 : memref<128xi32, #tpu.memory_space<vmem>>) semaphore(%arg13 : memref<!tpu.dma_semaphore, #tpu.memory_space<semaphore_mem>>)
      %dma_start3A_67 = arith.constant 384 : i32
      %dma_start3A_68 = tpu.memref_slice %arg11[%dma_start3A_67] : memref<1664xf32, #tpu.memory_space<vmem>> -> memref<128xf32, #tpu.memory_space<vmem>>
      %dma_start3A_69 = tpu.memref_slice %arg9[%add3A_59] : memref<6656xi32, #tpu.memory_space<vmem>> -> memref<128xi32, #tpu.memory_space<vmem>>
      %dma_start3A_70 = arith.constant 0 : i32
      %dma_start3A_71 = tpu.memref_slice %arg4[%dma_start3A_70] : memref<1300000xf32, #tpu.memory_space<hbm>> -> memref<1300000xf32, #tpu.memory_space<hbm>>
      tpu.enqueue_indirect_dma source(%dma_start3A_71 : memref<1300000xf32, #tpu.memory_space<hbm>>) target(%dma_start3A_68 : memref<128xf32, #tpu.memory_space<vmem>>) offsets(%dma_start3A_69 : memref<128xi32, #tpu.memory_space<vmem>>) semaphore(%arg14 : memref<!tpu.dma_semaphore, #tpu.memory_space<semaphore_mem>>)
      %add3A_72 = arith.constant 512 : i32
      %add3A_73 = arith.addi %multiple_of3A, %add3A_72 : i32
      %dma_start3A_74 = arith.constant 512 : i32
      %dma_start3A_75 = arith.constant 0 : i32
      %dma_start3A_76 = tpu.memref_slice %arg10[%dma_start3A_74, %dma_start3A_75] : memref<1664x16xf32, #tpu.memory_space<vmem>> -> memref<128x16xf32, #tpu.memory_space<vmem>>
      %dma_start3A_77 = tpu.memref_slice %arg9[%add3A_73] : memref<6656xi32, #tpu.memory_space<vmem>> -> memref<128xi32, #tpu.memory_space<vmem>>
      %dma_start3A_78 = arith.constant 0 : i32
      %dma_start3A_79 = arith.constant 0 : i32
      %dma_start3A_80 = tpu.memref_slice %arg5[%dma_start3A_78, %dma_start3A_79] : memref<1300000x16xf32, #tpu.memory_space<hbm>> -> memref<1300000x16xf32, #tpu.memory_space<hbm>>
      tpu.enqueue_indirect_dma source(%dma_start3A_80 : memref<1300000x16xf32, #tpu.memory_space<hbm>>) target(%dma_start3A_76 : memref<128x16xf32, #tpu.memory_space<vmem>>) offsets(%dma_start3A_77 : memref<128xi32, #tpu.memory_space<vmem>>) semaphore(%arg13 : memref<!tpu.dma_semaphore, #tpu.memory_space<semaphore_mem>>)
      %dma_start3A_81 = arith.constant 512 : i32
      %dma_start3A_82 = tpu.memref_slice %arg11[%dma_start3A_81] : memref<1664xf32, #tpu.memory_space<vmem>> -> memref<128xf32, #tpu.memory_space<vmem>>
      %dma_start3A_83 = tpu.memref_slice %arg9[%add3A_73] : memref<6656xi32, #tpu.memory_space<vmem>> -> memref<128xi32, #tpu.memory_space<vmem>>
      %dma_start3A_84 = arith.constant 0 : i32
      %dma_start3A_85 = tpu.memref_slice %arg4[%dma_start3A_84] : memref<1300000xf32, #tpu.memory_space<hbm>> -> memref<1300000xf32, #tpu.memory_space<hbm>>
      tpu.enqueue_indirect_dma source(%dma_start3A_85 : memref<1300000xf32, #tpu.memory_space<hbm>>) target(%dma_start3A_82 : memref<128xf32, #tpu.memory_space<vmem>>) offsets(%dma_start3A_83 : memref<128xi32, #tpu.memory_space<vmem>>) semaphore(%arg14 : memref<!tpu.dma_semaphore, #tpu.memory_space<semaphore_mem>>)
      %add3A_86 = arith.constant 640 : i32
      %add3A_87 = arith.addi %multiple_of3A, %add3A_86 : i32
      %dma_start3A_88 = arith.constant 640 : i32
      %dma_start3A_89 = arith.constant 0 : i32
      %dma_start3A_90 = tpu.memref_slice %arg10[%dma_start3A_88, %dma_start3A_89] : memref<1664x16xf32, #tpu.memory_space<vmem>> -> memref<128x16xf32, #tpu.memory_space<vmem>>
      %dma_start3A_91 = tpu.memref_slice %arg9[%add3A_87] : memref<6656xi32, #tpu.memory_space<vmem>> -> memref<128xi32, #tpu.memory_space<vmem>>
      %dma_start3A_92 = arith.constant 0 : i32
      %dma_start3A_93 = arith.constant 0 : i32
      %dma_start3A_94 = tpu.memref_slice %arg5[%dma_start3A_92, %dma_start3A_93] : memref<1300000x16xf32, #tpu.memory_space<hbm>> -> memref<1300000x16xf32, #tpu.memory_space<hbm>>
      tpu.enqueue_indirect_dma source(%dma_start3A_94 : memref<1300000x16xf32, #tpu.memory_space<hbm>>) target(%dma_start3A_90 : memref<128x16xf32, #tpu.memory_space<vmem>>) offsets(%dma_start3A_91 : memref<128xi32, #tpu.memory_space<vmem>>) semaphore(%arg13 : memref<!tpu.dma_semaphore, #tpu.memory_space<semaphore_mem>>)
      %dma_start3A_95 = arith.constant 640 : i32
      %dma_start3A_96 = tpu.memref_slice %arg11[%dma_start3A_95] : memref<1664xf32, #tpu.memory_space<vmem>> -> memref<128xf32, #tpu.memory_space<vmem>>
      %dma_start3A_97 = tpu.memref_slice %arg9[%add3A_87] : memref<6656xi32, #tpu.memory_space<vmem>> -> memref<128xi32, #tpu.memory_space<vmem>>
      %dma_start3A_98 = arith.constant 0 : i32
      %dma_start3A_99 = tpu.memref_slice %arg4[%dma_start3A_98] : memref<1300000xf32, #tpu.memory_space<hbm>> -> memref<1300000xf32, #tpu.memory_space<hbm>>
      tpu.enqueue_indirect_dma source(%dma_start3A_99 : memref<1300000xf32, #tpu.memory_space<hbm>>) target(%dma_start3A_96 : memref<128xf32, #tpu.memory_space<vmem>>) offsets(%dma_start3A_97 : memref<128xi32, #tpu.memory_space<vmem>>) semaphore(%arg14 : memref<!tpu.dma_semaphore, #tpu.memory_space<semaphore_mem>>)
      %add3A_100 = arith.constant 768 : i32
      %add3A_101 = arith.addi %multiple_of3A, %add3A_100 : i32
      %dma_start3A_102 = arith.constant 768 : i32
      %dma_start3A_103 = arith.constant 0 : i32
      %dma_start3A_104 = tpu.memref_slice %arg10[%dma_start3A_102, %dma_start3A_103] : memref<1664x16xf32, #tpu.memory_space<vmem>> -> memref<128x16xf32, #tpu.memory_space<vmem>>
      %dma_start3A_105 = tpu.memref_slice %arg9[%add3A_101] : memref<6656xi32, #tpu.memory_space<vmem>> -> memref<128xi32, #tpu.memory_space<vmem>>
      %dma_start3A_106 = arith.constant 0 : i32
      %dma_start3A_107 = arith.constant 0 : i32
      %dma_start3A_108 = tpu.memref_slice %arg5[%dma_start3A_106, %dma_start3A_107] : memref<1300000x16xf32, #tpu.memory_space<hbm>> -> memref<1300000x16xf32, #tpu.memory_space<hbm>>
      tpu.enqueue_indirect_dma source(%dma_start3A_108 : memref<1300000x16xf32, #tpu.memory_space<hbm>>) target(%dma_start3A_104 : memref<128x16xf32, #tpu.memory_space<vmem>>) offsets(%dma_start3A_105 : memref<128xi32, #tpu.memory_space<vmem>>) semaphore(%arg13 : memref<!tpu.dma_semaphore, #tpu.memory_space<semaphore_mem>>)
      %dma_start3A_109 = arith.constant 768 : i32
      %dma_start3A_110 = tpu.memref_slice %arg11[%dma_start3A_109] : memref<1664xf32, #tpu.memory_space<vmem>> -> memref<128xf32, #tpu.memory_space<vmem>>
      %dma_start3A_111 = tpu.memref_slice %arg9[%add3A_101] : memref<6656xi32, #tpu.memory_space<vmem>> -> memref<128xi32, #tpu.memory_space<vmem>>
      %dma_start3A_112 = arith.constant 0 : i32
      %dma_start3A_113 = tpu.memref_slice %arg4[%dma_start3A_112] : memref<1300000xf32, #tpu.memory_space<hbm>> -> memref<1300000xf32, #tpu.memory_space<hbm>>
      tpu.enqueue_indirect_dma source(%dma_start3A_113 : memref<1300000xf32, #tpu.memory_space<hbm>>) target(%dma_start3A_110 : memref<128xf32, #tpu.memory_space<vmem>>) offsets(%dma_start3A_111 : memref<128xi32, #tpu.memory_space<vmem>>) semaphore(%arg14 : memref<!tpu.dma_semaphore, #tpu.memory_space<semaphore_mem>>)
      %add3A_114 = arith.constant 896 : i32
      %add3A_115 = arith.addi %multiple_of3A, %add3A_114 : i32
      %dma_start3A_116 = arith.constant 896 : i32
      %dma_start3A_117 = arith.constant 0 : i32
      %dma_start3A_118 = tpu.memref_slice %arg10[%dma_start3A_116, %dma_start3A_117] : memref<1664x16xf32, #tpu.memory_space<vmem>> -> memref<128x16xf32, #tpu.memory_space<vmem>>
      %dma_start3A_119 = tpu.memref_slice %arg9[%add3A_115] : memref<6656xi32, #tpu.memory_space<vmem>> -> memref<128xi32, #tpu.memory_space<vmem>>
      %dma_start3A_120 = arith.constant 0 : i32
      %dma_start3A_121 = arith.constant 0 : i32
      %dma_start3A_122 = tpu.memref_slice %arg5[%dma_start3A_120, %dma_start3A_121] : memref<1300000x16xf32, #tpu.memory_space<hbm>> -> memref<1300000x16xf32, #tpu.memory_space<hbm>>
      tpu.enqueue_indirect_dma source(%dma_start3A_122 : memref<1300000x16xf32, #tpu.memory_space<hbm>>) target(%dma_start3A_118 : memref<128x16xf32, #tpu.memory_space<vmem>>) offsets(%dma_start3A_119 : memref<128xi32, #tpu.memory_space<vmem>>) semaphore(%arg13 : memref<!tpu.dma_semaphore, #tpu.memory_space<semaphore_mem>>)
      %dma_start3A_123 = arith.constant 896 : i32
      %dma_start3A_124 = tpu.memref_slice %arg11[%dma_start3A_123] : memref<1664xf32, #tpu.memory_space<vmem>> -> memref<128xf32, #tpu.memory_space<vmem>>
      %dma_start3A_125 = tpu.memref_slice %arg9[%add3A_115] : memref<6656xi32, #tpu.memory_space<vmem>> -> memref<128xi32, #tpu.memory_space<vmem>>
      %dma_start3A_126 = arith.constant 0 : i32
      %dma_start3A_127 = tpu.memref_slice %arg4[%dma_start3A_126] : memref<1300000xf32, #tpu.memory_space<hbm>> -> memref<1300000xf32, #tpu.memory_space<hbm>>
      tpu.enqueue_indirect_dma source(%dma_start3A_127 : memref<1300000xf32, #tpu.memory_space<hbm>>) target(%dma_start3A_124 : memref<128xf32, #tpu.memory_space<vmem>>) offsets(%dma_start3A_125 : memref<128xi32, #tpu.memory_space<vmem>>) semaphore(%arg14 : memref<!tpu.dma_semaphore, #tpu.memory_space<semaphore_mem>>)
      %add3A_128 = arith.constant 1024 : i32
      %add3A_129 = arith.addi %multiple_of3A, %add3A_128 : i32
      %dma_start3A_130 = arith.constant 1024 : i32
      %dma_start3A_131 = arith.constant 0 : i32
      %dma_start3A_132 = tpu.memref_slice %arg10[%dma_start3A_130, %dma_start3A_131] : memref<1664x16xf32, #tpu.memory_space<vmem>> -> memref<128x16xf32, #tpu.memory_space<vmem>>
      %dma_start3A_133 = tpu.memref_slice %arg9[%add3A_129] : memref<6656xi32, #tpu.memory_space<vmem>> -> memref<128xi32, #tpu.memory_space<vmem>>
      %dma_start3A_134 = arith.constant 0 : i32
      %dma_start3A_135 = arith.constant 0 : i32
      %dma_start3A_136 = tpu.memref_slice %arg5[%dma_start3A_134, %dma_start3A_135] : memref<1300000x16xf32, #tpu.memory_space<hbm>> -> memref<1300000x16xf32, #tpu.memory_space<hbm>>
      tpu.enqueue_indirect_dma source(%dma_start3A_136 : memref<1300000x16xf32, #tpu.memory_space<hbm>>) target(%dma_start3A_132 : memref<128x16xf32, #tpu.memory_space<vmem>>) offsets(%dma_start3A_133 : memref<128xi32, #tpu.memory_space<vmem>>) semaphore(%arg13 : memref<!tpu.dma_semaphore, #tpu.memory_space<semaphore_mem>>)
      %dma_start3A_137 = arith.constant 1024 : i32
      %dma_start3A_138 = tpu.memref_slice %arg11[%dma_start3A_137] : memref<1664xf32, #tpu.memory_space<vmem>> -> memref<128xf32, #tpu.memory_space<vmem>>
      %dma_start3A_139 = tpu.memref_slice %arg9[%add3A_129] : memref<6656xi32, #tpu.memory_space<vmem>> -> memref<128xi32, #tpu.memory_space<vmem>>
      %dma_start3A_140 = arith.constant 0 : i32
      %dma_start3A_141 = tpu.memref_slice %arg4[%dma_start3A_140] : memref<1300000xf32, #tpu.memory_space<hbm>> -> memref<1300000xf32, #tpu.memory_space<hbm>>
      tpu.enqueue_indirect_dma source(%dma_start3A_141 : memref<1300000xf32, #tpu.memory_space<hbm>>) target(%dma_start3A_138 : memref<128xf32, #tpu.memory_space<vmem>>) offsets(%dma_start3A_139 : memref<128xi32, #tpu.memory_space<vmem>>) semaphore(%arg14 : memref<!tpu.dma_semaphore, #tpu.memory_space<semaphore_mem>>)
      %add3A_142 = arith.constant 1152 : i32
      %add3A_143 = arith.addi %multiple_of3A, %add3A_142 : i32
      %dma_start3A_144 = arith.constant 1152 : i32
      %dma_start3A_145 = arith.constant 0 : i32
      %dma_start3A_146 = tpu.memref_slice %arg10[%dma_start3A_144, %dma_start3A_145] : memref<1664x16xf32, #tpu.memory_space<vmem>> -> memref<128x16xf32, #tpu.memory_space<vmem>>
      %dma_start3A_147 = tpu.memref_slice %arg9[%add3A_143] : memref<6656xi32, #tpu.memory_space<vmem>> -> memref<128xi32, #tpu.memory_space<vmem>>
      %dma_start3A_148 = arith.constant 0 : i32
      %dma_start3A_149 = arith.constant 0 : i32
      %dma_start3A_150 = tpu.memref_slice %arg5[%dma_start3A_148, %dma_start3A_149] : memref<1300000x16xf32, #tpu.memory_space<hbm>> -> memref<1300000x16xf32, #tpu.memory_space<hbm>>
      tpu.enqueue_indirect_dma source(%dma_start3A_150 : memref<1300000x16xf32, #tpu.memory_space<hbm>>) target(%dma_start3A_146 : memref<128x16xf32, #tpu.memory_space<vmem>>) offsets(%dma_start3A_147 : memref<128xi32, #tpu.memory_space<vmem>>) semaphore(%arg13 : memref<!tpu.dma_semaphore, #tpu.memory_space<semaphore_mem>>)
      %dma_start3A_151 = arith.constant 1152 : i32
      %dma_start3A_152 = tpu.memref_slice %arg11[%dma_start3A_151] : memref<1664xf32, #tpu.memory_space<vmem>> -> memref<128xf32, #tpu.memory_space<vmem>>
      %dma_start3A_153 = tpu.memref_slice %arg9[%add3A_143] : memref<6656xi32, #tpu.memory_space<vmem>> -> memref<128xi32, #tpu.memory_space<vmem>>
      %dma_start3A_154 = arith.constant 0 : i32
      %dma_start3A_155 = tpu.memref_slice %arg4[%dma_start3A_154] : memref<1300000xf32, #tpu.memory_space<hbm>> -> memref<1300000xf32, #tpu.memory_space<hbm>>
      tpu.enqueue_indirect_dma source(%dma_start3A_155 : memref<1300000xf32, #tpu.memory_space<hbm>>) target(%dma_start3A_152 : memref<128xf32, #tpu.memory_space<vmem>>) offsets(%dma_start3A_153 : memref<128xi32, #tpu.memory_space<vmem>>) semaphore(%arg14 : memref<!tpu.dma_semaphore, #tpu.memory_space<semaphore_mem>>)
      %add3A_156 = arith.constant 1280 : i32
      %add3A_157 = arith.addi %multiple_of3A, %add3A_156 : i32
      %dma_start3A_158 = arith.constant 1280 : i32
      %dma_start3A_159 = arith.constant 0 : i32
      %dma_start3A_160 = tpu.memref_slice %arg10[%dma_start3A_158, %dma_start3A_159] : memref<1664x16xf32, #tpu.memory_space<vmem>> -> memref<128x16xf32, #tpu.memory_space<vmem>>
      %dma_start3A_161 = tpu.memref_slice %arg9[%add3A_157] : memref<6656xi32, #tpu.memory_space<vmem>> -> memref<128xi32, #tpu.memory_space<vmem>>
      %dma_start3A_162 = arith.constant 0 : i32
      %dma_start3A_163 = arith.constant 0 : i32
      %dma_start3A_164 = tpu.memref_slice %arg5[%dma_start3A_162, %dma_start3A_163] : memref<1300000x16xf32, #tpu.memory_space<hbm>> -> memref<1300000x16xf32, #tpu.memory_space<hbm>>
      tpu.enqueue_indirect_dma source(%dma_start3A_164 : memref<1300000x16xf32, #tpu.memory_space<hbm>>) target(%dma_start3A_160 : memref<128x16xf32, #tpu.memory_space<vmem>>) offsets(%dma_start3A_161 : memref<128xi32, #tpu.memory_space<vmem>>) semaphore(%arg13 : memref<!tpu.dma_semaphore, #tpu.memory_space<semaphore_mem>>)
      %dma_start3A_165 = arith.constant 1280 : i32
      %dma_start3A_166 = tpu.memref_slice %arg11[%dma_start3A_165] : memref<1664xf32, #tpu.memory_space<vmem>> -> memref<128xf32, #tpu.memory_space<vmem>>
      %dma_start3A_167 = tpu.memref_slice %arg9[%add3A_157] : memref<6656xi32, #tpu.memory_space<vmem>> -> memref<128xi32, #tpu.memory_space<vmem>>
      %dma_start3A_168 = arith.constant 0 : i32
      %dma_start3A_169 = tpu.memref_slice %arg4[%dma_start3A_168] : memref<1300000xf32, #tpu.memory_space<hbm>> -> memref<1300000xf32, #tpu.memory_space<hbm>>
      tpu.enqueue_indirect_dma source(%dma_start3A_169 : memref<1300000xf32, #tpu.memory_space<hbm>>) target(%dma_start3A_166 : memref<128xf32, #tpu.memory_space<vmem>>) offsets(%dma_start3A_167 : memref<128xi32, #tpu.memory_space<vmem>>) semaphore(%arg14 : memref<!tpu.dma_semaphore, #tpu.memory_space<semaphore_mem>>)
      %add3A_170 = arith.constant 1408 : i32
      %add3A_171 = arith.addi %multiple_of3A, %add3A_170 : i32
      %dma_start3A_172 = arith.constant 1408 : i32
      %dma_start3A_173 = arith.constant 0 : i32
      %dma_start3A_174 = tpu.memref_slice %arg10[%dma_start3A_172, %dma_start3A_173] : memref<1664x16xf32, #tpu.memory_space<vmem>> -> memref<128x16xf32, #tpu.memory_space<vmem>>
      %dma_start3A_175 = tpu.memref_slice %arg9[%add3A_171] : memref<6656xi32, #tpu.memory_space<vmem>> -> memref<128xi32, #tpu.memory_space<vmem>>
      %dma_start3A_176 = arith.constant 0 : i32
      %dma_start3A_177 = arith.constant 0 : i32
      %dma_start3A_178 = tpu.memref_slice %arg5[%dma_start3A_176, %dma_start3A_177] : memref<1300000x16xf32, #tpu.memory_space<hbm>> -> memref<1300000x16xf32, #tpu.memory_space<hbm>>
      tpu.enqueue_indirect_dma source(%dma_start3A_178 : memref<1300000x16xf32, #tpu.memory_space<hbm>>) target(%dma_start3A_174 : memref<128x16xf32, #tpu.memory_space<vmem>>) offsets(%dma_start3A_175 : memref<128xi32, #tpu.memory_space<vmem>>) semaphore(%arg13 : memref<!tpu.dma_semaphore, #tpu.memory_space<semaphore_mem>>)
      %dma_start3A_179 = arith.constant 1408 : i32
      %dma_start3A_180 = tpu.memref_slice %arg11[%dma_start3A_179] : memref<1664xf32, #tpu.memory_space<vmem>> -> memref<128xf32, #tpu.memory_space<vmem>>
      %dma_start3A_181 = tpu.memref_slice %arg9[%add3A_171] : memref<6656xi32, #tpu.memory_space<vmem>> -> memref<128xi32, #tpu.memory_space<vmem>>
      %dma_start3A_182 = arith.constant 0 : i32
      %dma_start3A_183 = tpu.memref_slice %arg4[%dma_start3A_182] : memref<1300000xf32, #tpu.memory_space<hbm>> -> memref<1300000xf32, #tpu.memory_space<hbm>>
      tpu.enqueue_indirect_dma source(%dma_start3A_183 : memref<1300000xf32, #tpu.memory_space<hbm>>) target(%dma_start3A_180 : memref<128xf32, #tpu.memory_space<vmem>>) offsets(%dma_start3A_181 : memref<128xi32, #tpu.memory_space<vmem>>) semaphore(%arg14 : memref<!tpu.dma_semaphore, #tpu.memory_space<semaphore_mem>>)
      %add3A_184 = arith.constant 1536 : i32
      %add3A_185 = arith.addi %multiple_of3A, %add3A_184 : i32
      %dma_start3A_186 = arith.constant 1536 : i32
      %dma_start3A_187 = arith.constant 0 : i32
      %dma_start3A_188 = tpu.memref_slice %arg10[%dma_start3A_186, %dma_start3A_187] : memref<1664x16xf32, #tpu.memory_space<vmem>> -> memref<128x16xf32, #tpu.memory_space<vmem>>
      %dma_start3A_189 = tpu.memref_slice %arg9[%add3A_185] : memref<6656xi32, #tpu.memory_space<vmem>> -> memref<128xi32, #tpu.memory_space<vmem>>
      %dma_start3A_190 = arith.constant 0 : i32
      %dma_start3A_191 = arith.constant 0 : i32
      %dma_start3A_192 = tpu.memref_slice %arg5[%dma_start3A_190, %dma_start3A_191] : memref<1300000x16xf32, #tpu.memory_space<hbm>> -> memref<1300000x16xf32, #tpu.memory_space<hbm>>
      tpu.enqueue_indirect_dma source(%dma_start3A_192 : memref<1300000x16xf32, #tpu.memory_space<hbm>>) target(%dma_start3A_188 : memref<128x16xf32, #tpu.memory_space<vmem>>) offsets(%dma_start3A_189 : memref<128xi32, #tpu.memory_space<vmem>>) semaphore(%arg13 : memref<!tpu.dma_semaphore, #tpu.memory_space<semaphore_mem>>)
      %dma_start3A_193 = arith.constant 1536 : i32
      %dma_start3A_194 = tpu.memref_slice %arg11[%dma_start3A_193] : memref<1664xf32, #tpu.memory_space<vmem>> -> memref<128xf32, #tpu.memory_space<vmem>>
      %dma_start3A_195 = tpu.memref_slice %arg9[%add3A_185] : memref<6656xi32, #tpu.memory_space<vmem>> -> memref<128xi32, #tpu.memory_space<vmem>>
      %dma_start3A_196 = arith.constant 0 : i32
      %dma_start3A_197 = tpu.memref_slice %arg4[%dma_start3A_196] : memref<1300000xf32, #tpu.memory_space<hbm>> -> memref<1300000xf32, #tpu.memory_space<hbm>>
      tpu.enqueue_indirect_dma source(%dma_start3A_197 : memref<1300000xf32, #tpu.memory_space<hbm>>) target(%dma_start3A_194 : memref<128xf32, #tpu.memory_space<vmem>>) offsets(%dma_start3A_195 : memref<128xi32, #tpu.memory_space<vmem>>) semaphore(%arg14 : memref<!tpu.dma_semaphore, #tpu.memory_space<semaphore_mem>>)
      %dma_wait3A = arith.constant 0 : i32
      %dma_wait3A_198 = arith.constant 0 : i32
      %dma_wait3A_199 = tpu.memref_slice %arg10[%dma_wait3A, %dma_wait3A_198] : memref<1664x16xf32, #tpu.memory_space<vmem>> -> memref<128x16xf32, #tpu.memory_space<vmem>>
      %dma_wait3A_200 = tpu.memref_slice %arg9[%add3A_18] : memref<6656xi32, #tpu.memory_space<vmem>> -> memref<128xi32, #tpu.memory_space<vmem>>
      %dma_wait3A_201 = arith.constant 0 : i32
      %dma_wait3A_202 = arith.constant 0 : i32
      %dma_wait3A_203 = tpu.memref_slice %arg5[%dma_wait3A_201, %dma_wait3A_202] : memref<1300000x16xf32, #tpu.memory_space<hbm>> -> memref<1300000x16xf32, #tpu.memory_space<hbm>>
      tpu.wait_indirect_dma semaphore(%arg13 : memref<!tpu.dma_semaphore, #tpu.memory_space<semaphore_mem>>) src(%dma_wait3A_203 : memref<1300000x16xf32, #tpu.memory_space<hbm>>) dst(%dma_wait3A_199 : memref<128x16xf32, #tpu.memory_space<vmem>>)
      %dma_wait3A_204 = arith.constant 0 : i32
      %dma_wait3A_205 = tpu.memref_slice %arg11[%dma_wait3A_204] : memref<1664xf32, #tpu.memory_space<vmem>> -> memref<128xf32, #tpu.memory_space<vmem>>
      %dma_wait3A_206 = tpu.memref_slice %arg9[%add3A_18] : memref<6656xi32, #tpu.memory_space<vmem>> -> memref<128xi32, #tpu.memory_space<vmem>>
      %dma_wait3A_207 = arith.constant 0 : i32
      %dma_wait3A_208 = tpu.memref_slice %arg4[%dma_wait3A_207] : memref<1300000xf32, #tpu.memory_space<hbm>> -> memref<1300000xf32, #tpu.memory_space<hbm>>
      tpu.wait_indirect_dma semaphore(%arg14 : memref<!tpu.dma_semaphore, #tpu.memory_space<semaphore_mem>>) src(%dma_wait3A_208 : memref<1300000xf32, #tpu.memory_space<hbm>>) dst(%dma_wait3A_205 : memref<128xf32, #tpu.memory_space<vmem>>)
      %dma_wait3A_209 = arith.constant 128 : i32
      %dma_wait3A_210 = arith.constant 0 : i32
      %dma_wait3A_211 = tpu.memref_slice %arg10[%dma_wait3A_209, %dma_wait3A_210] : memref<1664x16xf32, #tpu.memory_space<vmem>> -> memref<128x16xf32, #tpu.memory_space<vmem>>
      %dma_wait3A_212 = tpu.memref_slice %arg9[%add3A_31] : memref<6656xi32, #tpu.memory_space<vmem>> -> memref<128xi32, #tpu.memory_space<vmem>>
      %dma_wait3A_213 = arith.constant 0 : i32
      %dma_wait3A_214 = arith.constant 0 : i32
      %dma_wait3A_215 = tpu.memref_slice %arg5[%dma_wait3A_213, %dma_wait3A_214] : memref<1300000x16xf32, #tpu.memory_space<hbm>> -> memref<1300000x16xf32, #tpu.memory_space<hbm>>
      tpu.wait_indirect_dma semaphore(%arg13 : memref<!tpu.dma_semaphore, #tpu.memory_space<semaphore_mem>>) src(%dma_wait3A_215 : memref<1300000x16xf32, #tpu.memory_space<hbm>>) dst(%dma_wait3A_211 : memref<128x16xf32, #tpu.memory_space<vmem>>)
      %dma_wait3A_216 = arith.constant 128 : i32
      %dma_wait3A_217 = tpu.memref_slice %arg11[%dma_wait3A_216] : memref<1664xf32, #tpu.memory_space<vmem>> -> memref<128xf32, #tpu.memory_space<vmem>>
      %dma_wait3A_218 = tpu.memref_slice %arg9[%add3A_31] : memref<6656xi32, #tpu.memory_space<vmem>> -> memref<128xi32, #tpu.memory_space<vmem>>
      %dma_wait3A_219 = arith.constant 0 : i32
      %dma_wait3A_220 = tpu.memref_slice %arg4[%dma_wait3A_219] : memref<1300000xf32, #tpu.memory_space<hbm>> -> memref<1300000xf32, #tpu.memory_space<hbm>>
      tpu.wait_indirect_dma semaphore(%arg14 : memref<!tpu.dma_semaphore, #tpu.memory_space<semaphore_mem>>) src(%dma_wait3A_220 : memref<1300000xf32, #tpu.memory_space<hbm>>) dst(%dma_wait3A_217 : memref<128xf32, #tpu.memory_space<vmem>>)
      %dma_wait3A_221 = arith.constant 256 : i32
      %dma_wait3A_222 = arith.constant 0 : i32
      %dma_wait3A_223 = tpu.memref_slice %arg10[%dma_wait3A_221, %dma_wait3A_222] : memref<1664x16xf32, #tpu.memory_space<vmem>> -> memref<128x16xf32, #tpu.memory_space<vmem>>
      %dma_wait3A_224 = tpu.memref_slice %arg9[%add3A_45] : memref<6656xi32, #tpu.memory_space<vmem>> -> memref<128xi32, #tpu.memory_space<vmem>>
      %dma_wait3A_225 = arith.constant 0 : i32
      %dma_wait3A_226 = arith.constant 0 : i32
      %dma_wait3A_227 = tpu.memref_slice %arg5[%dma_wait3A_225, %dma_wait3A_226] : memref<1300000x16xf32, #tpu.memory_space<hbm>> -> memref<1300000x16xf32, #tpu.memory_space<hbm>>
      tpu.wait_indirect_dma semaphore(%arg13 : memref<!tpu.dma_semaphore, #tpu.memory_space<semaphore_mem>>) src(%dma_wait3A_227 : memref<1300000x16xf32, #tpu.memory_space<hbm>>) dst(%dma_wait3A_223 : memref<128x16xf32, #tpu.memory_space<vmem>>)
      %dma_wait3A_228 = arith.constant 256 : i32
      %dma_wait3A_229 = tpu.memref_slice %arg11[%dma_wait3A_228] : memref<1664xf32, #tpu.memory_space<vmem>> -> memref<128xf32, #tpu.memory_space<vmem>>
      %dma_wait3A_230 = tpu.memref_slice %arg9[%add3A_45] : memref<6656xi32, #tpu.memory_space<vmem>> -> memref<128xi32, #tpu.memory_space<vmem>>
      %dma_wait3A_231 = arith.constant 0 : i32
      %dma_wait3A_232 = tpu.memref_slice %arg4[%dma_wait3A_231] : memref<1300000xf32, #tpu.memory_space<hbm>> -> memref<1300000xf32, #tpu.memory_space<hbm>>
      tpu.wait_indirect_dma semaphore(%arg14 : memref<!tpu.dma_semaphore, #tpu.memory_space<semaphore_mem>>) src(%dma_wait3A_232 : memref<1300000xf32, #tpu.memory_space<hbm>>) dst(%dma_wait3A_229 : memref<128xf32, #tpu.memory_space<vmem>>)
      %dma_wait3A_233 = arith.constant 384 : i32
      %dma_wait3A_234 = arith.constant 0 : i32
      %dma_wait3A_235 = tpu.memref_slice %arg10[%dma_wait3A_233, %dma_wait3A_234] : memref<1664x16xf32, #tpu.memory_space<vmem>> -> memref<128x16xf32, #tpu.memory_space<vmem>>
      %dma_wait3A_236 = tpu.memref_slice %arg9[%add3A_59] : memref<6656xi32, #tpu.memory_space<vmem>> -> memref<128xi32, #tpu.memory_space<vmem>>
      %dma_wait3A_237 = arith.constant 0 : i32
      %dma_wait3A_238 = arith.constant 0 : i32
      %dma_wait3A_239 = tpu.memref_slice %arg5[%dma_wait3A_237, %dma_wait3A_238] : memref<1300000x16xf32, #tpu.memory_space<hbm>> -> memref<1300000x16xf32, #tpu.memory_space<hbm>>
      tpu.wait_indirect_dma semaphore(%arg13 : memref<!tpu.dma_semaphore, #tpu.memory_space<semaphore_mem>>) src(%dma_wait3A_239 : memref<1300000x16xf32, #tpu.memory_space<hbm>>) dst(%dma_wait3A_235 : memref<128x16xf32, #tpu.memory_space<vmem>>)
      %dma_wait3A_240 = arith.constant 384 : i32
      %dma_wait3A_241 = tpu.memref_slice %arg11[%dma_wait3A_240] : memref<1664xf32, #tpu.memory_space<vmem>> -> memref<128xf32, #tpu.memory_space<vmem>>
      %dma_wait3A_242 = tpu.memref_slice %arg9[%add3A_59] : memref<6656xi32, #tpu.memory_space<vmem>> -> memref<128xi32, #tpu.memory_space<vmem>>
      %dma_wait3A_243 = arith.constant 0 : i32
      %dma_wait3A_244 = tpu.memref_slice %arg4[%dma_wait3A_243] : memref<1300000xf32, #tpu.memory_space<hbm>> -> memref<1300000xf32, #tpu.memory_space<hbm>>
      tpu.wait_indirect_dma semaphore(%arg14 : memref<!tpu.dma_semaphore, #tpu.memory_space<semaphore_mem>>) src(%dma_wait3A_244 : memref<1300000xf32, #tpu.memory_space<hbm>>) dst(%dma_wait3A_241 : memref<128xf32, #tpu.memory_space<vmem>>)
      %dma_wait3A_245 = arith.constant 512 : i32
      %dma_wait3A_246 = arith.constant 0 : i32
      %dma_wait3A_247 = tpu.memref_slice %arg10[%dma_wait3A_245, %dma_wait3A_246] : memref<1664x16xf32, #tpu.memory_space<vmem>> -> memref<128x16xf32, #tpu.memory_space<vmem>>
      %dma_wait3A_248 = tpu.memref_slice %arg9[%add3A_73] : memref<6656xi32, #tpu.memory_space<vmem>> -> memref<128xi32, #tpu.memory_space<vmem>>
      %dma_wait3A_249 = arith.constant 0 : i32
      %dma_wait3A_250 = arith.constant 0 : i32
      %dma_wait3A_251 = tpu.memref_slice %arg5[%dma_wait3A_249, %dma_wait3A_250] : memref<1300000x16xf32, #tpu.memory_space<hbm>> -> memref<1300000x16xf32, #tpu.memory_space<hbm>>
      tpu.wait_indirect_dma semaphore(%arg13 : memref<!tpu.dma_semaphore, #tpu.memory_space<semaphore_mem>>) src(%dma_wait3A_251 : memref<1300000x16xf32, #tpu.memory_space<hbm>>) dst(%dma_wait3A_247 : memref<128x16xf32, #tpu.memory_space<vmem>>)
      %dma_wait3A_252 = arith.constant 512 : i32
      %dma_wait3A_253 = tpu.memref_slice %arg11[%dma_wait3A_252] : memref<1664xf32, #tpu.memory_space<vmem>> -> memref<128xf32, #tpu.memory_space<vmem>>
      %dma_wait3A_254 = tpu.memref_slice %arg9[%add3A_73] : memref<6656xi32, #tpu.memory_space<vmem>> -> memref<128xi32, #tpu.memory_space<vmem>>
      %dma_wait3A_255 = arith.constant 0 : i32
      %dma_wait3A_256 = tpu.memref_slice %arg4[%dma_wait3A_255] : memref<1300000xf32, #tpu.memory_space<hbm>> -> memref<1300000xf32, #tpu.memory_space<hbm>>
      tpu.wait_indirect_dma semaphore(%arg14 : memref<!tpu.dma_semaphore, #tpu.memory_space<semaphore_mem>>) src(%dma_wait3A_256 : memref<1300000xf32, #tpu.memory_space<hbm>>) dst(%dma_wait3A_253 : memref<128xf32, #tpu.memory_space<vmem>>)
      %dma_wait3A_257 = arith.constant 640 : i32
      %dma_wait3A_258 = arith.constant 0 : i32
      %dma_wait3A_259 = tpu.memref_slice %arg10[%dma_wait3A_257, %dma_wait3A_258] : memref<1664x16xf32, #tpu.memory_space<vmem>> -> memref<128x16xf32, #tpu.memory_space<vmem>>
      %dma_wait3A_260 = tpu.memref_slice %arg9[%add3A_87] : memref<6656xi32, #tpu.memory_space<vmem>> -> memref<128xi32, #tpu.memory_space<vmem>>
      %dma_wait3A_261 = arith.constant 0 : i32
      %dma_wait3A_262 = arith.constant 0 : i32
      %dma_wait3A_263 = tpu.memref_slice %arg5[%dma_wait3A_261, %dma_wait3A_262] : memref<1300000x16xf32, #tpu.memory_space<hbm>> -> memref<1300000x16xf32, #tpu.memory_space<hbm>>
      tpu.wait_indirect_dma semaphore(%arg13 : memref<!tpu.dma_semaphore, #tpu.memory_space<semaphore_mem>>) src(%dma_wait3A_263 : memref<1300000x16xf32, #tpu.memory_space<hbm>>) dst(%dma_wait3A_259 : memref<128x16xf32, #tpu.memory_space<vmem>>)
      %dma_wait3A_264 = arith.constant 640 : i32
      %dma_wait3A_265 = tpu.memref_slice %arg11[%dma_wait3A_264] : memref<1664xf32, #tpu.memory_space<vmem>> -> memref<128xf32, #tpu.memory_space<vmem>>
      %dma_wait3A_266 = tpu.memref_slice %arg9[%add3A_87] : memref<6656xi32, #tpu.memory_space<vmem>> -> memref<128xi32, #tpu.memory_space<vmem>>
      %dma_wait3A_267 = arith.constant 0 : i32
      %dma_wait3A_268 = tpu.memref_slice %arg4[%dma_wait3A_267] : memref<1300000xf32, #tpu.memory_space<hbm>> -> memref<1300000xf32, #tpu.memory_space<hbm>>
      tpu.wait_indirect_dma semaphore(%arg14 : memref<!tpu.dma_semaphore, #tpu.memory_space<semaphore_mem>>) src(%dma_wait3A_268 : memref<1300000xf32, #tpu.memory_space<hbm>>) dst(%dma_wait3A_265 : memref<128xf32, #tpu.memory_space<vmem>>)
      %dma_wait3A_269 = arith.constant 768 : i32
      %dma_wait3A_270 = arith.constant 0 : i32
      %dma_wait3A_271 = tpu.memref_slice %arg10[%dma_wait3A_269, %dma_wait3A_270] : memref<1664x16xf32, #tpu.memory_space<vmem>> -> memref<128x16xf32, #tpu.memory_space<vmem>>
      %dma_wait3A_272 = tpu.memref_slice %arg9[%add3A_101] : memref<6656xi32, #tpu.memory_space<vmem>> -> memref<128xi32, #tpu.memory_space<vmem>>
      %dma_wait3A_273 = arith.constant 0 : i32
      %dma_wait3A_274 = arith.constant 0 : i32
      %dma_wait3A_275 = tpu.memref_slice %arg5[%dma_wait3A_273, %dma_wait3A_274] : memref<1300000x16xf32, #tpu.memory_space<hbm>> -> memref<1300000x16xf32, #tpu.memory_space<hbm>>
      tpu.wait_indirect_dma semaphore(%arg13 : memref<!tpu.dma_semaphore, #tpu.memory_space<semaphore_mem>>) src(%dma_wait3A_275 : memref<1300000x16xf32, #tpu.memory_space<hbm>>) dst(%dma_wait3A_271 : memref<128x16xf32, #tpu.memory_space<vmem>>)
      %dma_wait3A_276 = arith.constant 768 : i32
      %dma_wait3A_277 = tpu.memref_slice %arg11[%dma_wait3A_276] : memref<1664xf32, #tpu.memory_space<vmem>> -> memref<128xf32, #tpu.memory_space<vmem>>
      %dma_wait3A_278 = tpu.memref_slice %arg9[%add3A_101] : memref<6656xi32, #tpu.memory_space<vmem>> -> memref<128xi32, #tpu.memory_space<vmem>>
      %dma_wait3A_279 = arith.constant 0 : i32
      %dma_wait3A_280 = tpu.memref_slice %arg4[%dma_wait3A_279] : memref<1300000xf32, #tpu.memory_space<hbm>> -> memref<1300000xf32, #tpu.memory_space<hbm>>
      tpu.wait_indirect_dma semaphore(%arg14 : memref<!tpu.dma_semaphore, #tpu.memory_space<semaphore_mem>>) src(%dma_wait3A_280 : memref<1300000xf32, #tpu.memory_space<hbm>>) dst(%dma_wait3A_277 : memref<128xf32, #tpu.memory_space<vmem>>)
      %dma_wait3A_281 = arith.constant 896 : i32
      %dma_wait3A_282 = arith.constant 0 : i32
      %dma_wait3A_283 = tpu.memref_slice %arg10[%dma_wait3A_281, %dma_wait3A_282] : memref<1664x16xf32, #tpu.memory_space<vmem>> -> memref<128x16xf32, #tpu.memory_space<vmem>>
      %dma_wait3A_284 = tpu.memref_slice %arg9[%add3A_115] : memref<6656xi32, #tpu.memory_space<vmem>> -> memref<128xi32, #tpu.memory_space<vmem>>
      %dma_wait3A_285 = arith.constant 0 : i32
      %dma_wait3A_286 = arith.constant 0 : i32
      %dma_wait3A_287 = tpu.memref_slice %arg5[%dma_wait3A_285, %dma_wait3A_286] : memref<1300000x16xf32, #tpu.memory_space<hbm>> -> memref<1300000x16xf32, #tpu.memory_space<hbm>>
      tpu.wait_indirect_dma semaphore(%arg13 : memref<!tpu.dma_semaphore, #tpu.memory_space<semaphore_mem>>) src(%dma_wait3A_287 : memref<1300000x16xf32, #tpu.memory_space<hbm>>) dst(%dma_wait3A_283 : memref<128x16xf32, #tpu.memory_space<vmem>>)
      %dma_wait3A_288 = arith.constant 896 : i32
      %dma_wait3A_289 = tpu.memref_slice %arg11[%dma_wait3A_288] : memref<1664xf32, #tpu.memory_space<vmem>> -> memref<128xf32, #tpu.memory_space<vmem>>
      %dma_wait3A_290 = tpu.memref_slice %arg9[%add3A_115] : memref<6656xi32, #tpu.memory_space<vmem>> -> memref<128xi32, #tpu.memory_space<vmem>>
      %dma_wait3A_291 = arith.constant 0 : i32
      %dma_wait3A_292 = tpu.memref_slice %arg4[%dma_wait3A_291] : memref<1300000xf32, #tpu.memory_space<hbm>> -> memref<1300000xf32, #tpu.memory_space<hbm>>
      tpu.wait_indirect_dma semaphore(%arg14 : memref<!tpu.dma_semaphore, #tpu.memory_space<semaphore_mem>>) src(%dma_wait3A_292 : memref<1300000xf32, #tpu.memory_space<hbm>>) dst(%dma_wait3A_289 : memref<128xf32, #tpu.memory_space<vmem>>)
      %dma_wait3A_293 = arith.constant 1024 : i32
      %dma_wait3A_294 = arith.constant 0 : i32
      %dma_wait3A_295 = tpu.memref_slice %arg10[%dma_wait3A_293, %dma_wait3A_294] : memref<1664x16xf32, #tpu.memory_space<vmem>> -> memref<128x16xf32, #tpu.memory_space<vmem>>
      %dma_wait3A_296 = tpu.memref_slice %arg9[%add3A_129] : memref<6656xi32, #tpu.memory_space<vmem>> -> memref<128xi32, #tpu.memory_space<vmem>>
      %dma_wait3A_297 = arith.constant 0 : i32
      %dma_wait3A_298 = arith.constant 0 : i32
      %dma_wait3A_299 = tpu.memref_slice %arg5[%dma_wait3A_297, %dma_wait3A_298] : memref<1300000x16xf32, #tpu.memory_space<hbm>> -> memref<1300000x16xf32, #tpu.memory_space<hbm>>
      tpu.wait_indirect_dma semaphore(%arg13 : memref<!tpu.dma_semaphore, #tpu.memory_space<semaphore_mem>>) src(%dma_wait3A_299 : memref<1300000x16xf32, #tpu.memory_space<hbm>>) dst(%dma_wait3A_295 : memref<128x16xf32, #tpu.memory_space<vmem>>)
      %dma_wait3A_300 = arith.constant 1024 : i32
      %dma_wait3A_301 = tpu.memref_slice %arg11[%dma_wait3A_300] : memref<1664xf32, #tpu.memory_space<vmem>> -> memref<128xf32, #tpu.memory_space<vmem>>
      %dma_wait3A_302 = tpu.memref_slice %arg9[%add3A_129] : memref<6656xi32, #tpu.memory_space<vmem>> -> memref<128xi32, #tpu.memory_space<vmem>>
      %dma_wait3A_303 = arith.constant 0 : i32
      %dma_wait3A_304 = tpu.memref_slice %arg4[%dma_wait3A_303] : memref<1300000xf32, #tpu.memory_space<hbm>> -> memref<1300000xf32, #tpu.memory_space<hbm>>
      tpu.wait_indirect_dma semaphore(%arg14 : memref<!tpu.dma_semaphore, #tpu.memory_space<semaphore_mem>>) src(%dma_wait3A_304 : memref<1300000xf32, #tpu.memory_space<hbm>>) dst(%dma_wait3A_301 : memref<128xf32, #tpu.memory_space<vmem>>)
      %dma_wait3A_305 = arith.constant 1152 : i32
      %dma_wait3A_306 = arith.constant 0 : i32
      %dma_wait3A_307 = tpu.memref_slice %arg10[%dma_wait3A_305, %dma_wait3A_306] : memref<1664x16xf32, #tpu.memory_space<vmem>> -> memref<128x16xf32, #tpu.memory_space<vmem>>
      %dma_wait3A_308 = tpu.memref_slice %arg9[%add3A_143] : memref<6656xi32, #tpu.memory_space<vmem>> -> memref<128xi32, #tpu.memory_space<vmem>>
      %dma_wait3A_309 = arith.constant 0 : i32
      %dma_wait3A_310 = arith.constant 0 : i32
      %dma_wait3A_311 = tpu.memref_slice %arg5[%dma_wait3A_309, %dma_wait3A_310] : memref<1300000x16xf32, #tpu.memory_space<hbm>> -> memref<1300000x16xf32, #tpu.memory_space<hbm>>
      tpu.wait_indirect_dma semaphore(%arg13 : memref<!tpu.dma_semaphore, #tpu.memory_space<semaphore_mem>>) src(%dma_wait3A_311 : memref<1300000x16xf32, #tpu.memory_space<hbm>>) dst(%dma_wait3A_307 : memref<128x16xf32, #tpu.memory_space<vmem>>)
      %dma_wait3A_312 = arith.constant 1152 : i32
      %dma_wait3A_313 = tpu.memref_slice %arg11[%dma_wait3A_312] : memref<1664xf32, #tpu.memory_space<vmem>> -> memref<128xf32, #tpu.memory_space<vmem>>
      %dma_wait3A_314 = tpu.memref_slice %arg9[%add3A_143] : memref<6656xi32, #tpu.memory_space<vmem>> -> memref<128xi32, #tpu.memory_space<vmem>>
      %dma_wait3A_315 = arith.constant 0 : i32
      %dma_wait3A_316 = tpu.memref_slice %arg4[%dma_wait3A_315] : memref<1300000xf32, #tpu.memory_space<hbm>> -> memref<1300000xf32, #tpu.memory_space<hbm>>
      tpu.wait_indirect_dma semaphore(%arg14 : memref<!tpu.dma_semaphore, #tpu.memory_space<semaphore_mem>>) src(%dma_wait3A_316 : memref<1300000xf32, #tpu.memory_space<hbm>>) dst(%dma_wait3A_313 : memref<128xf32, #tpu.memory_space<vmem>>)
      %dma_wait3A_317 = arith.constant 1280 : i32
      %dma_wait3A_318 = arith.constant 0 : i32
      %dma_wait3A_319 = tpu.memref_slice %arg10[%dma_wait3A_317, %dma_wait3A_318] : memref<1664x16xf32, #tpu.memory_space<vmem>> -> memref<128x16xf32, #tpu.memory_space<vmem>>
      %dma_wait3A_320 = tpu.memref_slice %arg9[%add3A_157] : memref<6656xi32, #tpu.memory_space<vmem>> -> memref<128xi32, #tpu.memory_space<vmem>>
      %dma_wait3A_321 = arith.constant 0 : i32
      %dma_wait3A_322 = arith.constant 0 : i32
      %dma_wait3A_323 = tpu.memref_slice %arg5[%dma_wait3A_321, %dma_wait3A_322] : memref<1300000x16xf32, #tpu.memory_space<hbm>> -> memref<1300000x16xf32, #tpu.memory_space<hbm>>
      tpu.wait_indirect_dma semaphore(%arg13 : memref<!tpu.dma_semaphore, #tpu.memory_space<semaphore_mem>>) src(%dma_wait3A_323 : memref<1300000x16xf32, #tpu.memory_space<hbm>>) dst(%dma_wait3A_319 : memref<128x16xf32, #tpu.memory_space<vmem>>)
      %dma_wait3A_324 = arith.constant 1280 : i32
      %dma_wait3A_325 = tpu.memref_slice %arg11[%dma_wait3A_324] : memref<1664xf32, #tpu.memory_space<vmem>> -> memref<128xf32, #tpu.memory_space<vmem>>
      %dma_wait3A_326 = tpu.memref_slice %arg9[%add3A_157] : memref<6656xi32, #tpu.memory_space<vmem>> -> memref<128xi32, #tpu.memory_space<vmem>>
      %dma_wait3A_327 = arith.constant 0 : i32
      %dma_wait3A_328 = tpu.memref_slice %arg4[%dma_wait3A_327] : memref<1300000xf32, #tpu.memory_space<hbm>> -> memref<1300000xf32, #tpu.memory_space<hbm>>
      tpu.wait_indirect_dma semaphore(%arg14 : memref<!tpu.dma_semaphore, #tpu.memory_space<semaphore_mem>>) src(%dma_wait3A_328 : memref<1300000xf32, #tpu.memory_space<hbm>>) dst(%dma_wait3A_325 : memref<128xf32, #tpu.memory_space<vmem>>)
      %dma_wait3A_329 = arith.constant 1408 : i32
      %dma_wait3A_330 = arith.constant 0 : i32
      %dma_wait3A_331 = tpu.memref_slice %arg10[%dma_wait3A_329, %dma_wait3A_330] : memref<1664x16xf32, #tpu.memory_space<vmem>> -> memref<128x16xf32, #tpu.memory_space<vmem>>
      %dma_wait3A_332 = tpu.memref_slice %arg9[%add3A_171] : memref<6656xi32, #tpu.memory_space<vmem>> -> memref<128xi32, #tpu.memory_space<vmem>>
      %dma_wait3A_333 = arith.constant 0 : i32
      %dma_wait3A_334 = arith.constant 0 : i32
      %dma_wait3A_335 = tpu.memref_slice %arg5[%dma_wait3A_333, %dma_wait3A_334] : memref<1300000x16xf32, #tpu.memory_space<hbm>> -> memref<1300000x16xf32, #tpu.memory_space<hbm>>
      tpu.wait_indirect_dma semaphore(%arg13 : memref<!tpu.dma_semaphore, #tpu.memory_space<semaphore_mem>>) src(%dma_wait3A_335 : memref<1300000x16xf32, #tpu.memory_space<hbm>>) dst(%dma_wait3A_331 : memref<128x16xf32, #tpu.memory_space<vmem>>)
      %dma_wait3A_336 = arith.constant 1408 : i32
      %dma_wait3A_337 = tpu.memref_slice %arg11[%dma_wait3A_336] : memref<1664xf32, #tpu.memory_space<vmem>> -> memref<128xf32, #tpu.memory_space<vmem>>
      %dma_wait3A_338 = tpu.memref_slice %arg9[%add3A_171] : memref<6656xi32, #tpu.memory_space<vmem>> -> memref<128xi32, #tpu.memory_space<vmem>>
      %dma_wait3A_339 = arith.constant 0 : i32
      %dma_wait3A_340 = tpu.memref_slice %arg4[%dma_wait3A_339] : memref<1300000xf32, #tpu.memory_space<hbm>> -> memref<1300000xf32, #tpu.memory_space<hbm>>
      tpu.wait_indirect_dma semaphore(%arg14 : memref<!tpu.dma_semaphore, #tpu.memory_space<semaphore_mem>>) src(%dma_wait3A_340 : memref<1300000xf32, #tpu.memory_space<hbm>>) dst(%dma_wait3A_337 : memref<128xf32, #tpu.memory_space<vmem>>)
      %dma_wait3A_341 = arith.constant 1536 : i32
      %dma_wait3A_342 = arith.constant 0 : i32
      %dma_wait3A_343 = tpu.memref_slice %arg10[%dma_wait3A_341, %dma_wait3A_342] : memref<1664x16xf32, #tpu.memory_space<vmem>> -> memref<128x16xf32, #tpu.memory_space<vmem>>
      %dma_wait3A_344 = tpu.memref_slice %arg9[%add3A_185] : memref<6656xi32, #tpu.memory_space<vmem>> -> memref<128xi32, #tpu.memory_space<vmem>>
      %dma_wait3A_345 = arith.constant 0 : i32
      %dma_wait3A_346 = arith.constant 0 : i32
      %dma_wait3A_347 = tpu.memref_slice %arg5[%dma_wait3A_345, %dma_wait3A_346] : memref<1300000x16xf32, #tpu.memory_space<hbm>> -> memref<1300000x16xf32, #tpu.memory_space<hbm>>
      tpu.wait_indirect_dma semaphore(%arg13 : memref<!tpu.dma_semaphore, #tpu.memory_space<semaphore_mem>>) src(%dma_wait3A_347 : memref<1300000x16xf32, #tpu.memory_space<hbm>>) dst(%dma_wait3A_343 : memref<128x16xf32, #tpu.memory_space<vmem>>)
      %dma_wait3A_348 = arith.constant 1536 : i32
      %dma_wait3A_349 = tpu.memref_slice %arg11[%dma_wait3A_348] : memref<1664xf32, #tpu.memory_space<vmem>> -> memref<128xf32, #tpu.memory_space<vmem>>
      %dma_wait3A_350 = tpu.memref_slice %arg9[%add3A_185] : memref<6656xi32, #tpu.memory_space<vmem>> -> memref<128xi32, #tpu.memory_space<vmem>>
      %dma_wait3A_351 = arith.constant 0 : i32
      %dma_wait3A_352 = tpu.memref_slice %arg4[%dma_wait3A_351] : memref<1300000xf32, #tpu.memory_space<hbm>> -> memref<1300000xf32, #tpu.memory_space<hbm>>
      tpu.wait_indirect_dma semaphore(%arg14 : memref<!tpu.dma_semaphore, #tpu.memory_space<semaphore_mem>>) src(%dma_wait3A_352 : memref<1300000xf32, #tpu.memory_space<hbm>>) dst(%dma_wait3A_349 : memref<128xf32, #tpu.memory_space<vmem>>)
      %add3A_353 = arith.addi %mul3A_2, %multiple_of3A : i32
      "tpu.region"() ({
        %run_scoped3A = tpu.sem_alloc : memref<!tpu.dma_semaphore, #tpu.memory_space<semaphore_mem>>
        %dma_start3A_355 = arith.constant 0 : i32
        %dma_start3A_356 = tpu.memref_slice %arg6[%add3A_353, %dma_start3A_355] : memref<212992x16xf32, #tpu.memory_space<hbm>> -> memref<1664x16xf32, #tpu.memory_space<hbm>>
        %dma_start3A_357 = arith.constant 0 : i32
        %dma_start3A_358 = tpu.memref_slice %arg6[%add3A_353, %dma_start3A_357] : memref<212992x16xf32, #tpu.memory_space<hbm>> -> memref<1664x16xf32, #tpu.memory_space<hbm>>
        tpu.enqueue_dma source(%arg10 : memref<1664x16xf32, #tpu.memory_space<vmem>>) target(%dma_start3A_358 : memref<1664x16xf32, #tpu.memory_space<hbm>>) target_semaphore(%run_scoped3A : memref<!tpu.dma_semaphore, #tpu.memory_space<semaphore_mem>>)
        %dma_wait3A_359 = arith.constant 0 : i32
        %dma_wait3A_360 = tpu.memref_slice %arg6[%add3A_353, %dma_wait3A_359] : memref<212992x16xf32, #tpu.memory_space<hbm>> -> memref<1664x16xf32, #tpu.memory_space<hbm>>
        %dma_wait3A_361 = arith.constant 0 : i32
        %dma_wait3A_362 = tpu.memref_slice %arg6[%add3A_353, %dma_wait3A_361] : memref<212992x16xf32, #tpu.memory_space<hbm>> -> memref<1664x16xf32, #tpu.memory_space<hbm>>
        tpu.wait_dma2 semaphore(%run_scoped3A : memref<!tpu.dma_semaphore, #tpu.memory_space<semaphore_mem>>) src(%arg10 : memref<1664x16xf32, #tpu.memory_space<vmem>>) dst(%dma_wait3A_362 : memref<1664x16xf32, #tpu.memory_space<hbm>>)
        tpu.yield
      }) : () -> ()
      %add3A_354 = arith.addi %mul3A_2, %multiple_of3A : i32
      "tpu.region"() ({
        %run_scoped3A = tpu.sem_alloc : memref<!tpu.dma_semaphore, #tpu.memory_space<semaphore_mem>>
        %dma_start3A_355 = tpu.memref_slice %arg7[%add3A_354] : memref<212992xf32, #tpu.memory_space<hbm>> -> memref<1664xf32, #tpu.memory_space<hbm>>
        %dma_start3A_356 = tpu.memref_slice %arg7[%add3A_354] : memref<212992xf32, #tpu.memory_space<hbm>> -> memref<1664xf32, #tpu.memory_space<hbm>>
        tpu.enqueue_dma source(%arg11 : memref<1664xf32, #tpu.memory_space<vmem>>) target(%dma_start3A_356 : memref<1664xf32, #tpu.memory_space<hbm>>) target_semaphore(%run_scoped3A : memref<!tpu.dma_semaphore, #tpu.memory_space<semaphore_mem>>)
        %dma_wait3A_357 = tpu.memref_slice %arg7[%add3A_354] : memref<212992xf32, #tpu.memory_space<hbm>> -> memref<1664xf32, #tpu.memory_space<hbm>>
        %dma_wait3A_358 = tpu.memref_slice %arg7[%add3A_354] : memref<212992xf32, #tpu.memory_space<hbm>> -> memref<1664xf32, #tpu.memory_space<hbm>>
        tpu.wait_dma2 semaphore(%run_scoped3A : memref<!tpu.dma_semaphore, #tpu.memory_space<semaphore_mem>>) src(%arg11 : memref<1664xf32, #tpu.memory_space<vmem>>) dst(%dma_wait3A_358 : memref<1664xf32, #tpu.memory_space<hbm>>)
        tpu.yield
      }) : () -> ()
    }
    %scan3A_13 = arith.constant 4 : i32
    return
  }
}

module attributes {stable_mosaic.version = 14 : i64} {
  func.func @mlp_k(%arg0: i32, %arg1: memref<2048x208xf32, #tpu.memory_space<vmem>>, %arg2: memref<2048x208xf32, #tpu.memory_space<vmem>>, %arg3: memref<2048x26xf32, #tpu.memory_space<vmem>>, %arg4: memref<208x128xf32, #tpu.memory_space<vmem>>, %arg5: memref<208x128xf32, #tpu.memory_space<vmem>>, %arg6: memref<1x128xf32, #tpu.memory_space<vmem>>, %arg7: memref<128x128xf32, #tpu.memory_space<vmem>>, %arg8: memref<1x128xf32, #tpu.memory_space<vmem>>, %arg9: memref<128x1xf32, #tpu.memory_space<vmem>>, %arg10: memref<1x1xf32, #tpu.memory_space<vmem>>, %arg11: memref<2048x1xf32, #tpu.memory_space<vmem>>) attributes {dimension_semantics = [#tpu.dimension_semantics<arbitrary>], iteration_bounds = array<i64: 8>, scalar_prefetch = 0 : i64, scratch_operands = 0 : i64, tpu.core_type = #tpu.core_type<tc>, window_params = [{transform_indices = @transform_0, window_bounds = array<i64: 2048, 208>}, {transform_indices = @transform_1, window_bounds = array<i64: 2048, 208>}, {transform_indices = @transform_2, window_bounds = array<i64: 2048, 26>}, {pipeline_mode = #tpu.pipeline_mode<synchronous>, transform_indices = @transform_3, window_bounds = array<i64: 208, 128>}, {pipeline_mode = #tpu.pipeline_mode<synchronous>, transform_indices = @transform_4, window_bounds = array<i64: 208, 128>}, {pipeline_mode = #tpu.pipeline_mode<synchronous>, transform_indices = @transform_5, window_bounds = array<i64: 1, 128>}, {pipeline_mode = #tpu.pipeline_mode<synchronous>, transform_indices = @transform_6, window_bounds = array<i64: 128, 128>}, {pipeline_mode = #tpu.pipeline_mode<synchronous>, transform_indices = @transform_7, window_bounds = array<i64: 1, 128>}, {pipeline_mode = #tpu.pipeline_mode<synchronous>, transform_indices = @transform_8, window_bounds = array<i64: 128, 1>}, {pipeline_mode = #tpu.pipeline_mode<synchronous>, transform_indices = @transform_9, window_bounds = array<i64: 1, 1>}, {transform_indices = @transform_10, window_bounds = array<i64: 2048, 1>}]} {
    %get3A = arith.constant 0 : index
    %get3A_0 = arith.constant 0 : index
    %get3A_1 = vector.load %arg1[%get3A, %get3A_0] : memref<2048x208xf32, #tpu.memory_space<vmem>>, vector<2048x208xf32>
    %get3A_2 = arith.constant 0 : index
    %get3A_3 = arith.constant 0 : index
    %get3A_4 = vector.load %arg4[%get3A_2, %get3A_3] : memref<208x128xf32, #tpu.memory_space<vmem>>, vector<208x128xf32>
    %dot_general3A = arith.constant dense<0.000000e+00> : vector<2048x128xf32>
    %dot_general3A_5 = tpu.matmul %get3A_1, %get3A_4, %dot_general3A {dimension_numbers = #tpu.dot_dimension_numbers<[1], [0], [0], [1], [0, 0, 1, 1], [], []>, transpose_lhs_hint = false} : vector<2048x208xf32>, vector<208x128xf32>, vector<2048x128xf32> -> vector<2048x128xf32>
    %get3A_6 = arith.constant 0 : index
    %get3A_7 = arith.constant 0 : index
    %get3A_8 = vector.load %arg2[%get3A_6, %get3A_7] : memref<2048x208xf32, #tpu.memory_space<vmem>>, vector<2048x208xf32>
    %get3A_9 = arith.constant 0 : index
    %get3A_10 = arith.constant 0 : index
    %get3A_11 = vector.load %arg5[%get3A_9, %get3A_10] : memref<208x128xf32, #tpu.memory_space<vmem>>, vector<208x128xf32>
    %dot_general3A_12 = arith.constant dense<0.000000e+00> : vector<2048x128xf32>
    %dot_general3A_13 = tpu.matmul %get3A_8, %get3A_11, %dot_general3A_12 {dimension_numbers = #tpu.dot_dimension_numbers<[1], [0], [0], [1], [0, 0, 1, 1], [], []>, transpose_lhs_hint = false} : vector<2048x208xf32>, vector<208x128xf32>, vector<2048x128xf32> -> vector<2048x128xf32>
    %add3A = arith.addf %dot_general3A_5, %dot_general3A_13 : vector<2048x128xf32>
    %get3A_14 = arith.constant 0 : index
    %get3A_15 = arith.constant 0 : index
    %get3A_16 = vector.load %arg6[%get3A_14, %get3A_15] : memref<1x128xf32, #tpu.memory_space<vmem>>, vector<1x128xf32>
    %add3A_17 = vector.broadcast %get3A_16 : vector<1x128xf32> to vector<2048x128xf32>
    %add3A_18 = arith.addf %add3A, %add3A_17 : vector<2048x128xf32>
    %max3A = arith.constant 0.000000e+00 : f32
    %max3A_19 = vector.broadcast %max3A : f32 to vector<2048x128xf32>
    %max3A_20 = arith.maximumf %add3A_18, %max3A_19 : vector<2048x128xf32>
    %get3A_21 = arith.constant 0 : index
    %get3A_22 = arith.constant 0 : index
    %get3A_23 = vector.load %arg7[%get3A_21, %get3A_22] : memref<128x128xf32, #tpu.memory_space<vmem>>, vector<128x128xf32>
    %dot_general3A_24 = arith.constant dense<0.000000e+00> : vector<2048x128xf32>
    %dot_general3A_25 = tpu.matmul %max3A_20, %get3A_23, %dot_general3A_24 {dimension_numbers = #tpu.dot_dimension_numbers<[1], [0], [0], [1], [0, 0, 1, 1], [], []>, transpose_lhs_hint = false} : vector<2048x128xf32>, vector<128x128xf32>, vector<2048x128xf32> -> vector<2048x128xf32>
    %get3A_26 = arith.constant 0 : index
    %get3A_27 = arith.constant 0 : index
    %get3A_28 = vector.load %arg8[%get3A_26, %get3A_27] : memref<1x128xf32, #tpu.memory_space<vmem>>, vector<1x128xf32>
    %add3A_29 = vector.broadcast %get3A_28 : vector<1x128xf32> to vector<2048x128xf32>
    %add3A_30 = arith.addf %dot_general3A_25, %add3A_29 : vector<2048x128xf32>
    %max3A_31 = arith.constant 0.000000e+00 : f32
    %max3A_32 = vector.broadcast %max3A_31 : f32 to vector<2048x128xf32>
    %max3A_33 = arith.maximumf %add3A_30, %max3A_32 : vector<2048x128xf32>
    %get3A_34 = arith.constant 0 : index
    %get3A_35 = arith.constant 0 : index
    %get3A_36 = vector.load %arg9[%get3A_34, %get3A_35] : memref<128x1xf32, #tpu.memory_space<vmem>>, vector<128x1xf32>
    %dot_general3A_37 = arith.constant dense<0.000000e+00> : vector<2048x1xf32>
    %dot_general3A_38 = tpu.matmul %max3A_33, %get3A_36, %dot_general3A_37 {dimension_numbers = #tpu.dot_dimension_numbers<[1], [0], [0], [1], [0, 0, 1, 1], [], []>, transpose_lhs_hint = false} : vector<2048x128xf32>, vector<128x1xf32>, vector<2048x1xf32> -> vector<2048x1xf32>
    %get3A_39 = arith.constant 0 : index
    %get3A_40 = arith.constant 0 : index
    %get3A_41 = vector.load %arg10[%get3A_39, %get3A_40] : memref<1x1xf32, #tpu.memory_space<vmem>>, vector<1x1xf32>
    %add3A_42 = vector.broadcast %get3A_41 : vector<1x1xf32> to vector<2048x1xf32>
    %add3A_43 = arith.addf %dot_general3A_38, %add3A_42 : vector<2048x1xf32>
    %get3A_44 = arith.constant 0 : index
    %get3A_45 = arith.constant 0 : index
    %get3A_46 = vector.load %arg3[%get3A_44, %get3A_45] : memref<2048x26xf32, #tpu.memory_space<vmem>>, vector<2048x26xf32>
    %reduce_sum3A = arith.constant dense<0.000000e+00> : vector<2048xf32>
    %reduce_sum3A_47 = vector.multi_reduction <add>, %get3A_46, %reduce_sum3A [1] : vector<2048x26xf32> to vector<2048xf32>
    %broadcast_in_dim3A = vector.shape_cast %reduce_sum3A_47 : vector<2048xf32> to vector<2048x1xf32>
    %add3A_48 = arith.addf %add3A_43, %broadcast_in_dim3A : vector<2048x1xf32>
    %logistic3A = arith.negf %add3A_48 : vector<2048x1xf32>
    %logistic3A_49 = math.exp %logistic3A : vector<2048x1xf32>
    %logistic3A_50 = arith.constant 1.000000e+00 : f32
    %logistic3A_51 = vector.broadcast %logistic3A_50 : f32 to vector<2048x1xf32>
    %logistic3A_52 = arith.addf %logistic3A_51, %logistic3A_49 : vector<2048x1xf32>
    %logistic3A_53 = arith.divf %logistic3A_51, %logistic3A_52 : vector<2048x1xf32>
    %swap3A = arith.constant 0 : index
    %swap3A_54 = arith.constant 0 : index
    %swap3A_55 = vector.load %arg11[%swap3A, %swap3A_54] : memref<2048x1xf32, #tpu.memory_space<vmem>>, vector<2048x1xf32>
    tpu.vector_store %arg11[%swap3A, %swap3A_54], %logistic3A_53 {strides = array<i32>} : memref<2048x1xf32, #tpu.memory_space<vmem>>, vector<2048x1xf32>,
    return
  }
  func.func @transform_0(%arg0: i32) -> (i32, i32) {
    %c0_i32 = arith.constant 0 : i32
    %c0_i32_0 = arith.constant 0 : i32
    return %arg0, %c0_i32 : i32, i32
  }
  func.func @transform_1(%arg0: i32) -> (i32, i32) {
    %c0_i32 = arith.constant 0 : i32
    %c0_i32_0 = arith.constant 0 : i32
    return %arg0, %c0_i32 : i32, i32
  }
  func.func @transform_2(%arg0: i32) -> (i32, i32) {
    %c0_i32 = arith.constant 0 : i32
    %c0_i32_0 = arith.constant 0 : i32
    return %arg0, %c0_i32 : i32, i32
  }
  func.func @transform_3(%arg0: i32) -> (i32, i32) {
    %c0_i32 = arith.constant 0 : i32
    %c0_i32_0 = arith.constant 0 : i32
    %c0_i32_1 = arith.constant 0 : i32
    return %c0_i32, %c0_i32_0 : i32, i32
  }
  func.func @transform_4(%arg0: i32) -> (i32, i32) {
    %c0_i32 = arith.constant 0 : i32
    %c0_i32_0 = arith.constant 0 : i32
    %c0_i32_1 = arith.constant 0 : i32
    return %c0_i32, %c0_i32_0 : i32, i32
  }
  func.func @transform_5(%arg0: i32) -> (i32, i32) {
    %c0_i32 = arith.constant 0 : i32
    %c0_i32_0 = arith.constant 0 : i32
    %c0_i32_1 = arith.constant 0 : i32
    return %c0_i32, %c0_i32_0 : i32, i32
  }
  func.func @transform_6(%arg0: i32) -> (i32, i32) {
    %c0_i32 = arith.constant 0 : i32
    %c0_i32_0 = arith.constant 0 : i32
    %c0_i32_1 = arith.constant 0 : i32
    return %c0_i32, %c0_i32_0 : i32, i32
  }
  func.func @transform_7(%arg0: i32) -> (i32, i32) {
    %c0_i32 = arith.constant 0 : i32
    %c0_i32_0 = arith.constant 0 : i32
    %c0_i32_1 = arith.constant 0 : i32
    return %c0_i32, %c0_i32_0 : i32, i32
  }
  func.func @transform_8(%arg0: i32) -> (i32, i32) {
    %c0_i32 = arith.constant 0 : i32
    %c0_i32_0 = arith.constant 0 : i32
    %c0_i32_1 = arith.constant 0 : i32
    return %c0_i32, %c0_i32_0 : i32, i32
  }
  func.func @transform_9(%arg0: i32) -> (i32, i32) {
    %c0_i32 = arith.constant 0 : i32
    %c0_i32_0 = arith.constant 0 : i32
    %c0_i32_1 = arith.constant 0 : i32
    return %c0_i32, %c0_i32_0 : i32, i32
  }
  func.func @transform_10(%arg0: i32) -> (i32, i32) {
    %c0_i32 = arith.constant 0 : i32
    %c0_i32_0 = arith.constant 0 : i32
    return %arg0, %c0_i32 : i32, i32
  }
}

</mosaic_0001>

<sc_bundles>
// kernel: kernel.5.cloned.1.call-start
scs
__scs_entry_jumppad:
0x0: {  	(pc) =	sbr.rel $0x88, $3  }
0x1: {  	(tag) =	ssettag $0x0;
	lr =	simm.s32 $0x1  }
0x2: {  	[smem:$0x3F98] =	sst lr;
	_ =	strace $0xD0000000  }
0x3: {  	_ = 	snop  }
0x4: {  	_ = 	snop  }
0x5: {  	_ = 	snop  }
0x6: {  	_ = 	snop  }
0x7: {  	_ = 	snop  }
__scs_overlays_trampoline_lowered:
0x8: {  	[smem:$0x3FA7] =	sst s0  }
0x9: {  	[smem:$0x3FA8] =	sst s1  }
0xa: {  	[smem:$0x3FA9] =	sst s2  }
0xb: {  	[smem:$0x3FAA] =	sst s3  }
0xc: {  	[smem:$0x3FAB] =	sst s4  }
0xd: {  	[smem:$0x3FAC] =	sst s5  }
0xe: {  	[smem:$0x3FAD] =	sst s6  }
0xf: {  	[smem:$0x3FAE] =	sst s7  }
0x10: {  	[smem:$0x3FAF] =	sst s8  }
0x11: {  	[smem:$0x3FB0] =	sst s9;
	s0 =	simm.s32 @!p0 $0x0  }
0x12: {  	s1 =	sld [smem:$0x3F96];
	s0 =	simm.s32 @p0 $0x1  }
0x13: {  	[smem:$0x3FB1] =	sst s0;
	s0 =	simm.s32 @!p1 $0x0  }
0x14: {  	s2 =	sld [smem:$0x3F95];
	s0 =	simm.s32 @p1 $0x1  }
0x15: {  	[smem:$0x3FB2] =	sst s0;
	s0 =	simm.s32 @!p2 $0x0  }
0x16: {  	s3 =	sld [smem:$0x3FDB];
	s0 =	simm.s32 @p2 $0x1  }
0x17: {  	s4 =	simm.s32 $0x1BF5;
	[smem:$0x3FB4] =	sst s0  }
0x18: {  	s0 =	sld [smem:$0x3F97];
	_ =	swait.ge [sflag:s4], $0x0  }
0x19: {  	s7 =	sld [smem:$0x3F98]  }
0x1a: {  	s8 =	sadd.s32 $0xFFFFE003, lr  }
0x1b: {  	s9 =	sadd.s32 $0xFFFFFEF7, lr;
	s5 =	simm.s32 $0xFFFFFFFF;
	p2 =	slt.u32 s8, $0xFFFFF086  }
0x1c: {  	p1 =	slt.u32 s9, $0xF7A;
	s5 =	simm.s32 @!p2 $0x0  }
0x1d: {  	s5 =	simm.s32 @p1 $0x1;
	p0 =	seq.s32 s7, s2  }
0x1e: {  	s7 =	smul.u32 @!p0 $0xF7A, s2;
	p2 =	seq.s32 @!p0 s5, $0x0  }
0x1f: {  	s9 =	smul.u32 $0xF7A, s1;
	s8 =	simm.s32 @!p0 $0x1BF5;
	p2 =	por !p2, p0  }
0x20: {  	[sflag:s8] =	ssyncset.s32 @!p0 $0xFFFFF086;
	s6 =	sadd.s32 @!p0 s3, s7;
	s7 =	simm.s32 @!p0 $0x108  }
0x21: {  	s3 =	sadd.s32 s3, s9;
	s6 =	sadd.s32 @!p0 $0x88, s6;
	s7 =	simm.s32 @p2 $0x1082  }
0x22: {  	[simem:s7], [sflag:s8] =	dma.local @!p0 [hbm:s6], $0xF7A  }
0x23: {  	s9 =	sor.u32 $0xD0000000, s2;
	s6 =	simm.s32 $0x108;
	_ =	swait.ge @!p0 [sflag:s8], $0x0  }
0x24: {  	s3 =	sadd.s32 $0x88, s3;
	s6 =	simm.s32 @!p1 $0x1082;
	[sflag:s4] =	ssyncset.s32 $0xFFFFF086  }
0x25: {  	[simem:s6], [sflag:s4] =	dma.local [hbm:s3], $0xF7A  }
0x26: {  	[smem:$0x3F98] =	sst s1;
	(tag) =	ssettag s2;
	_ =	strace s9  }
0x27: {  	s1 =	sld [smem:$0x3FA8]  }
0x28: {  	s2 =	sld [smem:$0x3FA9]  }
0x29: {  	s4 =	sld [smem:$0x3FAB]  }
0x2a: {  	p0 =	seq.s32 s5, $0x0;
	s5 =	sld [smem:$0x3FAC]  }
0x2b: {  	s6 =	sld [smem:$0x3FAD]  }
0x2c: {  	s7 =	sld [smem:$0x3FAE]  }
0x2d: {  	s3 =	simm.s32 $0x108;
	s8 =	sld [smem:$0x3FAF]  }
0x2e: {  	s3 =	simm.s32 @!p0 $0x1082;
	s9 =	sld [smem:$0x3FB0]  }
0x2f: {  	lr =	sadd.s32 s0, s3;
	s0 =	sld [smem:$0x3FA7]  }
0x30: {  	s3 =	sld [smem:$0x3FAA]  }
0x31: {  	[smem:$0x3FB3] =	sst s10  }
0x32: {  	s10 =	sld [smem:$0x3FB1];
	_ =	sdelay $0x3  }
0x33: {  	p0 =	seq.s32 s10, $0x1;
	s10 =	sld [smem:$0x3FB3];
	_ =	sdelay $0x3  }
0x34: {  	[smem:$0x3FB3] =	sst s10  }
0x35: {  	s10 =	sld [smem:$0x3FB2];
	_ =	sdelay $0x3  }
0x36: {  	p1 =	seq.s32 s10, $0x1;
	s10 =	sld [smem:$0x3FB3];
	_ =	sdelay $0x3  }
0x37: {  	[smem:$0x3FB3] =	sst s10  }
0x38: {  	s10 =	sld [smem:$0x3FB4]  }
0x39: {  	_ = 	snop;
	(pc) =	sbr.ind lr, $3  }
0x3a: {  	_ = 	snop  }
0x3b: {  	_ = 	snop  }
0x3c: {  	p2 =	seq.s32 s10, $0x1;
	s10 =	sld [smem:$0x3FB3]  }
0x3d: {  	_ =	shalt  }
0x3e: {  	_ =	shalt  }
0x3f: {  	_ =	shalt  }
0x40: {  	_ =	shalt  }
0x41: {  	_ =	shalt  }
0x42: {  	_ =	shalt  }
0x43: {  	_ =	shalt  }
0x44: {  	_ =	shalt  }
0x45: {  	_ =	shalt  }
0x46: {  	_ =	shalt  }
0x47: {  	_ =	shalt  }
0x48: {  	_ =	shalt  }
0x49: {  	_ =	shalt  }
0x4a: {  	_ =	shalt  }
0x4b: {  	_ =	shalt  }
0x4c: {  	_ =	shalt  }
0x4d: {  	_ =	shalt  }
0x4e: {  	_ =	shalt  }
0x4f: {  	_ =	shalt  }
0x50: {  	_ =	shalt  }
0x51: {  	_ =	shalt  }
0x52: {  	_ =	shalt  }
0x53: {  	_ =	shalt  }
0x54: {  	_ =	shalt  }
0x55: {  	_ =	shalt  }
0x56: {  	_ =	shalt  }
0x57: {  	_ =	shalt  }
0x58: {  	_ =	shalt  }
0x59: {  	_ =	shalt  }
0x5a: {  	_ =	shalt  }
0x5b: {  	_ =	shalt  }
0x5c: {  	_ =	shalt  }
0x5d: {  	_ =	shalt  }
0x5e: {  	_ =	shalt  }
0x5f: {  	_ =	shalt  }
0x60: {  	_ =	shalt  }
0x61: {  	_ =	shalt  }
0x62: {  	_ =	shalt  }
0x63: {  	_ =	shalt  }
0x64: {  	_ =	shalt  }
0x65: {  	_ =	shalt  }
0x66: {  	_ =	shalt  }
0x67: {  	_ =	shalt  }
0x68: {  	_ =	shalt  }
0x69: {  	_ =	shalt  }
0x6a: {  	_ =	shalt  }
0x6b: {  	_ =	shalt  }
0x6c: {  	_ =	shalt  }
0x6d: {  	_ =	shalt  }
0x6e: {  	_ =	shalt  }
0x6f: {  	_ =	shalt  }
0x70: {  	_ =	shalt  }
0x71: {  	_ =	shalt  }
0x72: {  	_ =	shalt  }
0x73: {  	_ =	shalt  }
0x74: {  	_ =	shalt  }
0x75: {  	_ =	shalt  }
0x76: {  	_ =	shalt  }
0x77: {  	_ =	shalt  }
0x78: {  	_ =	shalt  }
0x79: {  	_ =	shalt  }
0x7a: {  	_ =	shalt  }
0x7b: {  	_ =	shalt  }
0x7c: {  	_ =	shalt  }
0x7d: {  	_ =	shalt  }
0x7e: {  	_ =	shalt  }
0x7f: {  	_ =	shalt  }
0x80: {  	_ =	shalt  }
0x81: {  	_ =	shalt  }
0x82: {  	_ =	shalt  }
0x83: {  	_ =	shalt  }
0x84: {  	_ =	shalt  }
0x85: {  	_ =	shalt  }
0x86: {  	_ =	shalt  }
0x87: {  	_ =	shalt  }
.Lfunc_end0:
.L_simem_size_0:
called_computation_lowered:
.L_overlay_start_0:
0x88: {  	s2 =	sld [smem:$0x3FD9]  }
0x89: {  	s3 =	sld [smem:$0x3FFE];
	_ =	sdelay $0x1  }
0x8a: {  	s1 =	srdreg.scid  }
0x8b: {  	s0 =	sand.u32 $0x1, s1  }
0x8c: {  	s17 =	sshll.u32 s0, $0xA;
	s2 =	sadd.s32 s3, s2  }
0x8d: {  	s2 =	sadd.s32 s2, s17  }
0x8e: {  	[smem:$0x3FBF] =	sst s2  }
0x8f: {  	_ = 	snop  }
0x90: {  	s2 =	sld [smem:$0x3FD0];
	(tm) =	ssettm $0x1  }
0x91: {  	s18 =	sld [smem:$0x3FFB];
	_ =	sdelay $0x3  }
0x92: {  	_ =	strace s18  }
0x93: {  	s3 =	sld [smem:$0x3FFC];
	_ =	sdelay $0x3  }
0x94: {  	_ =	strace s3  }
0x95: {  	s3 =	sld [smem:$0x3FFD];
	_ =	sdelay $0x3  }
0x96: {  	_ =	strace s3  }
0x97: {  	_ =	strace $0x8FFFFFFF  }
0x98: {  	s19 =	sld [smem:$0x3FDB];
	_ =	sdelay $0x1  }
0x99: {  	s4 =	simm.s32 $_scs_section_size  }
0x9a: {  	s5 =	simm.s32 $_size__tile_overlayer_lowered;
	s6 =	simm.s32 $_tile_overlayer_lowered  }
0x9b: {  	s22 =	simm.s32 $0x1BFF;
	s21 =	sshll.u32 s6, $0x1;
	s3 =	sadd.s32 s4, s19  }
0x9c: {  	s7 =	simm.s32 $0x0;
	s20 =	sshll.u32 s5, $0x1;
	s5 =	sadd.s32 s21, s3  }
0x9d: {  	[timem:s7], [sflag:s22] =	dma.local [hbm:s5], s20  }
0x9e: {  	_ =	swait.ge [sflag:s22], s20  }
0x9f: {  	s4 =	ssub.s32 $0x0, s20;
	[sflag:s22] =	ssyncset.done $0x0  }
0xa0: {  	[sflag:s22] =	ssyncadd.s32 s4;
	_ =	sdelay $0x1  }
0xa1: {  	s23 =	simm.s32 $0x1B8B  }
0xa2: {  	_ =	swait.ge [sflag:s23], $0x1  }
0xa3: {  	[sflag:s23] =	ssyncset.done $0x0  }
0xa4: {  	s25 =	simm.s32 $0x1B8E;
	s24 =	sld [smem:$0x3FFE];
	[sflag:s23] =	ssyncadd.s32 $0xFFFFFFFF  }
0xa5: {  	s26 =	simm.s32 $execute0_lowered;
	[smem:$0x3FD2] =	sst s25  }
0xa6: {  	s5 =	sshll.u32 s26, $0x1;
	_ =	strace $0x80000046;
	[dreg:$0x1] =	wrdreg $0xFFFFFFFF  }
0xa7: {  	s28 =	simm.s32 $_size_execute0_lowered;
	s3 =	sadd.s32 s3, s5;
	[dreg:$0x0] =	wrdreg $0x0  }
0xa8: {  	s5 =	sshll.u32 s28, $0x1;
	[dreg:$0x2] =	wrdreg s3  }
0xa9: {  	[dreg:$0x3] =	wrdreg s5  }
0xaa: {  	[dreg:$0x4] =	wrdreg $0xC0  }
0xab: {  	_ =	task [dreg:s7], $0x5FFFF  }
0xac: {  	[dreg:$0x1] =	wrdreg $0xFFFFFFFF  }
0xad: {  	[dreg:$0x0] =	wrdreg $0x60  }
0xae: {  	[dreg:$0x2] =	wrdreg s24  }
0xaf: {  	[dreg:$0x3] =	wrdreg s2  }
0xb0: {  	[dreg:$0x4] =	wrdreg $0x9  }
0xb1: {  	_ =	task.clear_ibuf [dreg:s7], $0x5FFFF;
	_ =	strace $0x90000046  }
0xb2: {  	s29 =	simm.s32 $0x9;
	_ =	strace $0x80000048  }
0xb3: {  	_ =	swait.ge [sflag:s29], $0x1  }
0xb4: {  	[sflag:s29] =	ssyncadd.s32 $0xFFFFFFFF  }
0xb5: {  	_ =	strace $0x90000048  }
0xb6: {  	_ =	sfence  }
0xb7: {  	s30 =	sld [smem:$0x0];
	_ =	sdelay $0x2  }
0xb8: {  	s31 =	sshll.u32 s1, $0xD;
	s1 =	sshrl.u32 s1, $0x2  }
0xb9: {  	s3 =	sand.u32 $0x4000, s31;
	s1 =	sadd.s32 s1, s30  }
0xba: {  	s0 =	sor.u32 s3, s0;
	s1 =	sshll.u32 s1, $0x11  }
0xbb: {  	s0 =	sor.u32 s1, s0  }
0xbc: {  	s0 =	sadd.s32 $0x8F2B, s0  }
0xbd: {  	[sflag:s0] =	ssyncadd.remote.s32 $0x1  }
0xbe: {  	_ =	sfence.sel $0xFFFF  }
0xbf: {  	[dreg:$0x0] =	wrdreg $0xFFFFFFFF;
	(pc) =	sbr.abs _section_cstart, $3  }
0xc0: {  	[dreg:$0x1] =	wrdreg $0xFFFFFFFF  }
0xc1: {  	_ =	task.clear_ibuf [dreg:s7], $0x2FFFF;
	_ =	strace $0x9FFFFFFF  }
0xc2: {  	(tm) =	ssettm $0x7FFFFFFF  }
0xc3: {  	_ =	shalt  }
tec
execute0_lowered:
.L_overlay_start_1:
0x0: {  	(tag) =	ssettag $0x1  }
0x1: {  	s6 =	rddreg [dreg:$0x0]  }
0x2: {  	s1 =	srdreg.scid;
	s2 =	rddreg [dreg:$0x1]  }
0x3: {  	s3 =	simm.s32 $0x0;
	s8 =	sand.u32 $0x1, s1;
	s1 =	rddreg [dreg:$0x2]  }
0x4: {  	s12 =	simm.s32 $0x3C00;
	[smem:$0x7FF] =	sst s3  }
0x5: {  	s31 =	simm.s32 $0x9C80;
	_ =	strace $0x80000047;
	[dreg:$0x3] =	wrdreg s12  }
0x6: {  	s14 =	simm.s32 $0x4C00;
	[dreg:$0x4] =	wrdreg s31  }
0x7: {  	s16 =	simm.s32 $0x9D80;
	[dreg:$0x7] =	wrdreg s14  }
0x8: {  	s18 =	simm.s32 $0x5400;
	[dreg:$0x8] =	wrdreg s16  }
0x9: {  	s0 =	stileid.u32;
	s19 =	simm.s32 $0x9E00;
	[dreg:$0x9] =	wrdreg s18  }
0xa: {  	s20 =	simm.s32 $0x5C00;
	s21 =	simm.s32 $0x9E80;
	[dreg:$0xa] =	wrdreg s19  }
0xb: {  	s23 =	simm.s32 $0x6400;
	s24 =	simm.s32 $0x9F00;
	[dreg:$0xb] =	wrdreg s20  }
0xc: {  	s26 =	simm.s32 $0x6C00;
	s28 =	simm.s32 $0x9F80;
	[dreg:$0xc] =	wrdreg s21  }
0xd: {  	s29 =	simm.s32 $0x7400;
	s7 =	smul.u32 $0x6800, s0;
	[dreg:$0xd] =	wrdreg s23  }
0xe: {  	s30 =	sshll.u32 s0, $0x1;
	s10 =	smul.u32 $0x3400, s0;
	[dreg:$0xe] =	wrdreg s24  }
0xf: {  	s5 =	sadd.s32 $0x3600, s6;
	s4 =	sor.u32 s8, s30;
	[dreg:$0xf] =	wrdreg s26  }
0x10: {  	s11 =	smul.u32 $0x1A00, s8;
	s12 =	simm.s32 $0x9D00;
	[dreg:$0x10] =	wrdreg s28  }
0x11: {  	s15 =	ssub.s32 $0x2, s8;
	s22 =	smul.u32 $0x3400, s8;
	[dreg:$0x11] =	wrdreg s29  }
0x12: {  	s30 =	simm.s32 $0xA000;
	s14 =	simm.s32 $0x7C00;
	s31 =	simm.s32 $0x8400  }
0x13: {  	s16 =	simm.s32 $0x8C00;
	s18 =	simm.s32 $0x9400;
	s19 =	simm.s32 $0xA200  }
0x14: {  	s20 =	simm.s32 $0x1;
	s21 =	simm.s32 $0x2;
	[dreg:$0x6] =	wrdreg s12  }
0x15: {  	s4 =	smul.u32 $0x1A00, s4;
	s13 =	sadd.s32 s7, s6;
	[dreg:$0x12] =	wrdreg s30  }
0x16: {  	s17 =	sshrl.u32 s15, $0x1;
	s12 =	simm.s32 $0x80;
	[dreg:$0x13] =	wrdreg s14  }
0x17: {  	s14 =	simm.s32 $0x9C00;
	[dreg:$0x15] =	wrdreg s31;
	s10 =	sadd.s32 s11, s10  }
0x18: {  	s11 =	simm.s32 $0x4400;
	s7 =	ssub.s32 s15, s17;
	s25 =	sadd.s32 s22, s13  }
0x19: {  	s13 =	simm.s32 $0x3400;
	s15 =	simm.s32 $0xA080;
	s17 =	simm.s32 $0xA180  }
0x1a: {  	s22 =	simm.s32 $0x0;
	s4 =	sshrl.u32 s4, $0x3;
	s10 =	sshrl.u32 s10, $0x3  }
0x1b: {  	[dreg:$0x5] =	wrdreg s11;
	s7 =	smax.u32 s7, $0x1;
	s11 =	simm.s32 $0xA280  }
0x1c: {  	[dreg:$0x14] =	wrdreg s15;
	s15 =	simm.s32 $0xA100;
	s9 =	sadd.s32 s4, s6  }
0x1d: {  	s4 =	sadd.s32 $0x507A00, s6;
	s10 =	sadd.s32 s10, s6;
	s6 =	sadd.s32 $0x501200, s9  }
0x1e: {  	s8 =	sadd.s32 $0x557400, s10;
	s9 =	sadd.s32 $0x55DC00, s25;
	s10 =	simm.s32 $0x3  }
.LBB2_1:
0x1f: {  	[tilespmem:s3], [sflag:$0x3] =	stream.linear.gather [hbm4b:s6+s3], $0x1A00, $0x38;
	[tilespmem:$0xA350] =	vst v63  }
0x20: {  	_ =	swait.ge [sflag:s10], $0x1A00  }
0x21: {  	[sflag:s10] =	ssyncset.done $0x0  }
0x22: {  	[sflag:s10] =	ssyncadd.s32 $0xFFFFE600  }
0x23: {  	[tilespmem:s11], [sflag:$0x3] =	stream.linear.gather [hbm4b:s2+s3], $0xD0, $0x38;
	[tilespmem:$0xA350] =	vst v63  }
0x24: {  	_ =	swait.ge [sflag:s10], $0xD0  }
0x25: {  	[sflag:s10] =	ssyncset.done $0x0  }
0x26: {  	s23 =	simm.s32 $0x0;
	[sflag:s10] =	ssyncadd.s32 $0xFFFFFF30  }
0x27: {  	s24 =	simm.s32 $0x340;
	v0 =	vld [tilespmem:s23+$0x0]  }
.LBB2_2:
0x28: {  	p0 =	sne.s32 s24, $0x64C0;
	v1 =	vld [tilespmem:$0xA280];
	_ =	sdelay $0x4  }
0x29: {  	v0 =	vadd.s32 v0, v1  }
0x2a: {  	[tilespmem:s23+$0x1A00] =	vst v0;
	v0 =	vld [tilespmem:s23+$0x10]  }
0x2b: {  	v1 =	vld [tilespmem:$0xA290];
	_ =	sdelay $0x4  }
0x2c: {  	v0 =	vadd.s32 v0, v1  }
0x2d: {  	[tilespmem:s23+$0x1A10] =	vst v0;
	v0 =	vld [tilespmem:s23+$0x20]  }
0x2e: {  	v1 =	vld [tilespmem:$0xA2A0];
	_ =	sdelay $0x4  }
0x2f: {  	v0 =	vadd.s32 v0, v1  }
0x30: {  	[tilespmem:s23+$0x1A20] =	vst v0;
	v0 =	vld [tilespmem:s23+$0x30]  }
0x31: {  	v1 =	vld [tilespmem:$0xA2B0];
	_ =	sdelay $0x4  }
0x32: {  	v0 =	vadd.s32 v0, v1  }
0x33: {  	[tilespmem:s23+$0x1A30] =	vst v0;
	v0 =	vld [tilespmem:s23+$0x40]  }
0x34: {  	v1 =	vld [tilespmem:$0xA2C0];
	_ =	sdelay $0x4  }
0x35: {  	v0 =	vadd.s32 v0, v1  }
0x36: {  	[tilespmem:s23+$0x1A40] =	vst v0;
	v0 =	vld [tilespmem:s23+$0x50]  }
0x37: {  	v1 =	vld [tilespmem:$0xA2D0];
	_ =	sdelay $0x4  }
0x38: {  	v0 =	vadd.s32 v0, v1  }
0x39: {  	[tilespmem:s23+$0x1A50] =	vst v0;
	v0 =	vld [tilespmem:s23+$0x60]  }
0x3a: {  	v1 =	vld [tilespmem:$0xA2E0];
	_ =	sdelay $0x4  }
0x3b: {  	v0 =	vadd.s32 v0, v1  }
0x3c: {  	[tilespmem:s23+$0x1A60] =	vst v0;
	v0 =	vld [tilespmem:s23+$0x70]  }
0x3d: {  	v1 =	vld [tilespmem:$0xA2F0];
	_ =	sdelay $0x4  }
0x3e: {  	v0 =	vadd.s32 v0, v1  }
0x3f: {  	[tilespmem:s23+$0x1A70] =	vst v0;
	v0 =	vld [tilespmem:s23+$0x80]  }
0x40: {  	v1 =	vld [tilespmem:$0xA300];
	_ =	sdelay $0x4  }
0x41: {  	v0 =	vadd.s32 v0, v1  }
0x42: {  	[tilespmem:s23+$0x1A80] =	vst v0;
	v0 =	vld [tilespmem:s23+$0x90]  }
0x43: {  	v1 =	vld [tilespmem:$0xA310];
	_ =	sdelay $0x4  }
0x44: {  	v0 =	vadd.s32 v0, v1  }
0x45: {  	[tilespmem:s23+$0x1A90] =	vst v0;
	v0 =	vld [tilespmem:s23+$0xA0]  }
0x46: {  	v1 =	vld [tilespmem:$0xA320];
	_ =	sdelay $0x4  }
0x47: {  	v0 =	vadd.s32 v0, v1  }
0x48: {  	[tilespmem:s23+$0x1AA0] =	vst v0;
	v0 =	vld [tilespmem:s23+$0xB0]  }
0x49: {  	v1 =	vld [tilespmem:$0xA330];
	_ =	sdelay $0x4  }
0x4a: {  	v0 =	vadd.s32 v0, v1  }
0x4b: {  	[tilespmem:s23+$0x1AB0] =	vst v0;
	v0 =	vld [tilespmem:s23+$0xC0]  }
0x4c: {  	v1 =	vld [tilespmem:$0xA340];
	_ =	sdelay $0x1  }
.Ltmp0:
0x4d: {  	(pc) =	sbr.rel @p0 .LBB2_2-.Ltmp0, $3  }
0x4e: {  	_ =	sdelay $0x1  }
0x4f: {  	s25 =	sshra.s32 s24, $0x2;
	v1 =	vadd.s32 v0, v1  }
0x50: {  	s24 =	sadd.s32 $0x340, s24;
	v0 =	vld [tilespmem:s25+$0x0];
	[tilespmem:s23+$0x1AC0] =	vst v1;
	s23 =	smov.u32 s25  }
0x51: {  	v1 =	vld [tilespmem:$0xA280];
	_ =	sdelay $0x4  }
0x52: {  	v0 =	vadd.s32 v0, v1  }
0x53: {  	v40 =	vld [tilespmem:s23+$0x10];
	[tilespmem:s23+$0x1A00] =	vst v0  }
0x54: {  	v41 =	vld [tilespmem:$0xA290];
	_ =	sdelay $0x4  }
0x55: {  	v0 =	vadd.s32 v40, v41  }
0x56: {  	v42 =	vld [tilespmem:s23+$0x20];
	[tilespmem:s23+$0x1A10] =	vst v0  }
0x57: {  	v43 =	vld [tilespmem:$0xA2A0];
	_ =	sdelay $0x4  }
0x58: {  	v0 =	vadd.s32 v42, v43  }
0x59: {  	v44 =	vld [tilespmem:s23+$0x30];
	[tilespmem:s23+$0x1A20] =	vst v0  }
0x5a: {  	v45 =	vld [tilespmem:$0xA2B0];
	_ =	sdelay $0x4  }
0x5b: {  	v0 =	vadd.s32 v44, v45  }
0x5c: {  	v46 =	vld [tilespmem:s23+$0x40];
	[tilespmem:s23+$0x1A30] =	vst v0  }
0x5d: {  	v47 =	vld [tilespmem:$0xA2C0];
	_ =	sdelay $0x4  }
0x5e: {  	v0 =	vadd.s32 v46, v47  }
0x5f: {  	v48 =	vld [tilespmem:s23+$0x50];
	[tilespmem:s23+$0x1A40] =	vst v0  }
0x60: {  	v49 =	vld [tilespmem:$0xA2D0];
	_ =	sdelay $0x4  }
0x61: {  	v0 =	vadd.s32 v48, v49  }
0x62: {  	v50 =	vld [tilespmem:s23+$0x60];
	[tilespmem:s23+$0x1A50] =	vst v0  }
0x63: {  	v51 =	vld [tilespmem:$0xA2E0];
	_ =	sdelay $0x4  }
0x64: {  	v0 =	vadd.s32 v50, v51  }
0x65: {  	v52 =	vld [tilespmem:s23+$0x70];
	[tilespmem:s23+$0x1A60] =	vst v0  }
0x66: {  	v53 =	vld [tilespmem:$0xA2F0];
	_ =	sdelay $0x4  }
0x67: {  	v0 =	vadd.s32 v52, v53  }
0x68: {  	v54 =	vld [tilespmem:s23+$0x80];
	[tilespmem:s23+$0x1A70] =	vst v0  }
0x69: {  	v55 =	vld [tilespmem:$0xA300];
	_ =	sdelay $0x4  }
0x6a: {  	v0 =	vadd.s32 v54, v55  }
0x6b: {  	v56 =	vld [tilespmem:s23+$0x90];
	[tilespmem:s23+$0x1A80] =	vst v0  }
0x6c: {  	v57 =	vld [tilespmem:$0xA310];
	_ =	sdelay $0x4  }
0x6d: {  	v0 =	vadd.s32 v56, v57  }
0x6e: {  	v58 =	vld [tilespmem:s23+$0xA0];
	[tilespmem:s23+$0x1A90] =	vst v0  }
0x6f: {  	v59 =	vld [tilespmem:$0xA320];
	_ =	sdelay $0x4  }
0x70: {  	v0 =	vadd.s32 v58, v59  }
0x71: {  	v60 =	vld [tilespmem:s23+$0xB0];
	[tilespmem:s23+$0x1AA0] =	vst v0  }
0x72: {  	v61 =	vld [tilespmem:$0xA330];
	_ =	sdelay $0x4  }
0x73: {  	v0 =	vadd.s32 v60, v61  }
0x74: {  	v62 =	vld [tilespmem:s23+$0xC0];
	[tilespmem:s23+$0x1AB0] =	vst v0  }
0x75: {  	v63 =	vld [tilespmem:$0xA340];
	_ =	sdelay $0x4  }
0x76: {  	v0 =	vadd.s32 v62, v63  }
0x77: {  	s26 =	simm.s32 $0x1A00;
	[tilespmem:s23+$0x1AC0] =	vst v0  }
0x78: {  	[tilespmem:s13], [sflag:$0x1] =	stream.indirect.gather [hbm4b:s5+s12], $0x10, s26, s12, $0xb8;
	[tilespmem:$0xA350] =	vst v63  }
0x79: {  	_ = 	snop  }
0x7a: {  	[tilespmem:s14], [sflag:$0x2] =	stream.indirect.gather [hbm4b:s4+s12], $0x1, s26, s12, $0xb8;
	[tilespmem:$0xA350] =	vst v63  }
0x7b: {  	s24 =	rddreg [dreg:$0x3];
	s30 =	simm.s32 $0x1A80  }
0x7c: {  	[tilespmem:s24], [sflag:$0x1] =	stream.indirect.gather [hbm4b:s5+s12], $0x10, s30, s12, $0xb8;
	[tilespmem:$0xA350] =	vst v63  }
0x7d: {  	s25 =	rddreg [dreg:$0x4]  }
0x7e: {  	[tilespmem:s25], [sflag:$0x2] =	stream.indirect.gather [hbm4b:s4+s12], $0x1, s30, s12, $0xb8;
	[tilespmem:$0xA350] =	vst v63  }
0x7f: {  	s31 =	rddreg [dreg:$0x5];
	s26 =	simm.s32 $0x1B00  }
0x80: {  	[tilespmem:s31], [sflag:$0x1] =	stream.indirect.gather [hbm4b:s5+s12], $0x10, s26, s12, $0xb8;
	[tilespmem:$0xA350] =	vst v63  }
0x81: {  	s30 =	rddreg [dreg:$0x6]  }
0x82: {  	[tilespmem:s30], [sflag:$0x2] =	stream.indirect.gather [hbm4b:s4+s12], $0x1, s26, s12, $0xb8;
	[tilespmem:$0xA350] =	vst v63  }
0x83: {  	s31 =	rddreg [dreg:$0x7];
	s26 =	simm.s32 $0x1B80  }
0x84: {  	[tilespmem:s31], [sflag:$0x1] =	stream.indirect.gather [hbm4b:s5+s12], $0x10, s26, s12, $0xb8;
	[tilespmem:$0xA350] =	vst v63  }
0x85: {  	s30 =	rddreg [dreg:$0x8]  }
0x86: {  	[tilespmem:s30], [sflag:$0x2] =	stream.indirect.gather [hbm4b:s4+s12], $0x1, s26, s12, $0xb8;
	[tilespmem:$0xA350] =	vst v63  }
0x87: {  	s31 =	rddreg [dreg:$0x9];
	s26 =	simm.s32 $0x1C00  }
0x88: {  	[tilespmem:s31], [sflag:$0x1] =	stream.indirect.gather [hbm4b:s5+s12], $0x10, s26, s12, $0xb8;
	[tilespmem:$0xA350] =	vst v63  }
0x89: {  	s30 =	rddreg [dreg:$0xa]  }
0x8a: {  	[tilespmem:s30], [sflag:$0x2] =	stream.indirect.gather [hbm4b:s4+s12], $0x1, s26, s12, $0xb8;
	[tilespmem:$0xA350] =	vst v63  }
0x8b: {  	s31 =	rddreg [dreg:$0xb];
	s26 =	simm.s32 $0x1C80  }
0x8c: {  	[tilespmem:s31], [sflag:$0x1] =	stream.indirect.gather [hbm4b:s5+s12], $0x10, s26, s12, $0xb8;
	[tilespmem:$0xA350] =	vst v63  }
0x8d: {  	s30 =	rddreg [dreg:$0xc]  }
0x8e: {  	[tilespmem:s30], [sflag:$0x2] =	stream.indirect.gather [hbm4b:s4+s12], $0x1, s26, s12, $0xb8;
	[tilespmem:$0xA350] =	vst v63  }
0x8f: {  	s31 =	rddreg [dreg:$0xd];
	s26 =	simm.s32 $0x1D00  }
0x90: {  	[tilespmem:s31], [sflag:$0x1] =	stream.indirect.gather [hbm4b:s5+s12], $0x10, s26, s12, $0xb8;
	[tilespmem:$0xA350] =	vst v63  }
0x91: {  	s30 =	rddreg [dreg:$0xe]  }
0x92: {  	[tilespmem:s30], [sflag:$0x2] =	stream.indirect.gather [hbm4b:s4+s12], $0x1, s26, s12, $0xb8;
	[tilespmem:$0xA350] =	vst v63  }
0x93: {  	s31 =	rddreg [dreg:$0xf];
	s26 =	simm.s32 $0x1D80  }
0x94: {  	[tilespmem:s31], [sflag:$0x1] =	stream.indirect.gather [hbm4b:s5+s12], $0x10, s26, s12, $0xb8;
	[tilespmem:$0xA350] =	vst v63  }
0x95: {  	s30 =	rddreg [dreg:$0x10]  }
0x96: {  	[tilespmem:s30], [sflag:$0x2] =	stream.indirect.gather [hbm4b:s4+s12], $0x1, s26, s12, $0xb8;
	[tilespmem:$0xA350] =	vst v63  }
0x97: {  	s31 =	rddreg [dreg:$0x11];
	s26 =	simm.s32 $0x1E00  }
0x98: {  	[tilespmem:s31], [sflag:$0x1] =	stream.indirect.gather [hbm4b:s5+s12], $0x10, s26, s12, $0xb8;
	[tilespmem:$0xA350] =	vst v63  }
0x99: {  	s30 =	rddreg [dreg:$0x12]  }
0x9a: {  	[tilespmem:s30], [sflag:$0x2] =	stream.indirect.gather [hbm4b:s4+s12], $0x1, s26, s12, $0xb8;
	[tilespmem:$0xA350] =	vst v63  }
0x9b: {  	s31 =	rddreg [dreg:$0x13];
	s26 =	simm.s32 $0x1E80  }
0x9c: {  	[tilespmem:s31], [sflag:$0x1] =	stream.indirect.gather [hbm4b:s5+s12], $0x10, s26, s12, $0xb8;
	[tilespmem:$0xA350] =	vst v63  }
0x9d: {  	s30 =	rddreg [dreg:$0x14]  }
0x9e: {  	[tilespmem:s30], [sflag:$0x2] =	stream.indirect.gather [hbm4b:s4+s12], $0x1, s26, s12, $0xb8;
	[tilespmem:$0xA350] =	vst v63  }
0x9f: {  	s31 =	rddreg [dreg:$0x15];
	s26 =	simm.s32 $0x1F00  }
0xa0: {  	[tilespmem:s31], [sflag:$0x1] =	stream.indirect.gather [hbm4b:s5+s12], $0x10, s26, s12, $0xb8;
	[tilespmem:$0xA350] =	vst v63  }
0xa1: {  	_ = 	snop  }
0xa2: {  	[tilespmem:s15], [sflag:$0x2] =	stream.indirect.gather [hbm4b:s4+s12], $0x1, s26, s12, $0xb8;
	[tilespmem:$0xA350] =	vst v63  }
0xa3: {  	s30 =	simm.s32 $0x1F80  }
0xa4: {  	[tilespmem:s16], [sflag:$0x1] =	stream.indirect.gather [hbm4b:s5+s12], $0x10, s30, s12, $0xb8;
	[tilespmem:$0xA350] =	vst v63  }
0xa5: {  	_ = 	snop  }
0xa6: {  	[tilespmem:s17], [sflag:$0x2] =	stream.indirect.gather [hbm4b:s4+s12], $0x1, s30, s12, $0xb8;
	[tilespmem:$0xA350] =	vst v63  }
0xa7: {  	s31 =	simm.s32 $0x2000  }
0xa8: {  	[tilespmem:s18], [sflag:$0x1] =	stream.indirect.gather [hbm4b:s5+s12], $0x10, s31, s12, $0xb8;
	[tilespmem:$0xA350] =	vst v63  }
0xa9: {  	_ = 	snop  }
0xaa: {  	[tilespmem:s19], [sflag:$0x2] =	stream.indirect.gather [hbm4b:s4+s12], $0x1, s31, s12, $0xb8;
	[tilespmem:$0xA350] =	vst v63  }
0xab: {  	_ =	swait.ge [sflag:s20], $0x800  }
0xac: {  	[sflag:s20] =	ssyncset.done $0x0  }
0xad: {  	[sflag:s20] =	ssyncadd.s32 $0xFFFFF800  }
0xae: {  	_ =	swait.ge [sflag:s21], $0x80  }
0xaf: {  	[sflag:s21] =	ssyncset.done $0x0  }
0xb0: {  	[sflag:s21] =	ssyncadd.s32 $0xFFFFFF80  }
0xb1: {  	_ =	swait.ge [sflag:s20], $0x800  }
0xb2: {  	[sflag:s20] =	ssyncset.done $0x0  }
0xb3: {  	[sflag:s20] =	ssyncadd.s32 $0xFFFFF800  }
0xb4: {  	_ =	swait.ge [sflag:s21], $0x80  }
0xb5: {  	[sflag:s21] =	ssyncset.done $0x0  }
0xb6: {  	[sflag:s21] =	ssyncadd.s32 $0xFFFFFF80  }
0xb7: {  	_ =	swait.ge [sflag:s20], $0x800  }
0xb8: {  	[sflag:s20] =	ssyncset.done $0x0  }
0xb9: {  	[sflag:s20] =	ssyncadd.s32 $0xFFFFF800  }
0xba: {  	_ =	swait.ge [sflag:s21], $0x80  }
0xbb: {  	[sflag:s21] =	ssyncset.done $0x0  }
0xbc: {  	[sflag:s21] =	ssyncadd.s32 $0xFFFFFF80  }
0xbd: {  	_ =	swait.ge [sflag:s20], $0x800  }
0xbe: {  	[sflag:s20] =	ssyncset.done $0x0  }
0xbf: {  	[sflag:s20] =	ssyncadd.s32 $0xFFFFF800  }
0xc0: {  	_ =	swait.ge [sflag:s21], $0x80  }
0xc1: {  	[sflag:s21] =	ssyncset.done $0x0  }
0xc2: {  	[sflag:s21] =	ssyncadd.s32 $0xFFFFFF80  }
0xc3: {  	_ =	swait.ge [sflag:s20], $0x800  }
0xc4: {  	[sflag:s20] =	ssyncset.done $0x0  }
0xc5: {  	[sflag:s20] =	ssyncadd.s32 $0xFFFFF800  }
0xc6: {  	_ =	swait.ge [sflag:s21], $0x80  }
0xc7: {  	[sflag:s21] =	ssyncset.done $0x0  }
0xc8: {  	[sflag:s21] =	ssyncadd.s32 $0xFFFFFF80  }
0xc9: {  	_ =	swait.ge [sflag:s20], $0x800  }
0xca: {  	[sflag:s20] =	ssyncset.done $0x0  }
0xcb: {  	[sflag:s20] =	ssyncadd.s32 $0xFFFFF800  }
0xcc: {  	_ =	swait.ge [sflag:s21], $0x80  }
0xcd: {  	[sflag:s21] =	ssyncset.done $0x0  }
0xce: {  	[sflag:s21] =	ssyncadd.s32 $0xFFFFFF80  }
0xcf: {  	_ =	swait.ge [sflag:s20], $0x800  }
0xd0: {  	[sflag:s20] =	ssyncset.done $0x0  }
0xd1: {  	[sflag:s20] =	ssyncadd.s32 $0xFFFFF800  }
0xd2: {  	_ =	swait.ge [sflag:s21], $0x80  }
0xd3: {  	[sflag:s21] =	ssyncset.done $0x0  }
0xd4: {  	[sflag:s21] =	ssyncadd.s32 $0xFFFFFF80  }
0xd5: {  	_ =	swait.ge [sflag:s20], $0x800  }
0xd6: {  	[sflag:s20] =	ssyncset.done $0x0  }
0xd7: {  	[sflag:s20] =	ssyncadd.s32 $0xFFFFF800  }
0xd8: {  	_ =	swait.ge [sflag:s21], $0x80  }
0xd9: {  	[sflag:s21] =	ssyncset.done $0x0  }
0xda: {  	[sflag:s21] =	ssyncadd.s32 $0xFFFFFF80  }
0xdb: {  	_ =	swait.ge [sflag:s20], $0x800  }
0xdc: {  	[sflag:s20] =	ssyncset.done $0x0  }
0xdd: {  	[sflag:s20] =	ssyncadd.s32 $0xFFFFF800  }
0xde: {  	_ =	swait.ge [sflag:s21], $0x80  }
0xdf: {  	[sflag:s21] =	ssyncset.done $0x0  }
0xe0: {  	[sflag:s21] =	ssyncadd.s32 $0xFFFFFF80  }
0xe1: {  	_ =	swait.ge [sflag:s20], $0x800  }
0xe2: {  	[sflag:s20] =	ssyncset.done $0x0  }
0xe3: {  	[sflag:s20] =	ssyncadd.s32 $0xFFFFF800  }
0xe4: {  	_ =	swait.ge [sflag:s21], $0x80  }
0xe5: {  	[sflag:s21] =	ssyncset.done $0x0  }
0xe6: {  	[sflag:s21] =	ssyncadd.s32 $0xFFFFFF80  }
0xe7: {  	_ =	swait.ge [sflag:s20], $0x800  }
0xe8: {  	[sflag:s20] =	ssyncset.done $0x0  }
0xe9: {  	[sflag:s20] =	ssyncadd.s32 $0xFFFFF800  }
0xea: {  	_ =	swait.ge [sflag:s21], $0x80  }
0xeb: {  	[sflag:s21] =	ssyncset.done $0x0  }
0xec: {  	[sflag:s21] =	ssyncadd.s32 $0xFFFFFF80  }
0xed: {  	_ =	swait.ge [sflag:s20], $0x800  }
0xee: {  	[sflag:s20] =	ssyncset.done $0x0  }
0xef: {  	[sflag:s20] =	ssyncadd.s32 $0xFFFFF800  }
0xf0: {  	_ =	swait.ge [sflag:s21], $0x80  }
0xf1: {  	[sflag:s21] =	ssyncset.done $0x0  }
0xf2: {  	[sflag:s21] =	ssyncadd.s32 $0xFFFFFF80  }
0xf3: {  	_ =	swait.ge [sflag:s20], $0x800  }
0xf4: {  	[sflag:s20] =	ssyncset.done $0x0  }
0xf5: {  	[sflag:s20] =	ssyncadd.s32 $0xFFFFF800  }
0xf6: {  	_ =	swait.ge [sflag:s21], $0x80  }
0xf7: {  	[sflag:s21] =	ssyncset.done $0x0  }
0xf8: {  	[sflag:s21] =	ssyncadd.s32 $0xFFFFFF80  }
0xf9: {  	[hbm4b:s9+s3] =	stream.linear.scatter [tilespmem:s13], [sflag:$0x3], $0x6800, $0x38;
	[tilespmem:$0xA350] =	vst v63  }
0xfa: {  	_ =	swait.ge [sflag:s10], $0x6800  }
0xfb: {  	[sflag:s10] =	ssyncset.done $0x0  }
0xfc: {  	[sflag:s10] =	ssyncadd.s32 $0xFFFF9800  }
0xfd: {  	[hbm4b:s8+s3] =	stream.linear.scatter [tilespmem:s14], [sflag:$0x3], $0x680, $0x38;
	[tilespmem:$0xA350] =	vst v63  }
0xfe: {  	s29 =	simm.s32 $0x3400;
	s28 =	simm.s32 $0x680;
	_ =	swait.ge [sflag:s10], $0x680  }
0xff: {  	s23 =	sadd.s32 $0xD0, s8;
	s24 =	sadd.s32 $0xD00, s9;
	[sflag:s10] =	ssyncset.done $0x0  }
.LBB2_4:
0x100: {  	s30 =	sadd.s32 $0x1A00, s28;
	[sflag:s10] =	ssyncadd.s32 $0xFFFFF980  }
0x101: {  	[tilespmem:s13], [sflag:$0x1] =	stream.indirect.gather [hbm4b:s5+s12], $0x10, s30, s12, $0xb8;
	[tilespmem:$0xA350] =	vst v63  }
0x102: {  	s26 =	smov.u32 s29;
	s25 =	sadd.s32 $0x1A00, s29  }
0x103: {  	[tilespmem:s14], [sflag:$0x2] =	stream.indirect.gather [hbm4b:s4+s12], $0x1, s30, s12, $0xb8;
	[tilespmem:$0xA350] =	vst v63  }
0x104: {  	p0 =	sne.s32 s29, $0x4E00;
	s29 =	rddreg [dreg:$0x3];
	s30 =	sadd.s32 $0x1A80, s28  }
0x105: {  	[tilespmem:s29], [sflag:$0x1] =	stream.indirect.gather [hbm4b:s5+s12], $0x10, s30, s12, $0xb8;
	[tilespmem:$0xA350] =	vst v63  }
0x106: {  	s31 =	rddreg [dreg:$0x4]  }
0x107: {  	[tilespmem:s31], [sflag:$0x2] =	stream.indirect.gather [hbm4b:s4+s12], $0x1, s30, s12, $0xb8;
	[tilespmem:$0xA350] =	vst v63  }
0x108: {  	s29 =	rddreg [dreg:$0x5];
	s30 =	sadd.s32 $0x1B00, s28  }
0x109: {  	[tilespmem:s29], [sflag:$0x1] =	stream.indirect.gather [hbm4b:s5+s12], $0x10, s30, s12, $0xb8;
	[tilespmem:$0xA350] =	vst v63  }
0x10a: {  	s31 =	rddreg [dreg:$0x6]  }
0x10b: {  	[tilespmem:s31], [sflag:$0x2] =	stream.indirect.gather [hbm4b:s4+s12], $0x1, s30, s12, $0xb8;
	[tilespmem:$0xA350] =	vst v63  }
0x10c: {  	s29 =	rddreg [dreg:$0x7];
	s30 =	sadd.s32 $0x1B80, s28  }
0x10d: {  	[tilespmem:s29], [sflag:$0x1] =	stream.indirect.gather [hbm4b:s5+s12], $0x10, s30, s12, $0xb8;
	[tilespmem:$0xA350] =	vst v63  }
0x10e: {  	s31 =	rddreg [dreg:$0x8]  }
0x10f: {  	[tilespmem:s31], [sflag:$0x2] =	stream.indirect.gather [hbm4b:s4+s12], $0x1, s30, s12, $0xb8;
	[tilespmem:$0xA350] =	vst v63  }
0x110: {  	s29 =	rddreg [dreg:$0x9];
	s30 =	sadd.s32 $0x1C00, s28  }
0x111: {  	[tilespmem:s29], [sflag:$0x1] =	stream.indirect.gather [hbm4b:s5+s12], $0x10, s30, s12, $0xb8;
	[tilespmem:$0xA350] =	vst v63  }
0x112: {  	s31 =	rddreg [dreg:$0xa]  }
0x113: {  	[tilespmem:s31], [sflag:$0x2] =	stream.indirect.gather [hbm4b:s4+s12], $0x1, s30, s12, $0xb8;
	[tilespmem:$0xA350] =	vst v63  }
0x114: {  	s29 =	rddreg [dreg:$0xb];
	s30 =	sadd.s32 $0x1C80, s28  }
0x115: {  	[tilespmem:s29], [sflag:$0x1] =	stream.indirect.gather [hbm4b:s5+s12], $0x10, s30, s12, $0xb8;
	[tilespmem:$0xA350] =	vst v63  }
0x116: {  	s31 =	rddreg [dreg:$0xc]  }
0x117: {  	[tilespmem:s31], [sflag:$0x2] =	stream.indirect.gather [hbm4b:s4+s12], $0x1, s30, s12, $0xb8;
	[tilespmem:$0xA350] =	vst v63  }
0x118: {  	s29 =	rddreg [dreg:$0xd];
	s30 =	sadd.s32 $0x1D00, s28  }
0x119: {  	[tilespmem:s29], [sflag:$0x1] =	stream.indirect.gather [hbm4b:s5+s12], $0x10, s30, s12, $0xb8;
	[tilespmem:$0xA350] =	vst v63  }
0x11a: {  	s31 =	rddreg [dreg:$0xe]  }
0x11b: {  	[tilespmem:s31], [sflag:$0x2] =	stream.indirect.gather [hbm4b:s4+s12], $0x1, s30, s12, $0xb8;
	[tilespmem:$0xA350] =	vst v63  }
0x11c: {  	s29 =	rddreg [dreg:$0xf];
	s30 =	sadd.s32 $0x1D80, s28  }
0x11d: {  	[tilespmem:s29], [sflag:$0x1] =	stream.indirect.gather [hbm4b:s5+s12], $0x10, s30, s12, $0xb8;
	[tilespmem:$0xA350] =	vst v63  }
0x11e: {  	s31 =	rddreg [dreg:$0x10]  }
0x11f: {  	[tilespmem:s31], [sflag:$0x2] =	stream.indirect.gather [hbm4b:s4+s12], $0x1, s30, s12, $0xb8;
	[tilespmem:$0xA350] =	vst v63  }
0x120: {  	s29 =	rddreg [dreg:$0x11];
	s30 =	sadd.s32 $0x1E00, s28  }
0x121: {  	[tilespmem:s29], [sflag:$0x1] =	stream.indirect.gather [hbm4b:s5+s12], $0x10, s30, s12, $0xb8;
	[tilespmem:$0xA350] =	vst v63  }
0x122: {  	s31 =	rddreg [dreg:$0x12]  }
0x123: {  	[tilespmem:s31], [sflag:$0x2] =	stream.indirect.gather [hbm4b:s4+s12], $0x1, s30, s12, $0xb8;
	[tilespmem:$0xA350] =	vst v63  }
0x124: {  	s29 =	rddreg [dreg:$0x13];
	s30 =	sadd.s32 $0x1E80, s28  }
0x125: {  	[tilespmem:s29], [sflag:$0x1] =	stream.indirect.gather [hbm4b:s5+s12], $0x10, s30, s12, $0xb8;
	[tilespmem:$0xA350] =	vst v63  }
0x126: {  	s31 =	rddreg [dreg:$0x14]  }
0x127: {  	[tilespmem:s31], [sflag:$0x2] =	stream.indirect.gather [hbm4b:s4+s12], $0x1, s30, s12, $0xb8;
	[tilespmem:$0xA350] =	vst v63  }
0x128: {  	s29 =	rddreg [dreg:$0x15];
	s31 =	sadd.s32 $0x1F00, s28  }
0x129: {  	[tilespmem:s29], [sflag:$0x1] =	stream.indirect.gather [hbm4b:s5+s12], $0x10, s31, s12, $0xb8;
	[tilespmem:$0xA350] =	vst v63  }
0x12a: {  	_ = 	snop  }
0x12b: {  	[tilespmem:s15], [sflag:$0x2] =	stream.indirect.gather [hbm4b:s4+s12], $0x1, s31, s12, $0xb8;
	[tilespmem:$0xA350] =	vst v63  }
0x12c: {  	s29 =	sadd.s32 $0x1F80, s28  }
0x12d: {  	[tilespmem:s16], [sflag:$0x1] =	stream.indirect.gather [hbm4b:s5+s12], $0x10, s29, s12, $0xb8;
	[tilespmem:$0xA350] =	vst v63  }
0x12e: {  	_ = 	snop  }
0x12f: {  	[tilespmem:s17], [sflag:$0x2] =	stream.indirect.gather [hbm4b:s4+s12], $0x1, s29, s12, $0xb8;
	[tilespmem:$0xA350] =	vst v63  }
0x130: {  	s28 =	sadd.s32 $0x2000, s28  }
0x131: {  	[tilespmem:s18], [sflag:$0x1] =	stream.indirect.gather [hbm4b:s5+s12], $0x10, s28, s12, $0xb8;
	[tilespmem:$0xA350] =	vst v63  }
0x132: {  	_ = 	snop  }
0x133: {  	[tilespmem:s19], [sflag:$0x2] =	stream.indirect.gather [hbm4b:s4+s12], $0x1, s28, s12, $0xb8;
	[tilespmem:$0xA350] =	vst v63  }
0x134: {  	_ =	swait.ge [sflag:s20], $0x800  }
0x135: {  	[sflag:s20] =	ssyncset.done $0x0  }
0x136: {  	[sflag:s20] =	ssyncadd.s32 $0xFFFFF800  }
0x137: {  	_ =	swait.ge [sflag:s21], $0x80  }
0x138: {  	[sflag:s21] =	ssyncset.done $0x0  }
0x139: {  	[sflag:s21] =	ssyncadd.s32 $0xFFFFFF80  }
0x13a: {  	_ =	swait.ge [sflag:s20], $0x800  }
0x13b: {  	[sflag:s20] =	ssyncset.done $0x0  }
0x13c: {  	[sflag:s20] =	ssyncadd.s32 $0xFFFFF800  }
0x13d: {  	_ =	swait.ge [sflag:s21], $0x80  }
0x13e: {  	[sflag:s21] =	ssyncset.done $0x0  }
0x13f: {  	[sflag:s21] =	ssyncadd.s32 $0xFFFFFF80  }
0x140: {  	_ =	swait.ge [sflag:s20], $0x800  }
0x141: {  	[sflag:s20] =	ssyncset.done $0x0  }
0x142: {  	[sflag:s20] =	ssyncadd.s32 $0xFFFFF800  }
0x143: {  	_ =	swait.ge [sflag:s21], $0x80  }
0x144: {  	[sflag:s21] =	ssyncset.done $0x0  }
0x145: {  	[sflag:s21] =	ssyncadd.s32 $0xFFFFFF80  }
0x146: {  	_ =	swait.ge [sflag:s20], $0x800  }
0x147: {  	[sflag:s20] =	ssyncset.done $0x0  }
0x148: {  	[sflag:s20] =	ssyncadd.s32 $0xFFFFF800  }
0x149: {  	_ =	swait.ge [sflag:s21], $0x80  }
0x14a: {  	[sflag:s21] =	ssyncset.done $0x0  }
0x14b: {  	[sflag:s21] =	ssyncadd.s32 $0xFFFFFF80  }
0x14c: {  	_ =	swait.ge [sflag:s20], $0x800  }
0x14d: {  	[sflag:s20] =	ssyncset.done $0x0  }
0x14e: {  	[sflag:s20] =	ssyncadd.s32 $0xFFFFF800  }
0x14f: {  	_ =	swait.ge [sflag:s21], $0x80  }
0x150: {  	[sflag:s21] =	ssyncset.done $0x0  }
0x151: {  	[sflag:s21] =	ssyncadd.s32 $0xFFFFFF80  }
0x152: {  	_ =	swait.ge [sflag:s20], $0x800  }
0x153: {  	[sflag:s20] =	ssyncset.done $0x0  }
0x154: {  	[sflag:s20] =	ssyncadd.s32 $0xFFFFF800  }
0x155: {  	_ =	swait.ge [sflag:s21], $0x80  }
0x156: {  	[sflag:s21] =	ssyncset.done $0x0  }
0x157: {  	[sflag:s21] =	ssyncadd.s32 $0xFFFFFF80  }
0x158: {  	_ =	swait.ge [sflag:s20], $0x800  }
0x159: {  	[sflag:s20] =	ssyncset.done $0x0  }
0x15a: {  	[sflag:s20] =	ssyncadd.s32 $0xFFFFF800  }
0x15b: {  	_ =	swait.ge [sflag:s21], $0x80  }
0x15c: {  	[sflag:s21] =	ssyncset.done $0x0  }
0x15d: {  	[sflag:s21] =	ssyncadd.s32 $0xFFFFFF80  }
0x15e: {  	_ =	swait.ge [sflag:s20], $0x800  }
0x15f: {  	[sflag:s20] =	ssyncset.done $0x0  }
0x160: {  	[sflag:s20] =	ssyncadd.s32 $0xFFFFF800  }
0x161: {  	_ =	swait.ge [sflag:s21], $0x80  }
0x162: {  	[sflag:s21] =	ssyncset.done $0x0  }
0x163: {  	[sflag:s21] =	ssyncadd.s32 $0xFFFFFF80  }
0x164: {  	_ =	swait.ge [sflag:s20], $0x800  }
0x165: {  	[sflag:s20] =	ssyncset.done $0x0  }
0x166: {  	[sflag:s20] =	ssyncadd.s32 $0xFFFFF800  }
0x167: {  	_ =	swait.ge [sflag:s21], $0x80  }
0x168: {  	[sflag:s21] =	ssyncset.done $0x0  }
0x169: {  	[sflag:s21] =	ssyncadd.s32 $0xFFFFFF80  }
0x16a: {  	_ =	swait.ge [sflag:s20], $0x800  }
0x16b: {  	[sflag:s20] =	ssyncset.done $0x0  }
0x16c: {  	[sflag:s20] =	ssyncadd.s32 $0xFFFFF800  }
0x16d: {  	_ =	swait.ge [sflag:s21], $0x80  }
0x16e: {  	[sflag:s21] =	ssyncset.done $0x0  }
0x16f: {  	[sflag:s21] =	ssyncadd.s32 $0xFFFFFF80  }
0x170: {  	_ =	swait.ge [sflag:s20], $0x800  }
0x171: {  	[sflag:s20] =	ssyncset.done $0x0  }
0x172: {  	[sflag:s20] =	ssyncadd.s32 $0xFFFFF800  }
0x173: {  	_ =	swait.ge [sflag:s21], $0x80  }
0x174: {  	[sflag:s21] =	ssyncset.done $0x0  }
0x175: {  	[sflag:s21] =	ssyncadd.s32 $0xFFFFFF80  }
0x176: {  	_ =	swait.ge [sflag:s20], $0x800  }
0x177: {  	[sflag:s20] =	ssyncset.done $0x0  }
0x178: {  	[sflag:s20] =	ssyncadd.s32 $0xFFFFF800  }
0x179: {  	_ =	swait.ge [sflag:s21], $0x80  }
0x17a: {  	[sflag:s21] =	ssyncset.done $0x0  }
0x17b: {  	[sflag:s21] =	ssyncadd.s32 $0xFFFFFF80  }
0x17c: {  	_ =	swait.ge [sflag:s20], $0x800  }
0x17d: {  	[sflag:s20] =	ssyncset.done $0x0  }
0x17e: {  	[sflag:s20] =	ssyncadd.s32 $0xFFFFF800  }
0x17f: {  	_ =	swait.ge [sflag:s21], $0x80  }
0x180: {  	[sflag:s21] =	ssyncset.done $0x0  }
0x181: {  	[sflag:s21] =	ssyncadd.s32 $0xFFFFFF80  }
0x182: {  	[hbm4b:s24+s3] =	stream.linear.scatter [tilespmem:s13], [sflag:$0x3], $0x6800, $0x38;
	[tilespmem:$0xA350] =	vst v63  }
0x183: {  	_ =	swait.ge [sflag:s10], $0x6800  }
.Ltmp1:
0x184: {  	[sflag:s10] =	ssyncset.done $0x0;
	(pc) =	sbr.rel @p0 .LBB2_4-.Ltmp1, $4  }
0x185: {  	[sflag:s10] =	ssyncadd.s32 $0xFFFF9800  }
0x186: {  	[hbm4b:s23+s3] =	stream.linear.scatter [tilespmem:s14], [sflag:$0x3], $0x680, $0x38;
	[tilespmem:$0xA350] =	vst v63  }
0x187: {  	s29 =	smov.u32 s25;
	s28 =	sshra.s32 s26, $0x2;
	_ =	swait.ge [sflag:s10], $0x680  }
0x188: {  	s24 =	sadd.s32 $0xD00, s24;
	s23 =	sadd.s32 $0xD0, s23;
	[sflag:s10] =	ssyncset.done $0x0  }
0x189: {  	s25 =	sadd.s32 $0x1A00, s28;
	[sflag:s10] =	ssyncadd.s32 $0xFFFFF980  }
0x18a: {  	[tilespmem:s13], [sflag:$0x1] =	stream.indirect.gather [hbm4b:s5+s12], $0x10, s25, s12, $0xb8;
	[tilespmem:$0xA350] =	vst v63  }
0x18b: {  	_ = 	snop  }
0x18c: {  	[tilespmem:s14], [sflag:$0x2] =	stream.indirect.gather [hbm4b:s4+s12], $0x1, s25, s12, $0xb8;
	[tilespmem:$0xA350] =	vst v63  }
0x18d: {  	s26 =	rddreg [dreg:$0x3];
	s30 =	sadd.s32 $0x1A80, s28  }
0x18e: {  	[tilespmem:s26], [sflag:$0x1] =	stream.indirect.gather [hbm4b:s5+s12], $0x10, s30, s12, $0xb8;
	[tilespmem:$0xA350] =	vst v63  }
0x18f: {  	s29 =	rddreg [dreg:$0x4]  }
0x190: {  	[tilespmem:s29], [sflag:$0x2] =	stream.indirect.gather [hbm4b:s4+s12], $0x1, s30, s12, $0xb8;
	[tilespmem:$0xA350] =	vst v63  }
0x191: {  	s31 =	rddreg [dreg:$0x5];
	s25 =	sadd.s32 $0x1B00, s28  }
0x192: {  	[tilespmem:s31], [sflag:$0x1] =	stream.indirect.gather [hbm4b:s5+s12], $0x10, s25, s12, $0xb8;
	[tilespmem:$0xA350] =	vst v63  }
0x193: {  	s30 =	rddreg [dreg:$0x6]  }
0x194: {  	[tilespmem:s30], [sflag:$0x2] =	stream.indirect.gather [hbm4b:s4+s12], $0x1, s25, s12, $0xb8;
	[tilespmem:$0xA350] =	vst v63  }
0x195: {  	s31 =	rddreg [dreg:$0x7];
	s25 =	sadd.s32 $0x1B80, s28  }
0x196: {  	[tilespmem:s31], [sflag:$0x1] =	stream.indirect.gather [hbm4b:s5+s12], $0x10, s25, s12, $0xb8;
	[tilespmem:$0xA350] =	vst v63  }
0x197: {  	s30 =	rddreg [dreg:$0x8]  }
0x198: {  	[tilespmem:s30], [sflag:$0x2] =	stream.indirect.gather [hbm4b:s4+s12], $0x1, s25, s12, $0xb8;
	[tilespmem:$0xA350] =	vst v63  }
0x199: {  	s31 =	rddreg [dreg:$0x9];
	s25 =	sadd.s32 $0x1C00, s28  }
0x19a: {  	[tilespmem:s31], [sflag:$0x1] =	stream.indirect.gather [hbm4b:s5+s12], $0x10, s25, s12, $0xb8;
	[tilespmem:$0xA350] =	vst v63  }
0x19b: {  	s30 =	rddreg [dreg:$0xa]  }
0x19c: {  	[tilespmem:s30], [sflag:$0x2] =	stream.indirect.gather [hbm4b:s4+s12], $0x1, s25, s12, $0xb8;
	[tilespmem:$0xA350] =	vst v63  }
0x19d: {  	s31 =	rddreg [dreg:$0xb];
	s25 =	sadd.s32 $0x1C80, s28  }
0x19e: {  	[tilespmem:s31], [sflag:$0x1] =	stream.indirect.gather [hbm4b:s5+s12], $0x10, s25, s12, $0xb8;
	[tilespmem:$0xA350] =	vst v63  }
0x19f: {  	s30 =	rddreg [dreg:$0xc]  }
0x1a0: {  	[tilespmem:s30], [sflag:$0x2] =	stream.indirect.gather [hbm4b:s4+s12], $0x1, s25, s12, $0xb8;
	[tilespmem:$0xA350] =	vst v63  }
0x1a1: {  	s31 =	rddreg [dreg:$0xd];
	s25 =	sadd.s32 $0x1D00, s28  }
0x1a2: {  	[tilespmem:s31], [sflag:$0x1] =	stream.indirect.gather [hbm4b:s5+s12], $0x10, s25, s12, $0xb8;
	[tilespmem:$0xA350] =	vst v63  }
0x1a3: {  	s30 =	rddreg [dreg:$0xe]  }
0x1a4: {  	[tilespmem:s30], [sflag:$0x2] =	stream.indirect.gather [hbm4b:s4+s12], $0x1, s25, s12, $0xb8;
	[tilespmem:$0xA350] =	vst v63  }
0x1a5: {  	s31 =	rddreg [dreg:$0xf];
	s25 =	sadd.s32 $0x1D80, s28  }
0x1a6: {  	[tilespmem:s31], [sflag:$0x1] =	stream.indirect.gather [hbm4b:s5+s12], $0x10, s25, s12, $0xb8;
	[tilespmem:$0xA350] =	vst v63  }
0x1a7: {  	s30 =	rddreg [dreg:$0x10]  }
0x1a8: {  	[tilespmem:s30], [sflag:$0x2] =	stream.indirect.gather [hbm4b:s4+s12], $0x1, s25, s12, $0xb8;
	[tilespmem:$0xA350] =	vst v63  }
0x1a9: {  	s31 =	rddreg [dreg:$0x11];
	s25 =	sadd.s32 $0x1E00, s28  }
0x1aa: {  	[tilespmem:s31], [sflag:$0x1] =	stream.indirect.gather [hbm4b:s5+s12], $0x10, s25, s12, $0xb8;
	[tilespmem:$0xA350] =	vst v63  }
0x1ab: {  	s30 =	rddreg [dreg:$0x12]  }
0x1ac: {  	[tilespmem:s30], [sflag:$0x2] =	stream.indirect.gather [hbm4b:s4+s12], $0x1, s25, s12, $0xb8;
	[tilespmem:$0xA350] =	vst v63  }
0x1ad: {  	s31 =	rddreg [dreg:$0x13];
	s25 =	sadd.s32 $0x1E80, s28  }
0x1ae: {  	[tilespmem:s31], [sflag:$0x1] =	stream.indirect.gather [hbm4b:s5+s12], $0x10, s25, s12, $0xb8;
	[tilespmem:$0xA350] =	vst v63  }
0x1af: {  	s30 =	rddreg [dreg:$0x14]  }
0x1b0: {  	[tilespmem:s30], [sflag:$0x2] =	stream.indirect.gather [hbm4b:s4+s12], $0x1, s25, s12, $0xb8;
	[tilespmem:$0xA350] =	vst v63  }
0x1b1: {  	s29 =	sadd.s32 $0x1F00, s28;
	s31 =	rddreg [dreg:$0x15]  }
0x1b2: {  	[tilespmem:s31], [sflag:$0x1] =	stream.indirect.gather [hbm4b:s5+s12], $0x10, s29, s12, $0xb8;
	[tilespmem:$0xA350] =	vst v63  }
0x1b3: {  	_ = 	snop  }
0x1b4: {  	[tilespmem:s15], [sflag:$0x2] =	stream.indirect.gather [hbm4b:s4+s12], $0x1, s29, s12, $0xb8;
	[tilespmem:$0xA350] =	vst v63  }
0x1b5: {  	s30 =	sadd.s32 $0x1F80, s28  }
0x1b6: {  	[tilespmem:s16], [sflag:$0x1] =	stream.indirect.gather [hbm4b:s5+s12], $0x10, s30, s12, $0xb8;
	[tilespmem:$0xA350] =	vst v63  }
0x1b7: {  	_ = 	snop  }
0x1b8: {  	[tilespmem:s17], [sflag:$0x2] =	stream.indirect.gather [hbm4b:s4+s12], $0x1, s30, s12, $0xb8;
	[tilespmem:$0xA350] =	vst v63  }
0x1b9: {  	s31 =	sadd.s32 $0x2000, s28  }
0x1ba: {  	[tilespmem:s18], [sflag:$0x1] =	stream.indirect.gather [hbm4b:s5+s12], $0x10, s31, s12, $0xb8;
	[tilespmem:$0xA350] =	vst v63  }
0x1bb: {  	_ = 	snop  }
0x1bc: {  	[tilespmem:s19], [sflag:$0x2] =	stream.indirect.gather [hbm4b:s4+s12], $0x1, s31, s12, $0xb8;
	[tilespmem:$0xA350] =	vst v63  }
0x1bd: {  	_ =	swait.ge [sflag:s20], $0x800  }
0x1be: {  	[sflag:s20] =	ssyncset.done $0x0  }
0x1bf: {  	[sflag:s20] =	ssyncadd.s32 $0xFFFFF800  }
0x1c0: {  	_ =	swait.ge [sflag:s21], $0x80  }
0x1c1: {  	[sflag:s21] =	ssyncset.done $0x0  }
0x1c2: {  	[sflag:s21] =	ssyncadd.s32 $0xFFFFFF80  }
0x1c3: {  	_ =	swait.ge [sflag:s20], $0x800  }
0x1c4: {  	[sflag:s20] =	ssyncset.done $0x0  }
0x1c5: {  	[sflag:s20] =	ssyncadd.s32 $0xFFFFF800  }
0x1c6: {  	_ =	swait.ge [sflag:s21], $0x80  }
0x1c7: {  	[sflag:s21] =	ssyncset.done $0x0  }
0x1c8: {  	[sflag:s21] =	ssyncadd.s32 $0xFFFFFF80  }
0x1c9: {  	_ =	swait.ge [sflag:s20], $0x800  }
0x1ca: {  	[sflag:s20] =	ssyncset.done $0x0  }
0x1cb: {  	[sflag:s20] =	ssyncadd.s32 $0xFFFFF800  }
0x1cc: {  	_ =	swait.ge [sflag:s21], $0x80  }
0x1cd: {  	[sflag:s21] =	ssyncset.done $0x0  }
0x1ce: {  	[sflag:s21] =	ssyncadd.s32 $0xFFFFFF80  }
0x1cf: {  	_ =	swait.ge [sflag:s20], $0x800  }
0x1d0: {  	[sflag:s20] =	ssyncset.done $0x0  }
0x1d1: {  	[sflag:s20] =	ssyncadd.s32 $0xFFFFF800  }
0x1d2: {  	_ =	swait.ge [sflag:s21], $0x80  }
0x1d3: {  	[sflag:s21] =	ssyncset.done $0x0  }
0x1d4: {  	[sflag:s21] =	ssyncadd.s32 $0xFFFFFF80  }
0x1d5: {  	_ =	swait.ge [sflag:s20], $0x800  }
0x1d6: {  	[sflag:s20] =	ssyncset.done $0x0  }
0x1d7: {  	[sflag:s20] =	ssyncadd.s32 $0xFFFFF800  }
0x1d8: {  	_ =	swait.ge [sflag:s21], $0x80  }
0x1d9: {  	[sflag:s21] =	ssyncset.done $0x0  }
0x1da: {  	[sflag:s21] =	ssyncadd.s32 $0xFFFFFF80  }
0x1db: {  	_ =	swait.ge [sflag:s20], $0x800  }
0x1dc: {  	[sflag:s20] =	ssyncset.done $0x0  }
0x1dd: {  	[sflag:s20] =	ssyncadd.s32 $0xFFFFF800  }
0x1de: {  	_ =	swait.ge [sflag:s21], $0x80  }
0x1df: {  	[sflag:s21] =	ssyncset.done $0x0  }
0x1e0: {  	[sflag:s21] =	ssyncadd.s32 $0xFFFFFF80  }
0x1e1: {  	_ =	swait.ge [sflag:s20], $0x800  }
0x1e2: {  	[sflag:s20] =	ssyncset.done $0x0  }
0x1e3: {  	[sflag:s20] =	ssyncadd.s32 $0xFFFFF800  }
0x1e4: {  	_ =	swait.ge [sflag:s21], $0x80  }
0x1e5: {  	[sflag:s21] =	ssyncset.done $0x0  }
0x1e6: {  	[sflag:s21] =	ssyncadd.s32 $0xFFFFFF80  }
0x1e7: {  	_ =	swait.ge [sflag:s20], $0x800  }
0x1e8: {  	[sflag:s20] =	ssyncset.done $0x0  }
0x1e9: {  	[sflag:s20] =	ssyncadd.s32 $0xFFFFF800  }
0x1ea: {  	_ =	swait.ge [sflag:s21], $0x80  }
0x1eb: {  	[sflag:s21] =	ssyncset.done $0x0  }
0x1ec: {  	[sflag:s21] =	ssyncadd.s32 $0xFFFFFF80  }
0x1ed: {  	_ =	swait.ge [sflag:s20], $0x800  }
0x1ee: {  	[sflag:s20] =	ssyncset.done $0x0  }
0x1ef: {  	[sflag:s20] =	ssyncadd.s32 $0xFFFFF800  }
0x1f0: {  	_ =	swait.ge [sflag:s21], $0x80  }
0x1f1: {  	[sflag:s21] =	ssyncset.done $0x0  }
0x1f2: {  	[sflag:s21] =	ssyncadd.s32 $0xFFFFFF80  }
0x1f3: {  	_ =	swait.ge [sflag:s20], $0x800  }
0x1f4: {  	[sflag:s20] =	ssyncset.done $0x0  }
0x1f5: {  	[sflag:s20] =	ssyncadd.s32 $0xFFFFF800  }
0x1f6: {  	_ =	swait.ge [sflag:s21], $0x80  }
0x1f7: {  	[sflag:s21] =	ssyncset.done $0x0  }
0x1f8: {  	[sflag:s21] =	ssyncadd.s32 $0xFFFFFF80  }
0x1f9: {  	_ =	swait.ge [sflag:s20], $0x800  }
0x1fa: {  	[sflag:s20] =	ssyncset.done $0x0  }
0x1fb: {  	[sflag:s20] =	ssyncadd.s32 $0xFFFFF800  }
0x1fc: {  	_ =	swait.ge [sflag:s21], $0x80  }
0x1fd: {  	[sflag:s21] =	ssyncset.done $0x0  }
0x1fe: {  	[sflag:s21] =	ssyncadd.s32 $0xFFFFFF80  }
0x1ff: {  	_ =	swait.ge [sflag:s20], $0x800  }
0x200: {  	[sflag:s20] =	ssyncset.done $0x0  }
0x201: {  	[sflag:s20] =	ssyncadd.s32 $0xFFFFF800  }
0x202: {  	_ =	swait.ge [sflag:s21], $0x80  }
0x203: {  	[sflag:s21] =	ssyncset.done $0x0  }
0x204: {  	[sflag:s21] =	ssyncadd.s32 $0xFFFFFF80  }
0x205: {  	_ =	swait.ge [sflag:s20], $0x800  }
0x206: {  	[sflag:s20] =	ssyncset.done $0x0  }
0x207: {  	[sflag:s20] =	ssyncadd.s32 $0xFFFFF800  }
0x208: {  	_ =	swait.ge [sflag:s21], $0x80  }
0x209: {  	[sflag:s21] =	ssyncset.done $0x0  }
0x20a: {  	[sflag:s21] =	ssyncadd.s32 $0xFFFFFF80  }
0x20b: {  	[hbm4b:s24+s3] =	stream.linear.scatter [tilespmem:s13], [sflag:$0x3], $0x6800, $0x38;
	[tilespmem:$0xA350] =	vst v63  }
0x20c: {  	s22 =	sadd.s32 $0x1, s22;
	_ =	swait.ge [sflag:s10], $0x6800  }
0x20d: {  	p0 =	sne.s32 s22, s7;
	[sflag:s10] =	ssyncset.done $0x0  }
.Ltmp2:
0x20e: {  	[sflag:s10] =	ssyncadd.s32 $0xFFFF9800;
	(pc) =	sbr.rel @p0 .LBB2_1-.Ltmp2, $4  }
0x20f: {  	[hbm4b:s23+s3] =	stream.linear.scatter [tilespmem:s14], [sflag:$0x3], $0x680, $0x38;
	[tilespmem:$0xA350] =	vst v63  }
0x210: {  	_ =	swait.ge [sflag:s10], $0x680  }
0x211: {  	[sflag:s10] =	ssyncset.done $0x0  }
0x212: {  	[sflag:s10] =	ssyncadd.s32 $0xFFFFF980  }
0x213: {  	_ =	sfence.sel $0x180000  }
0x214: {  	[bflag:$0x0] =	sbarrier.arrive $0xFFFF  }
0x215: {  	p0 =	sne.s32 s0, $0x0;
	_ =	strace $0x90000047  }
0x216: {  	s0 =	sadd.s32 @!p0 $0x100000, s1;
	[bflag:$0x2] =	sbarrier.arrive $0xFFFF  }
0x217: {  	[sflag:s0] =	ssyncadd.tile.s32 @!p0 $0x1;
	_ =	shalt  }
.Lfunc_end2:
_tile_overlayer_lowered:
.L_overlay_start_2:
0x218: {  	(tag) =	ssettag $0x2  }
0x219: {  	s0 =	rddreg [dreg:$0x0];
	s2 =	stileid.u32  }
0x21a: {  	s1 =	rddreg [dreg:$0x1];
	p0 =	sne.s32 s2, $0x0  }
0x21b: {  	s3 =	rddreg [dreg:$0x2];
	[bflag:$0x3] =	sbarrier.arrive $0xFFFF;
	s2 =	simm.s32 @!p0 $0x1C03  }
0x21c: {  	[timem:s3], [sflag:s2] =	dma.local @!p0 [hbm:s0], s1  }
0x21d: {  	s0 =	simm.s32 @!p0 $0x3  }
0x21e: {  	_ =	swait.ge @!p0 [sflag:s0], s1  }
0x21f: {  	s1 =	ssub.s32 @!p0 $0x0, s1;
	[sflag:s0] =	ssyncset.done @!p0 $0x0  }
0x220: {  	[sflag:s0] =	ssyncadd.s32 @!p0 s1  }
0x221: {  	[bflag:$0x3] =	sbarrier.arrive $0xFFFF  }
0x222: {  	_ =	shalt  }

// kernel: kernel.8.cloned.1.call-start
scs
__scs_entry_jumppad:
0x0: {  	(pc) =	sbr.rel $0x88, $3  }
0x1: {  	(tag) =	ssettag $0x0;
	lr =	simm.s32 $0x1  }
0x2: {  	[smem:$0x3F98] =	sst lr;
	_ =	strace $0xD0000000  }
0x3: {  	_ = 	snop  }
0x4: {  	_ = 	snop  }
0x5: {  	_ = 	snop  }
0x6: {  	_ = 	snop  }
0x7: {  	_ = 	snop  }
__scs_overlays_trampoline_lowered:
0x8: {  	[smem:$0x3FA7] =	sst s0  }
0x9: {  	[smem:$0x3FA8] =	sst s1  }
0xa: {  	[smem:$0x3FA9] =	sst s2  }
0xb: {  	[smem:$0x3FAA] =	sst s3  }
0xc: {  	[smem:$0x3FAB] =	sst s4  }
0xd: {  	[smem:$0x3FAC] =	sst s5  }
0xe: {  	[smem:$0x3FAD] =	sst s6  }
0xf: {  	[smem:$0x3FAE] =	sst s7  }
0x10: {  	[smem:$0x3FAF] =	sst s8  }
0x11: {  	[smem:$0x3FB0] =	sst s9;
	s0 =	simm.s32 @!p0 $0x0  }
0x12: {  	s1 =	sld [smem:$0x3F96];
	s0 =	simm.s32 @p0 $0x1  }
0x13: {  	[smem:$0x3FB1] =	sst s0;
	s0 =	simm.s32 @!p1 $0x0  }
0x14: {  	s2 =	sld [smem:$0x3F95];
	s0 =	simm.s32 @p1 $0x1  }
0x15: {  	[smem:$0x3FB2] =	sst s0;
	s0 =	simm.s32 @!p2 $0x0  }
0x16: {  	s3 =	sld [smem:$0x3FDB];
	s0 =	simm.s32 @p2 $0x1  }
0x17: {  	s4 =	simm.s32 $0x1BF5;
	[smem:$0x3FB4] =	sst s0  }
0x18: {  	s0 =	sld [smem:$0x3F97];
	_ =	swait.ge [sflag:s4], $0x0  }
0x19: {  	s7 =	sld [smem:$0x3F98]  }
0x1a: {  	s8 =	sadd.s32 $0xFFFFE003, lr  }
0x1b: {  	s9 =	sadd.s32 $0xFFFFFEF7, lr;
	s5 =	simm.s32 $0xFFFFFFFF;
	p2 =	slt.u32 s8, $0xFFFFF086  }
0x1c: {  	p1 =	slt.u32 s9, $0xF7A;
	s5 =	simm.s32 @!p2 $0x0  }
0x1d: {  	s5 =	simm.s32 @p1 $0x1;
	p0 =	seq.s32 s7, s2  }
0x1e: {  	s7 =	smul.u32 @!p0 $0xF7A, s2;
	p2 =	seq.s32 @!p0 s5, $0x0  }
0x1f: {  	s9 =	smul.u32 $0xF7A, s1;
	s8 =	simm.s32 @!p0 $0x1BF5;
	p2 =	por !p2, p0  }
0x20: {  	[sflag:s8] =	ssyncset.s32 @!p0 $0xFFFFF086;
	s6 =	sadd.s32 @!p0 s3, s7;
	s7 =	simm.s32 @!p0 $0x108  }
0x21: {  	s3 =	sadd.s32 s3, s9;
	s6 =	sadd.s32 @!p0 $0x88, s6;
	s7 =	simm.s32 @p2 $0x1082  }
0x22: {  	[simem:s7], [sflag:s8] =	dma.local @!p0 [hbm:s6], $0xF7A  }
0x23: {  	s9 =	sor.u32 $0xD0000000, s2;
	s6 =	simm.s32 $0x108;
	_ =	swait.ge @!p0 [sflag:s8], $0x0  }
0x24: {  	s3 =	sadd.s32 $0x88, s3;
	s6 =	simm.s32 @!p1 $0x1082;
	[sflag:s4] =	ssyncset.s32 $0xFFFFF086  }
0x25: {  	[simem:s6], [sflag:s4] =	dma.local [hbm:s3], $0xF7A  }
0x26: {  	[smem:$0x3F98] =	sst s1;
	(tag) =	ssettag s2;
	_ =	strace s9  }
0x27: {  	s1 =	sld [smem:$0x3FA8]  }
0x28: {  	s2 =	sld [smem:$0x3FA9]  }
0x29: {  	s4 =	sld [smem:$0x3FAB]  }
0x2a: {  	p0 =	seq.s32 s5, $0x0;
	s5 =	sld [smem:$0x3FAC]  }
0x2b: {  	s6 =	sld [smem:$0x3FAD]  }
0x2c: {  	s7 =	sld [smem:$0x3FAE]  }
0x2d: {  	s3 =	simm.s32 $0x108;
	s8 =	sld [smem:$0x3FAF]  }
0x2e: {  	s3 =	simm.s32 @!p0 $0x1082;
	s9 =	sld [smem:$0x3FB0]  }
0x2f: {  	lr =	sadd.s32 s0, s3;
	s0 =	sld [smem:$0x3FA7]  }
0x30: {  	s3 =	sld [smem:$0x3FAA]  }
0x31: {  	[smem:$0x3FB3] =	sst s10  }
0x32: {  	s10 =	sld [smem:$0x3FB1];
	_ =	sdelay $0x3  }
0x33: {  	p0 =	seq.s32 s10, $0x1;
	s10 =	sld [smem:$0x3FB3];
	_ =	sdelay $0x3  }
0x34: {  	[smem:$0x3FB3] =	sst s10  }
0x35: {  	s10 =	sld [smem:$0x3FB2];
	_ =	sdelay $0x3  }
0x36: {  	p1 =	seq.s32 s10, $0x1;
	s10 =	sld [smem:$0x3FB3];
	_ =	sdelay $0x3  }
0x37: {  	[smem:$0x3FB3] =	sst s10  }
0x38: {  	s10 =	sld [smem:$0x3FB4]  }
0x39: {  	_ = 	snop;
	(pc) =	sbr.ind lr, $3  }
0x3a: {  	_ = 	snop  }
0x3b: {  	_ = 	snop  }
0x3c: {  	p2 =	seq.s32 s10, $0x1;
	s10 =	sld [smem:$0x3FB3]  }
0x3d: {  	_ =	shalt  }
0x3e: {  	_ =	shalt  }
0x3f: {  	_ =	shalt  }
0x40: {  	_ =	shalt  }
0x41: {  	_ =	shalt  }
0x42: {  	_ =	shalt  }
0x43: {  	_ =	shalt  }
0x44: {  	_ =	shalt  }
0x45: {  	_ =	shalt  }
0x46: {  	_ =	shalt  }
0x47: {  	_ =	shalt  }
0x48: {  	_ =	shalt  }
0x49: {  	_ =	shalt  }
0x4a: {  	_ =	shalt  }
0x4b: {  	_ =	shalt  }
0x4c: {  	_ =	shalt  }
0x4d: {  	_ =	shalt  }
0x4e: {  	_ =	shalt  }
0x4f: {  	_ =	shalt  }
0x50: {  	_ =	shalt  }
0x51: {  	_ =	shalt  }
0x52: {  	_ =	shalt  }
0x53: {  	_ =	shalt  }
0x54: {  	_ =	shalt  }
0x55: {  	_ =	shalt  }
0x56: {  	_ =	shalt  }
0x57: {  	_ =	shalt  }
0x58: {  	_ =	shalt  }
0x59: {  	_ =	shalt  }
0x5a: {  	_ =	shalt  }
0x5b: {  	_ =	shalt  }
0x5c: {  	_ =	shalt  }
0x5d: {  	_ =	shalt  }
0x5e: {  	_ =	shalt  }
0x5f: {  	_ =	shalt  }
0x60: {  	_ =	shalt  }
0x61: {  	_ =	shalt  }
0x62: {  	_ =	shalt  }
0x63: {  	_ =	shalt  }
0x64: {  	_ =	shalt  }
0x65: {  	_ =	shalt  }
0x66: {  	_ =	shalt  }
0x67: {  	_ =	shalt  }
0x68: {  	_ =	shalt  }
0x69: {  	_ =	shalt  }
0x6a: {  	_ =	shalt  }
0x6b: {  	_ =	shalt  }
0x6c: {  	_ =	shalt  }
0x6d: {  	_ =	shalt  }
0x6e: {  	_ =	shalt  }
0x6f: {  	_ =	shalt  }
0x70: {  	_ =	shalt  }
0x71: {  	_ =	shalt  }
0x72: {  	_ =	shalt  }
0x73: {  	_ =	shalt  }
0x74: {  	_ =	shalt  }
0x75: {  	_ =	shalt  }
0x76: {  	_ =	shalt  }
0x77: {  	_ =	shalt  }
0x78: {  	_ =	shalt  }
0x79: {  	_ =	shalt  }
0x7a: {  	_ =	shalt  }
0x7b: {  	_ =	shalt  }
0x7c: {  	_ =	shalt  }
0x7d: {  	_ =	shalt  }
0x7e: {  	_ =	shalt  }
0x7f: {  	_ =	shalt  }
0x80: {  	_ =	shalt  }
0x81: {  	_ =	shalt  }
0x82: {  	_ =	shalt  }
0x83: {  	_ =	shalt  }
0x84: {  	_ =	shalt  }
0x85: {  	_ =	shalt  }
0x86: {  	_ =	shalt  }
0x87: {  	_ =	shalt  }
.Lfunc_end0:
.L_simem_size_0:
called_computation.1_lowered:
.L_overlay_start_0:
0x88: {  	s2 =	sld [smem:$0x3FD9]  }
0x89: {  	s3 =	sld [smem:$0x3FFE];
	_ =	sdelay $0x1  }
0x8a: {  	s1 =	srdreg.scid  }
0x8b: {  	s0 =	sand.u32 $0x1, s1  }
0x8c: {  	s17 =	sshll.u32 s0, $0xA;
	s2 =	sadd.s32 s3, s2  }
0x8d: {  	s2 =	sadd.s32 s2, s17  }
0x8e: {  	[smem:$0x3FBF] =	sst s2  }
0x8f: {  	_ = 	snop  }
0x90: {  	(tm) =	ssettm $0x1  }
0x91: {  	s18 =	sld [smem:$0x3FFB];
	_ =	sdelay $0x3  }
0x92: {  	_ =	strace s18  }
0x93: {  	s2 =	sld [smem:$0x3FFC];
	_ =	sdelay $0x3  }
0x94: {  	_ =	strace s2  }
0x95: {  	s2 =	sld [smem:$0x3FFD];
	_ =	sdelay $0x3  }
0x96: {  	_ =	strace s2  }
0x97: {  	_ =	strace $0x8FFFFFFF  }
0x98: {  	s19 =	sld [smem:$0x3FDB];
	_ =	sdelay $0x1  }
0x99: {  	s20 =	simm.s32 $_scs_section_size  }
0x9a: {  	s4 =	simm.s32 $_size__tile_overlayer_lowered;
	s5 =	simm.s32 $_tile_overlayer_lowered  }
0x9b: {  	s6 =	simm.s32 $0x1BFF;
	s21 =	sshll.u32 s5, $0x1;
	s3 =	sadd.s32 s20, s19  }
0x9c: {  	s22 =	simm.s32 $0x0;
	s4 =	sshll.u32 s4, $0x1;
	s5 =	sadd.s32 s21, s3  }
0x9d: {  	[timem:s22], [sflag:s6] =	dma.local [hbm:s5], s4  }
0x9e: {  	_ =	swait.ge [sflag:s6], s4  }
0x9f: {  	s4 =	ssub.s32 $0x0, s4;
	[sflag:s6] =	ssyncset.done $0x0  }
0xa0: {  	[sflag:s6] =	ssyncadd.s32 s4;
	_ =	sdelay $0x1  }
0xa1: {  	s23 =	simm.s32 $0x1B8B  }
0xa2: {  	_ =	swait.ge [sflag:s23], $0x1  }
0xa3: {  	[sflag:s23] =	ssyncset.done $0x0  }
0xa4: {  	[sflag:s23] =	ssyncadd.s32 $0xFFFFFFFF  }
0xa5: {  	s4 =	sld [smem:$0x0]  }
0xa6: {  	s5 =	sand.u32 $0xFFFFFFFE, s1  }
0xa7: {  	p0 =	sne.s32 s1, s5  }
0xa8: {  	s5 =	sshll.u32 @p0 s5, $0xE  }
0xa9: {  	s5 =	sadd.s32 @p0 $0x11B8D, s5;
	s6 =	sshll.u32 @p0 s4, $0x11  }
0xaa: {  	s5 =	sor.u32 @p0 s6, s5  }
0xab: {  	[sflag:s5] =	ssyncadd.remote.s32 @p0 $0x1;
	_ =	sdelay $0x1  }
0xac: {  	s5 =	simm.s32 @p0 $0x1B8D  }
0xad: {  	_ =	swait.eq @p0 [sflag:s5], $0x1  }
0xae: {  	[sflag:s5] =	ssyncadd.s32 @p0 $0xFFFFFFFF  }
0xaf: {  	s6 =	sshll.u32 @!p0 s1, $0xE  }
0xb0: {  	s6 =	sor.u32 @!p0 $0x4000, s6;
	s5 =	simm.s32 @!p0 $0x1B8D  }
0xb1: {  	s4 =	sshll.u32 @!p0 s4, $0x11;
	s6 =	sadd.s32 @!p0 $0x11B8D, s6;
	_ =	swait.eq @!p0 [sflag:s5], $0x1  }
0xb2: {  	s4 =	sor.u32 @!p0 s4, s6;
	[sflag:s5] =	ssyncadd.s32 @!p0 $0xFFFFFFFF  }
0xb3: {  	s25 =	simm.s32 $0x1B8E;
	s24 =	sld [smem:$0x3FFE];
	[sflag:s4] =	ssyncadd.remote.s32 @!p0 $0x1  }
0xb4: {  	s26 =	simm.s32 $execute0_lowered;
	[smem:$0x3FD2] =	sst s25  }
0xb5: {  	s5 =	sshll.u32 s26, $0x1;
	_ =	strace $0x80000049;
	[dreg:$0x1] =	wrdreg $0xFFFFFFFF  }
0xb6: {  	s28 =	simm.s32 $_size_execute0_lowered;
	s3 =	sadd.s32 s3, s5;
	[dreg:$0x0] =	wrdreg $0x0  }
0xb7: {  	s5 =	sshll.u32 s28, $0x1;
	[dreg:$0x2] =	wrdreg s3  }
0xb8: {  	[dreg:$0x3] =	wrdreg s5  }
0xb9: {  	[dreg:$0x4] =	wrdreg $0xC0  }
0xba: {  	_ =	task [dreg:s22], $0x5FFFF  }
0xbb: {  	[dreg:$0x1] =	wrdreg $0xFFFFFFFF  }
0xbc: {  	[dreg:$0x0] =	wrdreg $0x60  }
0xbd: {  	[dreg:$0x2] =	wrdreg s24  }
0xbe: {  	[dreg:$0x3] =	wrdreg $0xA  }
0xbf: {  	_ =	task.clear_ibuf [dreg:s22], $0x4FFFF;
	_ =	strace $0x90000049  }
0xc0: {  	s29 =	simm.s32 $0xA;
	_ =	strace $0x8000004B  }
0xc1: {  	_ =	swait.ge [sflag:s29], $0x1  }
0xc2: {  	[sflag:s29] =	ssyncadd.s32 $0xFFFFFFFF  }
0xc3: {  	_ =	strace $0x9000004B  }
0xc4: {  	_ =	sfence  }
0xc5: {  	s30 =	sld [smem:$0x0];
	_ =	sdelay $0x2  }
0xc6: {  	s31 =	sshll.u32 s1, $0xD;
	s1 =	sshrl.u32 s1, $0x2  }
0xc7: {  	s4 =	sand.u32 $0x4000, s31;
	s1 =	sadd.s32 s1, s30  }
0xc8: {  	s0 =	sor.u32 s4, s0;
	s1 =	sshll.u32 s1, $0x11  }
0xc9: {  	s0 =	sor.u32 s1, s0  }
0xca: {  	s0 =	sadd.s32 $0x8F2B, s0  }
0xcb: {  	[sflag:s0] =	ssyncadd.remote.s32 $0x1  }
0xcc: {  	_ =	sfence.sel $0xFFFF  }
0xcd: {  	[dreg:$0x0] =	wrdreg $0xFFFFFFFF;
	(pc) =	sbr.abs _section_cstart, $3  }
0xce: {  	[dreg:$0x1] =	wrdreg $0xFFFFFFFF  }
0xcf: {  	_ =	task.clear_ibuf [dreg:s22], $0x2FFFF;
	_ =	strace $0x9FFFFFFF  }
0xd0: {  	(tm) =	ssettm $0x7FFFFFFF  }
0xd1: {  	_ =	shalt  }
tec
execute0_lowered:
.L_overlay_start_1:
0x0: {  	(tag) =	ssettag $0x1  }
0x1: {  	s1 =	srdreg.scid;
	s6 =	rddreg [dreg:$0x0]  }
0x2: {  	s2 =	simm.s32 $0x0;
	s8 =	sand.u32 $0x1, s1;
	s1 =	rddreg [dreg:$0x1]  }
0x3: {  	s12 =	simm.s32 $0x3C00;
	[smem:$0x7FF] =	sst s2  }
0x4: {  	s31 =	simm.s32 $0x9C80;
	_ =	strace $0x8000004A;
	[dreg:$0x2] =	wrdreg s12  }
0x5: {  	s14 =	simm.s32 $0x4C00;
	[dreg:$0x3] =	wrdreg s31  }
0x6: {  	s16 =	simm.s32 $0x9D80;
	[dreg:$0x6] =	wrdreg s14  }
0x7: {  	s0 =	stileid.u32;
	s18 =	simm.s32 $0x5400;
	[dreg:$0x7] =	wrdreg s16  }
0x8: {  	s19 =	simm.s32 $0x9E00;
	s20 =	simm.s32 $0x5C00;
	[dreg:$0x8] =	wrdreg s18  }
0x9: {  	s21 =	simm.s32 $0x9E80;
	s23 =	simm.s32 $0x6400;
	[dreg:$0x9] =	wrdreg s19  }
0xa: {  	s24 =	simm.s32 $0x9F00;
	s26 =	simm.s32 $0x6C00;
	[dreg:$0xa] =	wrdreg s20  }
0xb: {  	s28 =	simm.s32 $0x9F80;
	s29 =	simm.s32 $0x7400;
	[dreg:$0xb] =	wrdreg s21  }
0xc: {  	s30 =	simm.s32 $0xA000;
	s7 =	smul.u32 $0x6800, s0;
	[dreg:$0xc] =	wrdreg s23  }
0xd: {  	s3 =	sshll.u32 s0, $0x1;
	s10 =	smul.u32 $0x3400, s0;
	[dreg:$0xd] =	wrdreg s24  }
0xe: {  	s5 =	sadd.s32 $0x27E400, s6;
	s3 =	sor.u32 s8, s3;
	[dreg:$0xe] =	wrdreg s26  }
0xf: {  	s11 =	smul.u32 $0x1A00, s8;
	s12 =	simm.s32 $0x9D00;
	[dreg:$0xf] =	wrdreg s28  }
0x10: {  	s15 =	ssub.s32 $0x2, s8;
	s22 =	smul.u32 $0x3400, s8;
	[dreg:$0x10] =	wrdreg s29  }
0x11: {  	[dreg:$0x11] =	wrdreg s30;
	s14 =	simm.s32 $0x7C00;
	s31 =	simm.s32 $0x8400  }
0x12: {  	s16 =	simm.s32 $0x8C00;
	s18 =	simm.s32 $0x9400;
	s19 =	simm.s32 $0xA200  }
0x13: {  	s20 =	simm.s32 $0x1;
	s21 =	simm.s32 $0x2;
	s3 =	smul.u32 $0x1A00, s3  }
0x14: {  	s13 =	sadd.s32 s7, s6;
	[dreg:$0x5] =	wrdreg s12;
	s17 =	sshrl.u32 s15, $0x1  }
0x15: {  	s12 =	simm.s32 $0x80;
	[dreg:$0x12] =	wrdreg s14;
	s14 =	simm.s32 $0x9C00  }
0x16: {  	[dreg:$0x14] =	wrdreg s31;
	s10 =	sadd.s32 s11, s10;
	s11 =	simm.s32 $0x4400  }
0x17: {  	s7 =	ssub.s32 s15, s17;
	s25 =	sadd.s32 s22, s13;
	s13 =	simm.s32 $0x3400  }
0x18: {  	s15 =	simm.s32 $0xA080;
	s17 =	simm.s32 $0xA180;
	s22 =	simm.s32 $0x0  }
0x19: {  	s4 =	sshrl.u32 s3, $0x3;
	s3 =	sadd.s32 $0x557200, s6;
	s10 =	sshrl.u32 s10, $0x3  }
0x1a: {  	[dreg:$0x4] =	wrdreg s11;
	s7 =	smax.u32 s7, $0x1;
	s11 =	simm.s32 $0xA280  }
0x1b: {  	[dreg:$0x13] =	wrdreg s15;
	s15 =	simm.s32 $0xA100;
	s9 =	sadd.s32 s4, s6  }
0x1c: {  	s4 =	sadd.s32 $0x52F600, s6;
	s10 =	sadd.s32 s10, s6;
	s6 =	sadd.s32 $0x4F9200, s9  }
0x1d: {  	s8 =	sadd.s32 $0x5C5C00, s10;
	s9 =	sadd.s32 $0x5CC400, s25;
	s10 =	simm.s32 $0x3  }
.LBB2_1:
0x1e: {  	[tilespmem:s2], [sflag:$0x3] =	stream.linear.gather [hbm4b:s6+s2], $0x1A00, $0x38;
	[tilespmem:$0xA350] =	vst v63  }
0x1f: {  	_ =	swait.ge [sflag:s10], $0x1A00  }
0x20: {  	[sflag:s10] =	ssyncset.done $0x0  }
0x21: {  	[sflag:s10] =	ssyncadd.s32 $0xFFFFE600  }
0x22: {  	[tilespmem:s11], [sflag:$0x3] =	stream.linear.gather [hbm4b:s3+s2], $0xD0, $0x38;
	[tilespmem:$0xA350] =	vst v63  }
0x23: {  	_ =	swait.ge [sflag:s10], $0xD0  }
0x24: {  	[sflag:s10] =	ssyncset.done $0x0  }
0x25: {  	s23 =	simm.s32 $0x0;
	[sflag:s10] =	ssyncadd.s32 $0xFFFFFF30  }
0x26: {  	s24 =	simm.s32 $0x340;
	v0 =	vld [tilespmem:s23+$0x0]  }
.LBB2_2:
0x27: {  	p0 =	sne.s32 s24, $0x64C0;
	v1 =	vld [tilespmem:$0xA280];
	_ =	sdelay $0x4  }
0x28: {  	v0 =	vadd.s32 v0, v1  }
0x29: {  	[tilespmem:s23+$0x1A00] =	vst v0;
	v0 =	vld [tilespmem:s23+$0x10]  }
0x2a: {  	v1 =	vld [tilespmem:$0xA290];
	_ =	sdelay $0x4  }
0x2b: {  	v0 =	vadd.s32 v0, v1  }
0x2c: {  	[tilespmem:s23+$0x1A10] =	vst v0;
	v0 =	vld [tilespmem:s23+$0x20]  }
0x2d: {  	v1 =	vld [tilespmem:$0xA2A0];
	_ =	sdelay $0x4  }
0x2e: {  	v0 =	vadd.s32 v0, v1  }
0x2f: {  	[tilespmem:s23+$0x1A20] =	vst v0;
	v0 =	vld [tilespmem:s23+$0x30]  }
0x30: {  	v1 =	vld [tilespmem:$0xA2B0];
	_ =	sdelay $0x4  }
0x31: {  	v0 =	vadd.s32 v0, v1  }
0x32: {  	[tilespmem:s23+$0x1A30] =	vst v0;
	v0 =	vld [tilespmem:s23+$0x40]  }
0x33: {  	v1 =	vld [tilespmem:$0xA2C0];
	_ =	sdelay $0x4  }
0x34: {  	v0 =	vadd.s32 v0, v1  }
0x35: {  	[tilespmem:s23+$0x1A40] =	vst v0;
	v0 =	vld [tilespmem:s23+$0x50]  }
0x36: {  	v1 =	vld [tilespmem:$0xA2D0];
	_ =	sdelay $0x4  }
0x37: {  	v0 =	vadd.s32 v0, v1  }
0x38: {  	[tilespmem:s23+$0x1A50] =	vst v0;
	v0 =	vld [tilespmem:s23+$0x60]  }
0x39: {  	v1 =	vld [tilespmem:$0xA2E0];
	_ =	sdelay $0x4  }
0x3a: {  	v0 =	vadd.s32 v0, v1  }
0x3b: {  	[tilespmem:s23+$0x1A60] =	vst v0;
	v0 =	vld [tilespmem:s23+$0x70]  }
0x3c: {  	v1 =	vld [tilespmem:$0xA2F0];
	_ =	sdelay $0x4  }
0x3d: {  	v0 =	vadd.s32 v0, v1  }
0x3e: {  	[tilespmem:s23+$0x1A70] =	vst v0;
	v0 =	vld [tilespmem:s23+$0x80]  }
0x3f: {  	v1 =	vld [tilespmem:$0xA300];
	_ =	sdelay $0x4  }
0x40: {  	v0 =	vadd.s32 v0, v1  }
0x41: {  	[tilespmem:s23+$0x1A80] =	vst v0;
	v0 =	vld [tilespmem:s23+$0x90]  }
0x42: {  	v1 =	vld [tilespmem:$0xA310];
	_ =	sdelay $0x4  }
0x43: {  	v0 =	vadd.s32 v0, v1  }
0x44: {  	[tilespmem:s23+$0x1A90] =	vst v0;
	v0 =	vld [tilespmem:s23+$0xA0]  }
0x45: {  	v1 =	vld [tilespmem:$0xA320];
	_ =	sdelay $0x4  }
0x46: {  	v0 =	vadd.s32 v0, v1  }
0x47: {  	[tilespmem:s23+$0x1AA0] =	vst v0;
	v0 =	vld [tilespmem:s23+$0xB0]  }
0x48: {  	v1 =	vld [tilespmem:$0xA330];
	_ =	sdelay $0x4  }
0x49: {  	v0 =	vadd.s32 v0, v1  }
0x4a: {  	[tilespmem:s23+$0x1AB0] =	vst v0;
	v0 =	vld [tilespmem:s23+$0xC0]  }
0x4b: {  	v1 =	vld [tilespmem:$0xA340];
	_ =	sdelay $0x1  }
.Ltmp0:
0x4c: {  	(pc) =	sbr.rel @p0 .LBB2_2-.Ltmp0, $3  }
0x4d: {  	_ =	sdelay $0x1  }
0x4e: {  	s25 =	sshra.s32 s24, $0x2;
	v1 =	vadd.s32 v0, v1  }
0x4f: {  	s24 =	sadd.s32 $0x340, s24;
	v0 =	vld [tilespmem:s25+$0x0];
	[tilespmem:s23+$0x1AC0] =	vst v1;
	s23 =	smov.u32 s25  }
0x50: {  	v1 =	vld [tilespmem:$0xA280];
	_ =	sdelay $0x4  }
0x51: {  	v0 =	vadd.s32 v0, v1  }
0x52: {  	v40 =	vld [tilespmem:s23+$0x10];
	[tilespmem:s23+$0x1A00] =	vst v0  }
0x53: {  	v41 =	vld [tilespmem:$0xA290];
	_ =	sdelay $0x4  }
0x54: {  	v0 =	vadd.s32 v40, v41  }
0x55: {  	v42 =	vld [tilespmem:s23+$0x20];
	[tilespmem:s23+$0x1A10] =	vst v0  }
0x56: {  	v43 =	vld [tilespmem:$0xA2A0];
	_ =	sdelay $0x4  }
0x57: {  	v0 =	vadd.s32 v42, v43  }
0x58: {  	v44 =	vld [tilespmem:s23+$0x30];
	[tilespmem:s23+$0x1A20] =	vst v0  }
0x59: {  	v45 =	vld [tilespmem:$0xA2B0];
	_ =	sdelay $0x4  }
0x5a: {  	v0 =	vadd.s32 v44, v45  }
0x5b: {  	v46 =	vld [tilespmem:s23+$0x40];
	[tilespmem:s23+$0x1A30] =	vst v0  }
0x5c: {  	v47 =	vld [tilespmem:$0xA2C0];
	_ =	sdelay $0x4  }
0x5d: {  	v0 =	vadd.s32 v46, v47  }
0x5e: {  	v48 =	vld [tilespmem:s23+$0x50];
	[tilespmem:s23+$0x1A40] =	vst v0  }
0x5f: {  	v49 =	vld [tilespmem:$0xA2D0];
	_ =	sdelay $0x4  }
0x60: {  	v0 =	vadd.s32 v48, v49  }
0x61: {  	v50 =	vld [tilespmem:s23+$0x60];
	[tilespmem:s23+$0x1A50] =	vst v0  }
0x62: {  	v51 =	vld [tilespmem:$0xA2E0];
	_ =	sdelay $0x4  }
0x63: {  	v0 =	vadd.s32 v50, v51  }
0x64: {  	v52 =	vld [tilespmem:s23+$0x70];
	[tilespmem:s23+$0x1A60] =	vst v0  }
0x65: {  	v53 =	vld [tilespmem:$0xA2F0];
	_ =	sdelay $0x4  }
0x66: {  	v0 =	vadd.s32 v52, v53  }
0x67: {  	v54 =	vld [tilespmem:s23+$0x80];
	[tilespmem:s23+$0x1A70] =	vst v0  }
0x68: {  	v55 =	vld [tilespmem:$0xA300];
	_ =	sdelay $0x4  }
0x69: {  	v0 =	vadd.s32 v54, v55  }
0x6a: {  	v56 =	vld [tilespmem:s23+$0x90];
	[tilespmem:s23+$0x1A80] =	vst v0  }
0x6b: {  	v57 =	vld [tilespmem:$0xA310];
	_ =	sdelay $0x4  }
0x6c: {  	v0 =	vadd.s32 v56, v57  }
0x6d: {  	v58 =	vld [tilespmem:s23+$0xA0];
	[tilespmem:s23+$0x1A90] =	vst v0  }
0x6e: {  	v59 =	vld [tilespmem:$0xA320];
	_ =	sdelay $0x4  }
0x6f: {  	v0 =	vadd.s32 v58, v59  }
0x70: {  	v60 =	vld [tilespmem:s23+$0xB0];
	[tilespmem:s23+$0x1AA0] =	vst v0  }
0x71: {  	v61 =	vld [tilespmem:$0xA330];
	_ =	sdelay $0x4  }
0x72: {  	v0 =	vadd.s32 v60, v61  }
0x73: {  	v62 =	vld [tilespmem:s23+$0xC0];
	[tilespmem:s23+$0x1AB0] =	vst v0  }
0x74: {  	v63 =	vld [tilespmem:$0xA340];
	_ =	sdelay $0x4  }
0x75: {  	v0 =	vadd.s32 v62, v63  }
0x76: {  	s26 =	simm.s32 $0x1A00;
	[tilespmem:s23+$0x1AC0] =	vst v0  }
0x77: {  	[tilespmem:s13], [sflag:$0x1] =	stream.indirect.gather [hbm4b:s5+s12], $0x10, s26, s12, $0xb8;
	[tilespmem:$0xA350] =	vst v63  }
0x78: {  	_ = 	snop  }
0x79: {  	[tilespmem:s14], [sflag:$0x2] =	stream.indirect.gather [hbm4b:s4+s12], $0x1, s26, s12, $0xb8;
	[tilespmem:$0xA350] =	vst v63  }
0x7a: {  	s24 =	rddreg [dreg:$0x2];
	s30 =	simm.s32 $0x1A80  }
0x7b: {  	[tilespmem:s24], [sflag:$0x1] =	stream.indirect.gather [hbm4b:s5+s12], $0x10, s30, s12, $0xb8;
	[tilespmem:$0xA350] =	vst v63  }
0x7c: {  	s25 =	rddreg [dreg:$0x3]  }
0x7d: {  	[tilespmem:s25], [sflag:$0x2] =	stream.indirect.gather [hbm4b:s4+s12], $0x1, s30, s12, $0xb8;
	[tilespmem:$0xA350] =	vst v63  }
0x7e: {  	s31 =	rddreg [dreg:$0x4];
	s26 =	simm.s32 $0x1B00  }
0x7f: {  	[tilespmem:s31], [sflag:$0x1] =	stream.indirect.gather [hbm4b:s5+s12], $0x10, s26, s12, $0xb8;
	[tilespmem:$0xA350] =	vst v63  }
0x80: {  	s30 =	rddreg [dreg:$0x5]  }
0x81: {  	[tilespmem:s30], [sflag:$0x2] =	stream.indirect.gather [hbm4b:s4+s12], $0x1, s26, s12, $0xb8;
	[tilespmem:$0xA350] =	vst v63  }
0x82: {  	s31 =	rddreg [dreg:$0x6];
	s26 =	simm.s32 $0x1B80  }
0x83: {  	[tilespmem:s31], [sflag:$0x1] =	stream.indirect.gather [hbm4b:s5+s12], $0x10, s26, s12, $0xb8;
	[tilespmem:$0xA350] =	vst v63  }
0x84: {  	s30 =	rddreg [dreg:$0x7]  }
0x85: {  	[tilespmem:s30], [sflag:$0x2] =	stream.indirect.gather [hbm4b:s4+s12], $0x1, s26, s12, $0xb8;
	[tilespmem:$0xA350] =	vst v63  }
0x86: {  	s31 =	rddreg [dreg:$0x8];
	s26 =	simm.s32 $0x1C00  }
0x87: {  	[tilespmem:s31], [sflag:$0x1] =	stream.indirect.gather [hbm4b:s5+s12], $0x10, s26, s12, $0xb8;
	[tilespmem:$0xA350] =	vst v63  }
0x88: {  	s30 =	rddreg [dreg:$0x9]  }
0x89: {  	[tilespmem:s30], [sflag:$0x2] =	stream.indirect.gather [hbm4b:s4+s12], $0x1, s26, s12, $0xb8;
	[tilespmem:$0xA350] =	vst v63  }
0x8a: {  	s31 =	rddreg [dreg:$0xa];
	s26 =	simm.s32 $0x1C80  }
0x8b: {  	[tilespmem:s31], [sflag:$0x1] =	stream.indirect.gather [hbm4b:s5+s12], $0x10, s26, s12, $0xb8;
	[tilespmem:$0xA350] =	vst v63  }
0x8c: {  	s30 =	rddreg [dreg:$0xb]  }
0x8d: {  	[tilespmem:s30], [sflag:$0x2] =	stream.indirect.gather [hbm4b:s4+s12], $0x1, s26, s12, $0xb8;
	[tilespmem:$0xA350] =	vst v63  }
0x8e: {  	s31 =	rddreg [dreg:$0xc];
	s26 =	simm.s32 $0x1D00  }
0x8f: {  	[tilespmem:s31], [sflag:$0x1] =	stream.indirect.gather [hbm4b:s5+s12], $0x10, s26, s12, $0xb8;
	[tilespmem:$0xA350] =	vst v63  }
0x90: {  	s30 =	rddreg [dreg:$0xd]  }
0x91: {  	[tilespmem:s30], [sflag:$0x2] =	stream.indirect.gather [hbm4b:s4+s12], $0x1, s26, s12, $0xb8;
	[tilespmem:$0xA350] =	vst v63  }
0x92: {  	s31 =	rddreg [dreg:$0xe];
	s26 =	simm.s32 $0x1D80  }
0x93: {  	[tilespmem:s31], [sflag:$0x1] =	stream.indirect.gather [hbm4b:s5+s12], $0x10, s26, s12, $0xb8;
	[tilespmem:$0xA350] =	vst v63  }
0x94: {  	s30 =	rddreg [dreg:$0xf]  }
0x95: {  	[tilespmem:s30], [sflag:$0x2] =	stream.indirect.gather [hbm4b:s4+s12], $0x1, s26, s12, $0xb8;
	[tilespmem:$0xA350] =	vst v63  }
0x96: {  	s31 =	rddreg [dreg:$0x10];
	s26 =	simm.s32 $0x1E00  }
0x97: {  	[tilespmem:s31], [sflag:$0x1] =	stream.indirect.gather [hbm4b:s5+s12], $0x10, s26, s12, $0xb8;
	[tilespmem:$0xA350] =	vst v63  }
0x98: {  	s30 =	rddreg [dreg:$0x11]  }
0x99: {  	[tilespmem:s30], [sflag:$0x2] =	stream.indirect.gather [hbm4b:s4+s12], $0x1, s26, s12, $0xb8;
	[tilespmem:$0xA350] =	vst v63  }
0x9a: {  	s31 =	rddreg [dreg:$0x12];
	s26 =	simm.s32 $0x1E80  }
0x9b: {  	[tilespmem:s31], [sflag:$0x1] =	stream.indirect.gather [hbm4b:s5+s12], $0x10, s26, s12, $0xb8;
	[tilespmem:$0xA350] =	vst v63  }
0x9c: {  	s30 =	rddreg [dreg:$0x13]  }
0x9d: {  	[tilespmem:s30], [sflag:$0x2] =	stream.indirect.gather [hbm4b:s4+s12], $0x1, s26, s12, $0xb8;
	[tilespmem:$0xA350] =	vst v63  }
0x9e: {  	s31 =	rddreg [dreg:$0x14];
	s26 =	simm.s32 $0x1F00  }
0x9f: {  	[tilespmem:s31], [sflag:$0x1] =	stream.indirect.gather [hbm4b:s5+s12], $0x10, s26, s12, $0xb8;
	[tilespmem:$0xA350] =	vst v63  }
0xa0: {  	_ = 	snop  }
0xa1: {  	[tilespmem:s15], [sflag:$0x2] =	stream.indirect.gather [hbm4b:s4+s12], $0x1, s26, s12, $0xb8;
	[tilespmem:$0xA350] =	vst v63  }
0xa2: {  	s30 =	simm.s32 $0x1F80  }
0xa3: {  	[tilespmem:s16], [sflag:$0x1] =	stream.indirect.gather [hbm4b:s5+s12], $0x10, s30, s12, $0xb8;
	[tilespmem:$0xA350] =	vst v63  }
0xa4: {  	_ = 	snop  }
0xa5: {  	[tilespmem:s17], [sflag:$0x2] =	stream.indirect.gather [hbm4b:s4+s12], $0x1, s30, s12, $0xb8;
	[tilespmem:$0xA350] =	vst v63  }
0xa6: {  	s31 =	simm.s32 $0x2000  }
0xa7: {  	[tilespmem:s18], [sflag:$0x1] =	stream.indirect.gather [hbm4b:s5+s12], $0x10, s31, s12, $0xb8;
	[tilespmem:$0xA350] =	vst v63  }
0xa8: {  	_ = 	snop  }
0xa9: {  	[tilespmem:s19], [sflag:$0x2] =	stream.indirect.gather [hbm4b:s4+s12], $0x1, s31, s12, $0xb8;
	[tilespmem:$0xA350] =	vst v63  }
0xaa: {  	_ =	swait.ge [sflag:s20], $0x800  }
0xab: {  	[sflag:s20] =	ssyncset.done $0x0  }
0xac: {  	[sflag:s20] =	ssyncadd.s32 $0xFFFFF800  }
0xad: {  	_ =	swait.ge [sflag:s21], $0x80  }
0xae: {  	[sflag:s21] =	ssyncset.done $0x0  }
0xaf: {  	[sflag:s21] =	ssyncadd.s32 $0xFFFFFF80  }
0xb0: {  	_ =	swait.ge [sflag:s20], $0x800  }
0xb1: {  	[sflag:s20] =	ssyncset.done $0x0  }
0xb2: {  	[sflag:s20] =	ssyncadd.s32 $0xFFFFF800  }
0xb3: {  	_ =	swait.ge [sflag:s21], $0x80  }
0xb4: {  	[sflag:s21] =	ssyncset.done $0x0  }
0xb5: {  	[sflag:s21] =	ssyncadd.s32 $0xFFFFFF80  }
0xb6: {  	_ =	swait.ge [sflag:s20], $0x800  }
0xb7: {  	[sflag:s20] =	ssyncset.done $0x0  }
0xb8: {  	[sflag:s20] =	ssyncadd.s32 $0xFFFFF800  }
0xb9: {  	_ =	swait.ge [sflag:s21], $0x80  }
0xba: {  	[sflag:s21] =	ssyncset.done $0x0  }
0xbb: {  	[sflag:s21] =	ssyncadd.s32 $0xFFFFFF80  }
0xbc: {  	_ =	swait.ge [sflag:s20], $0x800  }
0xbd: {  	[sflag:s20] =	ssyncset.done $0x0  }
0xbe: {  	[sflag:s20] =	ssyncadd.s32 $0xFFFFF800  }
0xbf: {  	_ =	swait.ge [sflag:s21], $0x80  }
0xc0: {  	[sflag:s21] =	ssyncset.done $0x0  }
0xc1: {  	[sflag:s21] =	ssyncadd.s32 $0xFFFFFF80  }
0xc2: {  	_ =	swait.ge [sflag:s20], $0x800  }
0xc3: {  	[sflag:s20] =	ssyncset.done $0x0  }
0xc4: {  	[sflag:s20] =	ssyncadd.s32 $0xFFFFF800  }
0xc5: {  	_ =	swait.ge [sflag:s21], $0x80  }
0xc6: {  	[sflag:s21] =	ssyncset.done $0x0  }
0xc7: {  	[sflag:s21] =	ssyncadd.s32 $0xFFFFFF80  }
0xc8: {  	_ =	swait.ge [sflag:s20], $0x800  }
0xc9: {  	[sflag:s20] =	ssyncset.done $0x0  }
0xca: {  	[sflag:s20] =	ssyncadd.s32 $0xFFFFF800  }
0xcb: {  	_ =	swait.ge [sflag:s21], $0x80  }
0xcc: {  	[sflag:s21] =	ssyncset.done $0x0  }
0xcd: {  	[sflag:s21] =	ssyncadd.s32 $0xFFFFFF80  }
0xce: {  	_ =	swait.ge [sflag:s20], $0x800  }
0xcf: {  	[sflag:s20] =	ssyncset.done $0x0  }
0xd0: {  	[sflag:s20] =	ssyncadd.s32 $0xFFFFF800  }
0xd1: {  	_ =	swait.ge [sflag:s21], $0x80  }
0xd2: {  	[sflag:s21] =	ssyncset.done $0x0  }
0xd3: {  	[sflag:s21] =	ssyncadd.s32 $0xFFFFFF80  }
0xd4: {  	_ =	swait.ge [sflag:s20], $0x800  }
0xd5: {  	[sflag:s20] =	ssyncset.done $0x0  }
0xd6: {  	[sflag:s20] =	ssyncadd.s32 $0xFFFFF800  }
0xd7: {  	_ =	swait.ge [sflag:s21], $0x80  }
0xd8: {  	[sflag:s21] =	ssyncset.done $0x0  }
0xd9: {  	[sflag:s21] =	ssyncadd.s32 $0xFFFFFF80  }
0xda: {  	_ =	swait.ge [sflag:s20], $0x800  }
0xdb: {  	[sflag:s20] =	ssyncset.done $0x0  }
0xdc: {  	[sflag:s20] =	ssyncadd.s32 $0xFFFFF800  }
0xdd: {  	_ =	swait.ge [sflag:s21], $0x80  }
0xde: {  	[sflag:s21] =	ssyncset.done $0x0  }
0xdf: {  	[sflag:s21] =	ssyncadd.s32 $0xFFFFFF80  }
0xe0: {  	_ =	swait.ge [sflag:s20], $0x800  }
0xe1: {  	[sflag:s20] =	ssyncset.done $0x0  }
0xe2: {  	[sflag:s20] =	ssyncadd.s32 $0xFFFFF800  }
0xe3: {  	_ =	swait.ge [sflag:s21], $0x80  }
0xe4: {  	[sflag:s21] =	ssyncset.done $0x0  }
0xe5: {  	[sflag:s21] =	ssyncadd.s32 $0xFFFFFF80  }
0xe6: {  	_ =	swait.ge [sflag:s20], $0x800  }
0xe7: {  	[sflag:s20] =	ssyncset.done $0x0  }
0xe8: {  	[sflag:s20] =	ssyncadd.s32 $0xFFFFF800  }
0xe9: {  	_ =	swait.ge [sflag:s21], $0x80  }
0xea: {  	[sflag:s21] =	ssyncset.done $0x0  }
0xeb: {  	[sflag:s21] =	ssyncadd.s32 $0xFFFFFF80  }
0xec: {  	_ =	swait.ge [sflag:s20], $0x800  }
0xed: {  	[sflag:s20] =	ssyncset.done $0x0  }
0xee: {  	[sflag:s20] =	ssyncadd.s32 $0xFFFFF800  }
0xef: {  	_ =	swait.ge [sflag:s21], $0x80  }
0xf0: {  	[sflag:s21] =	ssyncset.done $0x0  }
0xf1: {  	[sflag:s21] =	ssyncadd.s32 $0xFFFFFF80  }
0xf2: {  	_ =	swait.ge [sflag:s20], $0x800  }
0xf3: {  	[sflag:s20] =	ssyncset.done $0x0  }
0xf4: {  	[sflag:s20] =	ssyncadd.s32 $0xFFFFF800  }
0xf5: {  	_ =	swait.ge [sflag:s21], $0x80  }
0xf6: {  	[sflag:s21] =	ssyncset.done $0x0  }
0xf7: {  	[sflag:s21] =	ssyncadd.s32 $0xFFFFFF80  }
0xf8: {  	[hbm4b:s9+s2] =	stream.linear.scatter [tilespmem:s13], [sflag:$0x3], $0x6800, $0x38;
	[tilespmem:$0xA350] =	vst v63  }
0xf9: {  	_ =	swait.ge [sflag:s10], $0x6800  }
0xfa: {  	[sflag:s10] =	ssyncset.done $0x0  }
0xfb: {  	[sflag:s10] =	ssyncadd.s32 $0xFFFF9800  }
0xfc: {  	[hbm4b:s8+s2] =	stream.linear.scatter [tilespmem:s14], [sflag:$0x3], $0x680, $0x38;
	[tilespmem:$0xA350] =	vst v63  }
0xfd: {  	s29 =	simm.s32 $0x3400;
	s28 =	simm.s32 $0x680;
	_ =	swait.ge [sflag:s10], $0x680  }
0xfe: {  	s23 =	sadd.s32 $0xD0, s8;
	s24 =	sadd.s32 $0xD00, s9;
	[sflag:s10] =	ssyncset.done $0x0  }
.LBB2_4:
0xff: {  	s30 =	sadd.s32 $0x1A00, s28;
	[sflag:s10] =	ssyncadd.s32 $0xFFFFF980  }
0x100: {  	[tilespmem:s13], [sflag:$0x1] =	stream.indirect.gather [hbm4b:s5+s12], $0x10, s30, s12, $0xb8;
	[tilespmem:$0xA350] =	vst v63  }
0x101: {  	s26 =	smov.u32 s29;
	s25 =	sadd.s32 $0x1A00, s29  }
0x102: {  	[tilespmem:s14], [sflag:$0x2] =	stream.indirect.gather [hbm4b:s4+s12], $0x1, s30, s12, $0xb8;
	[tilespmem:$0xA350] =	vst v63  }
0x103: {  	p0 =	sne.s32 s29, $0x4E00;
	s29 =	rddreg [dreg:$0x2];
	s30 =	sadd.s32 $0x1A80, s28  }
0x104: {  	[tilespmem:s29], [sflag:$0x1] =	stream.indirect.gather [hbm4b:s5+s12], $0x10, s30, s12, $0xb8;
	[tilespmem:$0xA350] =	vst v63  }
0x105: {  	s31 =	rddreg [dreg:$0x3]  }
0x106: {  	[tilespmem:s31], [sflag:$0x2] =	stream.indirect.gather [hbm4b:s4+s12], $0x1, s30, s12, $0xb8;
	[tilespmem:$0xA350] =	vst v63  }
0x107: {  	s29 =	rddreg [dreg:$0x4];
	s30 =	sadd.s32 $0x1B00, s28  }
0x108: {  	[tilespmem:s29], [sflag:$0x1] =	stream.indirect.gather [hbm4b:s5+s12], $0x10, s30, s12, $0xb8;
	[tilespmem:$0xA350] =	vst v63  }
0x109: {  	s31 =	rddreg [dreg:$0x5]  }
0x10a: {  	[tilespmem:s31], [sflag:$0x2] =	stream.indirect.gather [hbm4b:s4+s12], $0x1, s30, s12, $0xb8;
	[tilespmem:$0xA350] =	vst v63  }
0x10b: {  	s29 =	rddreg [dreg:$0x6];
	s30 =	sadd.s32 $0x1B80, s28  }
0x10c: {  	[tilespmem:s29], [sflag:$0x1] =	stream.indirect.gather [hbm4b:s5+s12], $0x10, s30, s12, $0xb8;
	[tilespmem:$0xA350] =	vst v63  }
0x10d: {  	s31 =	rddreg [dreg:$0x7]  }
0x10e: {  	[tilespmem:s31], [sflag:$0x2] =	stream.indirect.gather [hbm4b:s4+s12], $0x1, s30, s12, $0xb8;
	[tilespmem:$0xA350] =	vst v63  }
0x10f: {  	s29 =	rddreg [dreg:$0x8];
	s30 =	sadd.s32 $0x1C00, s28  }
0x110: {  	[tilespmem:s29], [sflag:$0x1] =	stream.indirect.gather [hbm4b:s5+s12], $0x10, s30, s12, $0xb8;
	[tilespmem:$0xA350] =	vst v63  }
0x111: {  	s31 =	rddreg [dreg:$0x9]  }
0x112: {  	[tilespmem:s31], [sflag:$0x2] =	stream.indirect.gather [hbm4b:s4+s12], $0x1, s30, s12, $0xb8;
	[tilespmem:$0xA350] =	vst v63  }
0x113: {  	s29 =	rddreg [dreg:$0xa];
	s30 =	sadd.s32 $0x1C80, s28  }
0x114: {  	[tilespmem:s29], [sflag:$0x1] =	stream.indirect.gather [hbm4b:s5+s12], $0x10, s30, s12, $0xb8;
	[tilespmem:$0xA350] =	vst v63  }
0x115: {  	s31 =	rddreg [dreg:$0xb]  }
0x116: {  	[tilespmem:s31], [sflag:$0x2] =	stream.indirect.gather [hbm4b:s4+s12], $0x1, s30, s12, $0xb8;
	[tilespmem:$0xA350] =	vst v63  }
0x117: {  	s29 =	rddreg [dreg:$0xc];
	s30 =	sadd.s32 $0x1D00, s28  }
0x118: {  	[tilespmem:s29], [sflag:$0x1] =	stream.indirect.gather [hbm4b:s5+s12], $0x10, s30, s12, $0xb8;
	[tilespmem:$0xA350] =	vst v63  }
0x119: {  	s31 =	rddreg [dreg:$0xd]  }
0x11a: {  	[tilespmem:s31], [sflag:$0x2] =	stream.indirect.gather [hbm4b:s4+s12], $0x1, s30, s12, $0xb8;
	[tilespmem:$0xA350] =	vst v63  }
0x11b: {  	s29 =	rddreg [dreg:$0xe];
	s30 =	sadd.s32 $0x1D80, s28  }
0x11c: {  	[tilespmem:s29], [sflag:$0x1] =	stream.indirect.gather [hbm4b:s5+s12], $0x10, s30, s12, $0xb8;
	[tilespmem:$0xA350] =	vst v63  }
0x11d: {  	s31 =	rddreg [dreg:$0xf]  }
0x11e: {  	[tilespmem:s31], [sflag:$0x2] =	stream.indirect.gather [hbm4b:s4+s12], $0x1, s30, s12, $0xb8;
	[tilespmem:$0xA350] =	vst v63  }
0x11f: {  	s29 =	rddreg [dreg:$0x10];
	s30 =	sadd.s32 $0x1E00, s28  }
0x120: {  	[tilespmem:s29], [sflag:$0x1] =	stream.indirect.gather [hbm4b:s5+s12], $0x10, s30, s12, $0xb8;
	[tilespmem:$0xA350] =	vst v63  }
0x121: {  	s31 =	rddreg [dreg:$0x11]  }
0x122: {  	[tilespmem:s31], [sflag:$0x2] =	stream.indirect.gather [hbm4b:s4+s12], $0x1, s30, s12, $0xb8;
	[tilespmem:$0xA350] =	vst v63  }
0x123: {  	s29 =	rddreg [dreg:$0x12];
	s30 =	sadd.s32 $0x1E80, s28  }
0x124: {  	[tilespmem:s29], [sflag:$0x1] =	stream.indirect.gather [hbm4b:s5+s12], $0x10, s30, s12, $0xb8;
	[tilespmem:$0xA350] =	vst v63  }
0x125: {  	s31 =	rddreg [dreg:$0x13]  }
0x126: {  	[tilespmem:s31], [sflag:$0x2] =	stream.indirect.gather [hbm4b:s4+s12], $0x1, s30, s12, $0xb8;
	[tilespmem:$0xA350] =	vst v63  }
0x127: {  	s29 =	rddreg [dreg:$0x14];
	s31 =	sadd.s32 $0x1F00, s28  }
0x128: {  	[tilespmem:s29], [sflag:$0x1] =	stream.indirect.gather [hbm4b:s5+s12], $0x10, s31, s12, $0xb8;
	[tilespmem:$0xA350] =	vst v63  }
0x129: {  	_ = 	snop  }
0x12a: {  	[tilespmem:s15], [sflag:$0x2] =	stream.indirect.gather [hbm4b:s4+s12], $0x1, s31, s12, $0xb8;
	[tilespmem:$0xA350] =	vst v63  }
0x12b: {  	s29 =	sadd.s32 $0x1F80, s28  }
0x12c: {  	[tilespmem:s16], [sflag:$0x1] =	stream.indirect.gather [hbm4b:s5+s12], $0x10, s29, s12, $0xb8;
	[tilespmem:$0xA350] =	vst v63  }
0x12d: {  	_ = 	snop  }
0x12e: {  	[tilespmem:s17], [sflag:$0x2] =	stream.indirect.gather [hbm4b:s4+s12], $0x1, s29, s12, $0xb8;
	[tilespmem:$0xA350] =	vst v63  }
0x12f: {  	s28 =	sadd.s32 $0x2000, s28  }
0x130: {  	[tilespmem:s18], [sflag:$0x1] =	stream.indirect.gather [hbm4b:s5+s12], $0x10, s28, s12, $0xb8;
	[tilespmem:$0xA350] =	vst v63  }
0x131: {  	_ = 	snop  }
0x132: {  	[tilespmem:s19], [sflag:$0x2] =	stream.indirect.gather [hbm4b:s4+s12], $0x1, s28, s12, $0xb8;
	[tilespmem:$0xA350] =	vst v63  }
0x133: {  	_ =	swait.ge [sflag:s20], $0x800  }
0x134: {  	[sflag:s20] =	ssyncset.done $0x0  }
0x135: {  	[sflag:s20] =	ssyncadd.s32 $0xFFFFF800  }
0x136: {  	_ =	swait.ge [sflag:s21], $0x80  }
0x137: {  	[sflag:s21] =	ssyncset.done $0x0  }
0x138: {  	[sflag:s21] =	ssyncadd.s32 $0xFFFFFF80  }
0x139: {  	_ =	swait.ge [sflag:s20], $0x800  }
0x13a: {  	[sflag:s20] =	ssyncset.done $0x0  }
0x13b: {  	[sflag:s20] =	ssyncadd.s32 $0xFFFFF800  }
0x13c: {  	_ =	swait.ge [sflag:s21], $0x80  }
0x13d: {  	[sflag:s21] =	ssyncset.done $0x0  }
0x13e: {  	[sflag:s21] =	ssyncadd.s32 $0xFFFFFF80  }
0x13f: {  	_ =	swait.ge [sflag:s20], $0x800  }
0x140: {  	[sflag:s20] =	ssyncset.done $0x0  }
0x141: {  	[sflag:s20] =	ssyncadd.s32 $0xFFFFF800  }
0x142: {  	_ =	swait.ge [sflag:s21], $0x80  }
0x143: {  	[sflag:s21] =	ssyncset.done $0x0  }
0x144: {  	[sflag:s21] =	ssyncadd.s32 $0xFFFFFF80  }
0x145: {  	_ =	swait.ge [sflag:s20], $0x800  }
0x146: {  	[sflag:s20] =	ssyncset.done $0x0  }
0x147: {  	[sflag:s20] =	ssyncadd.s32 $0xFFFFF800  }
0x148: {  	_ =	swait.ge [sflag:s21], $0x80  }
0x149: {  	[sflag:s21] =	ssyncset.done $0x0  }
0x14a: {  	[sflag:s21] =	ssyncadd.s32 $0xFFFFFF80  }
0x14b: {  	_ =	swait.ge [sflag:s20], $0x800  }
0x14c: {  	[sflag:s20] =	ssyncset.done $0x0  }
0x14d: {  	[sflag:s20] =	ssyncadd.s32 $0xFFFFF800  }
0x14e: {  	_ =	swait.ge [sflag:s21], $0x80  }
0x14f: {  	[sflag:s21] =	ssyncset.done $0x0  }
0x150: {  	[sflag:s21] =	ssyncadd.s32 $0xFFFFFF80  }
0x151: {  	_ =	swait.ge [sflag:s20], $0x800  }
0x152: {  	[sflag:s20] =	ssyncset.done $0x0  }
0x153: {  	[sflag:s20] =	ssyncadd.s32 $0xFFFFF800  }
0x154: {  	_ =	swait.ge [sflag:s21], $0x80  }
0x155: {  	[sflag:s21] =	ssyncset.done $0x0  }
0x156: {  	[sflag:s21] =	ssyncadd.s32 $0xFFFFFF80  }
0x157: {  	_ =	swait.ge [sflag:s20], $0x800  }
0x158: {  	[sflag:s20] =	ssyncset.done $0x0  }
0x159: {  	[sflag:s20] =	ssyncadd.s32 $0xFFFFF800  }
0x15a: {  	_ =	swait.ge [sflag:s21], $0x80  }
0x15b: {  	[sflag:s21] =	ssyncset.done $0x0  }
0x15c: {  	[sflag:s21] =	ssyncadd.s32 $0xFFFFFF80  }
0x15d: {  	_ =	swait.ge [sflag:s20], $0x800  }
0x15e: {  	[sflag:s20] =	ssyncset.done $0x0  }
0x15f: {  	[sflag:s20] =	ssyncadd.s32 $0xFFFFF800  }
0x160: {  	_ =	swait.ge [sflag:s21], $0x80  }
0x161: {  	[sflag:s21] =	ssyncset.done $0x0  }
0x162: {  	[sflag:s21] =	ssyncadd.s32 $0xFFFFFF80  }
0x163: {  	_ =	swait.ge [sflag:s20], $0x800  }
0x164: {  	[sflag:s20] =	ssyncset.done $0x0  }
0x165: {  	[sflag:s20] =	ssyncadd.s32 $0xFFFFF800  }
0x166: {  	_ =	swait.ge [sflag:s21], $0x80  }
0x167: {  	[sflag:s21] =	ssyncset.done $0x0  }
0x168: {  	[sflag:s21] =	ssyncadd.s32 $0xFFFFFF80  }
0x169: {  	_ =	swait.ge [sflag:s20], $0x800  }
0x16a: {  	[sflag:s20] =	ssyncset.done $0x0  }
0x16b: {  	[sflag:s20] =	ssyncadd.s32 $0xFFFFF800  }
0x16c: {  	_ =	swait.ge [sflag:s21], $0x80  }
0x16d: {  	[sflag:s21] =	ssyncset.done $0x0  }
0x16e: {  	[sflag:s21] =	ssyncadd.s32 $0xFFFFFF80  }
0x16f: {  	_ =	swait.ge [sflag:s20], $0x800  }
0x170: {  	[sflag:s20] =	ssyncset.done $0x0  }
0x171: {  	[sflag:s20] =	ssyncadd.s32 $0xFFFFF800  }
0x172: {  	_ =	swait.ge [sflag:s21], $0x80  }
0x173: {  	[sflag:s21] =	ssyncset.done $0x0  }
0x174: {  	[sflag:s21] =	ssyncadd.s32 $0xFFFFFF80  }
0x175: {  	_ =	swait.ge [sflag:s20], $0x800  }
0x176: {  	[sflag:s20] =	ssyncset.done $0x0  }
0x177: {  	[sflag:s20] =	ssyncadd.s32 $0xFFFFF800  }
0x178: {  	_ =	swait.ge [sflag:s21], $0x80  }
0x179: {  	[sflag:s21] =	ssyncset.done $0x0  }
0x17a: {  	[sflag:s21] =	ssyncadd.s32 $0xFFFFFF80  }
0x17b: {  	_ =	swait.ge [sflag:s20], $0x800  }
0x17c: {  	[sflag:s20] =	ssyncset.done $0x0  }
0x17d: {  	[sflag:s20] =	ssyncadd.s32 $0xFFFFF800  }
0x17e: {  	_ =	swait.ge [sflag:s21], $0x80  }
0x17f: {  	[sflag:s21] =	ssyncset.done $0x0  }
0x180: {  	[sflag:s21] =	ssyncadd.s32 $0xFFFFFF80  }
0x181: {  	[hbm4b:s24+s2] =	stream.linear.scatter [tilespmem:s13], [sflag:$0x3], $0x6800, $0x38;
	[tilespmem:$0xA350] =	vst v63  }
0x182: {  	_ =	swait.ge [sflag:s10], $0x6800  }
.Ltmp1:
0x183: {  	[sflag:s10] =	ssyncset.done $0x0;
	(pc) =	sbr.rel @p0 .LBB2_4-.Ltmp1, $4  }
0x184: {  	[sflag:s10] =	ssyncadd.s32 $0xFFFF9800  }
0x185: {  	[hbm4b:s23+s2] =	stream.linear.scatter [tilespmem:s14], [sflag:$0x3], $0x680, $0x38;
	[tilespmem:$0xA350] =	vst v63  }
0x186: {  	s29 =	smov.u32 s25;
	s28 =	sshra.s32 s26, $0x2;
	_ =	swait.ge [sflag:s10], $0x680  }
0x187: {  	s24 =	sadd.s32 $0xD00, s24;
	s23 =	sadd.s32 $0xD0, s23;
	[sflag:s10] =	ssyncset.done $0x0  }
0x188: {  	s25 =	sadd.s32 $0x1A00, s28;
	[sflag:s10] =	ssyncadd.s32 $0xFFFFF980  }
0x189: {  	[tilespmem:s13], [sflag:$0x1] =	stream.indirect.gather [hbm4b:s5+s12], $0x10, s25, s12, $0xb8;
	[tilespmem:$0xA350] =	vst v63  }
0x18a: {  	_ = 	snop  }
0x18b: {  	[tilespmem:s14], [sflag:$0x2] =	stream.indirect.gather [hbm4b:s4+s12], $0x1, s25, s12, $0xb8;
	[tilespmem:$0xA350] =	vst v63  }
0x18c: {  	s26 =	rddreg [dreg:$0x2];
	s30 =	sadd.s32 $0x1A80, s28  }
0x18d: {  	[tilespmem:s26], [sflag:$0x1] =	stream.indirect.gather [hbm4b:s5+s12], $0x10, s30, s12, $0xb8;
	[tilespmem:$0xA350] =	vst v63  }
0x18e: {  	s29 =	rddreg [dreg:$0x3]  }
0x18f: {  	[tilespmem:s29], [sflag:$0x2] =	stream.indirect.gather [hbm4b:s4+s12], $0x1, s30, s12, $0xb8;
	[tilespmem:$0xA350] =	vst v63  }
0x190: {  	s31 =	rddreg [dreg:$0x4];
	s25 =	sadd.s32 $0x1B00, s28  }
0x191: {  	[tilespmem:s31], [sflag:$0x1] =	stream.indirect.gather [hbm4b:s5+s12], $0x10, s25, s12, $0xb8;
	[tilespmem:$0xA350] =	vst v63  }
0x192: {  	s30 =	rddreg [dreg:$0x5]  }
0x193: {  	[tilespmem:s30], [sflag:$0x2] =	stream.indirect.gather [hbm4b:s4+s12], $0x1, s25, s12, $0xb8;
	[tilespmem:$0xA350] =	vst v63  }
0x194: {  	s31 =	rddreg [dreg:$0x6];
	s25 =	sadd.s32 $0x1B80, s28  }
0x195: {  	[tilespmem:s31], [sflag:$0x1] =	stream.indirect.gather [hbm4b:s5+s12], $0x10, s25, s12, $0xb8;
	[tilespmem:$0xA350] =	vst v63  }
0x196: {  	s30 =	rddreg [dreg:$0x7]  }
0x197: {  	[tilespmem:s30], [sflag:$0x2] =	stream.indirect.gather [hbm4b:s4+s12], $0x1, s25, s12, $0xb8;
	[tilespmem:$0xA350] =	vst v63  }
0x198: {  	s31 =	rddreg [dreg:$0x8];
	s25 =	sadd.s32 $0x1C00, s28  }
0x199: {  	[tilespmem:s31], [sflag:$0x1] =	stream.indirect.gather [hbm4b:s5+s12], $0x10, s25, s12, $0xb8;
	[tilespmem:$0xA350] =	vst v63  }
0x19a: {  	s30 =	rddreg [dreg:$0x9]  }
0x19b: {  	[tilespmem:s30], [sflag:$0x2] =	stream.indirect.gather [hbm4b:s4+s12], $0x1, s25, s12, $0xb8;
	[tilespmem:$0xA350] =	vst v63  }
0x19c: {  	s31 =	rddreg [dreg:$0xa];
	s25 =	sadd.s32 $0x1C80, s28  }
0x19d: {  	[tilespmem:s31], [sflag:$0x1] =	stream.indirect.gather [hbm4b:s5+s12], $0x10, s25, s12, $0xb8;
	[tilespmem:$0xA350] =	vst v63  }
0x19e: {  	s30 =	rddreg [dreg:$0xb]  }
0x19f: {  	[tilespmem:s30], [sflag:$0x2] =	stream.indirect.gather [hbm4b:s4+s12], $0x1, s25, s12, $0xb8;
	[tilespmem:$0xA350] =	vst v63  }
0x1a0: {  	s31 =	rddreg [dreg:$0xc];
	s25 =	sadd.s32 $0x1D00, s28  }
0x1a1: {  	[tilespmem:s31], [sflag:$0x1] =	stream.indirect.gather [hbm4b:s5+s12], $0x10, s25, s12, $0xb8;
	[tilespmem:$0xA350] =	vst v63  }
0x1a2: {  	s30 =	rddreg [dreg:$0xd]  }
0x1a3: {  	[tilespmem:s30], [sflag:$0x2] =	stream.indirect.gather [hbm4b:s4+s12], $0x1, s25, s12, $0xb8;
	[tilespmem:$0xA350] =	vst v63  }
0x1a4: {  	s31 =	rddreg [dreg:$0xe];
	s25 =	sadd.s32 $0x1D80, s28  }
0x1a5: {  	[tilespmem:s31], [sflag:$0x1] =	stream.indirect.gather [hbm4b:s5+s12], $0x10, s25, s12, $0xb8;
	[tilespmem:$0xA350] =	vst v63  }
0x1a6: {  	s30 =	rddreg [dreg:$0xf]  }
0x1a7: {  	[tilespmem:s30], [sflag:$0x2] =	stream.indirect.gather [hbm4b:s4+s12], $0x1, s25, s12, $0xb8;
	[tilespmem:$0xA350] =	vst v63  }
0x1a8: {  	s31 =	rddreg [dreg:$0x10];
	s25 =	sadd.s32 $0x1E00, s28  }
0x1a9: {  	[tilespmem:s31], [sflag:$0x1] =	stream.indirect.gather [hbm4b:s5+s12], $0x10, s25, s12, $0xb8;
	[tilespmem:$0xA350] =	vst v63  }
0x1aa: {  	s30 =	rddreg [dreg:$0x11]  }
0x1ab: {  	[tilespmem:s30], [sflag:$0x2] =	stream.indirect.gather [hbm4b:s4+s12], $0x1, s25, s12, $0xb8;
	[tilespmem:$0xA350] =	vst v63  }
0x1ac: {  	s31 =	rddreg [dreg:$0x12];
	s25 =	sadd.s32 $0x1E80, s28  }
0x1ad: {  	[tilespmem:s31], [sflag:$0x1] =	stream.indirect.gather [hbm4b:s5+s12], $0x10, s25, s12, $0xb8;
	[tilespmem:$0xA350] =	vst v63  }
0x1ae: {  	s30 =	rddreg [dreg:$0x13]  }
0x1af: {  	[tilespmem:s30], [sflag:$0x2] =	stream.indirect.gather [hbm4b:s4+s12], $0x1, s25, s12, $0xb8;
	[tilespmem:$0xA350] =	vst v63  }
0x1b0: {  	s29 =	sadd.s32 $0x1F00, s28;
	s31 =	rddreg [dreg:$0x14]  }
0x1b1: {  	[tilespmem:s31], [sflag:$0x1] =	stream.indirect.gather [hbm4b:s5+s12], $0x10, s29, s12, $0xb8;
	[tilespmem:$0xA350] =	vst v63  }
0x1b2: {  	_ = 	snop  }
0x1b3: {  	[tilespmem:s15], [sflag:$0x2] =	stream.indirect.gather [hbm4b:s4+s12], $0x1, s29, s12, $0xb8;
	[tilespmem:$0xA350] =	vst v63  }
0x1b4: {  	s30 =	sadd.s32 $0x1F80, s28  }
0x1b5: {  	[tilespmem:s16], [sflag:$0x1] =	stream.indirect.gather [hbm4b:s5+s12], $0x10, s30, s12, $0xb8;
	[tilespmem:$0xA350] =	vst v63  }
0x1b6: {  	_ = 	snop  }
0x1b7: {  	[tilespmem:s17], [sflag:$0x2] =	stream.indirect.gather [hbm4b:s4+s12], $0x1, s30, s12, $0xb8;
	[tilespmem:$0xA350] =	vst v63  }
0x1b8: {  	s31 =	sadd.s32 $0x2000, s28  }
0x1b9: {  	[tilespmem:s18], [sflag:$0x1] =	stream.indirect.gather [hbm4b:s5+s12], $0x10, s31, s12, $0xb8;
	[tilespmem:$0xA350] =	vst v63  }
0x1ba: {  	_ = 	snop  }
0x1bb: {  	[tilespmem:s19], [sflag:$0x2] =	stream.indirect.gather [hbm4b:s4+s12], $0x1, s31, s12, $0xb8;
	[tilespmem:$0xA350] =	vst v63  }
0x1bc: {  	_ =	swait.ge [sflag:s20], $0x800  }
0x1bd: {  	[sflag:s20] =	ssyncset.done $0x0  }
0x1be: {  	[sflag:s20] =	ssyncadd.s32 $0xFFFFF800  }
0x1bf: {  	_ =	swait.ge [sflag:s21], $0x80  }
0x1c0: {  	[sflag:s21] =	ssyncset.done $0x0  }
0x1c1: {  	[sflag:s21] =	ssyncadd.s32 $0xFFFFFF80  }
0x1c2: {  	_ =	swait.ge [sflag:s20], $0x800  }
0x1c3: {  	[sflag:s20] =	ssyncset.done $0x0  }
0x1c4: {  	[sflag:s20] =	ssyncadd.s32 $0xFFFFF800  }
0x1c5: {  	_ =	swait.ge [sflag:s21], $0x80  }
0x1c6: {  	[sflag:s21] =	ssyncset.done $0x0  }
0x1c7: {  	[sflag:s21] =	ssyncadd.s32 $0xFFFFFF80  }
0x1c8: {  	_ =	swait.ge [sflag:s20], $0x800  }
0x1c9: {  	[sflag:s20] =	ssyncset.done $0x0  }
0x1ca: {  	[sflag:s20] =	ssyncadd.s32 $0xFFFFF800  }
0x1cb: {  	_ =	swait.ge [sflag:s21], $0x80  }
0x1cc: {  	[sflag:s21] =	ssyncset.done $0x0  }
0x1cd: {  	[sflag:s21] =	ssyncadd.s32 $0xFFFFFF80  }
0x1ce: {  	_ =	swait.ge [sflag:s20], $0x800  }
0x1cf: {  	[sflag:s20] =	ssyncset.done $0x0  }
0x1d0: {  	[sflag:s20] =	ssyncadd.s32 $0xFFFFF800  }
0x1d1: {  	_ =	swait.ge [sflag:s21], $0x80  }
0x1d2: {  	[sflag:s21] =	ssyncset.done $0x0  }
0x1d3: {  	[sflag:s21] =	ssyncadd.s32 $0xFFFFFF80  }
0x1d4: {  	_ =	swait.ge [sflag:s20], $0x800  }
0x1d5: {  	[sflag:s20] =	ssyncset.done $0x0  }
0x1d6: {  	[sflag:s20] =	ssyncadd.s32 $0xFFFFF800  }
0x1d7: {  	_ =	swait.ge [sflag:s21], $0x80  }
0x1d8: {  	[sflag:s21] =	ssyncset.done $0x0  }
0x1d9: {  	[sflag:s21] =	ssyncadd.s32 $0xFFFFFF80  }
0x1da: {  	_ =	swait.ge [sflag:s20], $0x800  }
0x1db: {  	[sflag:s20] =	ssyncset.done $0x0  }
0x1dc: {  	[sflag:s20] =	ssyncadd.s32 $0xFFFFF800  }
0x1dd: {  	_ =	swait.ge [sflag:s21], $0x80  }
0x1de: {  	[sflag:s21] =	ssyncset.done $0x0  }
0x1df: {  	[sflag:s21] =	ssyncadd.s32 $0xFFFFFF80  }
0x1e0: {  	_ =	swait.ge [sflag:s20], $0x800  }
0x1e1: {  	[sflag:s20] =	ssyncset.done $0x0  }
0x1e2: {  	[sflag:s20] =	ssyncadd.s32 $0xFFFFF800  }
0x1e3: {  	_ =	swait.ge [sflag:s21], $0x80  }
0x1e4: {  	[sflag:s21] =	ssyncset.done $0x0  }
0x1e5: {  	[sflag:s21] =	ssyncadd.s32 $0xFFFFFF80  }
0x1e6: {  	_ =	swait.ge [sflag:s20], $0x800  }
0x1e7: {  	[sflag:s20] =	ssyncset.done $0x0  }
0x1e8: {  	[sflag:s20] =	ssyncadd.s32 $0xFFFFF800  }
0x1e9: {  	_ =	swait.ge [sflag:s21], $0x80  }
0x1ea: {  	[sflag:s21] =	ssyncset.done $0x0  }
0x1eb: {  	[sflag:s21] =	ssyncadd.s32 $0xFFFFFF80  }
0x1ec: {  	_ =	swait.ge [sflag:s20], $0x800  }
0x1ed: {  	[sflag:s20] =	ssyncset.done $0x0  }
0x1ee: {  	[sflag:s20] =	ssyncadd.s32 $0xFFFFF800  }
0x1ef: {  	_ =	swait.ge [sflag:s21], $0x80  }
0x1f0: {  	[sflag:s21] =	ssyncset.done $0x0  }
0x1f1: {  	[sflag:s21] =	ssyncadd.s32 $0xFFFFFF80  }
0x1f2: {  	_ =	swait.ge [sflag:s20], $0x800  }
0x1f3: {  	[sflag:s20] =	ssyncset.done $0x0  }
0x1f4: {  	[sflag:s20] =	ssyncadd.s32 $0xFFFFF800  }
0x1f5: {  	_ =	swait.ge [sflag:s21], $0x80  }
0x1f6: {  	[sflag:s21] =	ssyncset.done $0x0  }
0x1f7: {  	[sflag:s21] =	ssyncadd.s32 $0xFFFFFF80  }
0x1f8: {  	_ =	swait.ge [sflag:s20], $0x800  }
0x1f9: {  	[sflag:s20] =	ssyncset.done $0x0  }
0x1fa: {  	[sflag:s20] =	ssyncadd.s32 $0xFFFFF800  }
0x1fb: {  	_ =	swait.ge [sflag:s21], $0x80  }
0x1fc: {  	[sflag:s21] =	ssyncset.done $0x0  }
0x1fd: {  	[sflag:s21] =	ssyncadd.s32 $0xFFFFFF80  }
0x1fe: {  	_ =	swait.ge [sflag:s20], $0x800  }
0x1ff: {  	[sflag:s20] =	ssyncset.done $0x0  }
0x200: {  	[sflag:s20] =	ssyncadd.s32 $0xFFFFF800  }
0x201: {  	_ =	swait.ge [sflag:s21], $0x80  }
0x202: {  	[sflag:s21] =	ssyncset.done $0x0  }
0x203: {  	[sflag:s21] =	ssyncadd.s32 $0xFFFFFF80  }
0x204: {  	_ =	swait.ge [sflag:s20], $0x800  }
0x205: {  	[sflag:s20] =	ssyncset.done $0x0  }
0x206: {  	[sflag:s20] =	ssyncadd.s32 $0xFFFFF800  }
0x207: {  	_ =	swait.ge [sflag:s21], $0x80  }
0x208: {  	[sflag:s21] =	ssyncset.done $0x0  }
0x209: {  	[sflag:s21] =	ssyncadd.s32 $0xFFFFFF80  }
0x20a: {  	[hbm4b:s24+s2] =	stream.linear.scatter [tilespmem:s13], [sflag:$0x3], $0x6800, $0x38;
	[tilespmem:$0xA350] =	vst v63  }
0x20b: {  	s22 =	sadd.s32 $0x1, s22;
	_ =	swait.ge [sflag:s10], $0x6800  }
0x20c: {  	p0 =	sne.s32 s22, s7;
	[sflag:s10] =	ssyncset.done $0x0  }
.Ltmp2:
0x20d: {  	[sflag:s10] =	ssyncadd.s32 $0xFFFF9800;
	(pc) =	sbr.rel @p0 .LBB2_1-.Ltmp2, $4  }
0x20e: {  	[hbm4b:s23+s2] =	stream.linear.scatter [tilespmem:s14], [sflag:$0x3], $0x680, $0x38;
	[tilespmem:$0xA350] =	vst v63  }
0x20f: {  	_ =	swait.ge [sflag:s10], $0x680  }
0x210: {  	[sflag:s10] =	ssyncset.done $0x0  }
0x211: {  	[sflag:s10] =	ssyncadd.s32 $0xFFFFF980  }
0x212: {  	_ =	sfence.sel $0x180000  }
0x213: {  	[bflag:$0x0] =	sbarrier.arrive $0xFFFF  }
0x214: {  	p0 =	sne.s32 s0, $0x0;
	_ =	strace $0x9000004A  }
0x215: {  	s0 =	sadd.s32 @!p0 $0x100000, s1;
	[bflag:$0x2] =	sbarrier.arrive $0xFFFF  }
0x216: {  	[sflag:s0] =	ssyncadd.tile.s32 @!p0 $0x1;
	_ =	shalt  }
.Lfunc_end2:
_tile_overlayer_lowered:
.L_overlay_start_2:
0x217: {  	(tag) =	ssettag $0x2  }
0x218: {  	s0 =	rddreg [dreg:$0x0];
	s2 =	stileid.u32  }
0x219: {  	s1 =	rddreg [dreg:$0x1];
	p0 =	sne.s32 s2, $0x0  }
0x21a: {  	s3 =	rddreg [dreg:$0x2];
	[bflag:$0x3] =	sbarrier.arrive $0xFFFF;
	s2 =	simm.s32 @!p0 $0x1C03  }
0x21b: {  	[timem:s3], [sflag:s2] =	dma.local @!p0 [hbm:s0], s1  }
0x21c: {  	s0 =	simm.s32 @!p0 $0x3  }
0x21d: {  	_ =	swait.ge @!p0 [sflag:s0], s1  }
0x21e: {  	s1 =	ssub.s32 @!p0 $0x0, s1;
	[sflag:s0] =	ssyncset.done @!p0 $0x0  }
0x21f: {  	[sflag:s0] =	ssyncadd.s32 @!p0 s1  }
0x220: {  	[bflag:$0x3] =	sbarrier.arrive $0xFFFF  }
0x221: {  	_ =	shalt  }

</sc_bundles>
